<compile_context>
chip_gen: v7x
topology: tpu7x:2x2x1
jax: 0.10.2.dev20260603
libtpu: 0.0.44.dev20260713+nightly
codegen_flags: <defaults>
</compile_context>

<pallas_src>
import functools

import jax
import jax.numpy as jnp
from jax import lax
from jax.experimental import pallas as pl
from jax.experimental.pallas import tpu as pltpu
from jax.experimental.pallas import tpu_sc as plsc

_NC = 2
_NS = 16
_NW = _NC * _NS


def _sc_edge_scatter(table, ei, gather_row, n_rows_out, n_edges, batch):
    d = table.shape[1]
    scatter_row = 1 - gather_row
    e_per_w = n_edges // _NW
    n_iter = e_per_w // batch
    n_chunks = 5
    n_sub = n_iter // n_chunks
    rows_per_tile = -(-n_rows_out // (_NS * 8)) * 8
    n_pad = rows_per_tile * _NS

    mesh = plsc.VectorSubcoreMesh(core_axis_name="c", subcore_axis_name="s")

    nbuf = 4
    n_trip = n_sub // nbuf
    scratch = [
        pltpu.VMEM((n_sub, batch), jnp.int32),
        pltpu.VMEM((n_sub, batch), jnp.int32),
    ] + [pltpu.VMEM((batch, d), jnp.float32) for _ in range(nbuf)] + [
        pltpu.VMEM_SHARED((n_pad, d), jnp.float32),
    ] + [pltpu.SemaphoreType.DMA for _ in range(nbuf)]

    @functools.partial(
        pl.kernel,
        out_type=jax.ShapeDtypeStruct((_NC, n_pad, d), jnp.float32),
        mesh=mesh,
        scratch_types=scratch,
    )
    def k(table_hbm, ei_hbm, zeros_hbm, out_hbm,
          gi_v, si_v, rows0, rows1, rows2, rows3, acc_sh, sem0, sem1, sem2, sem3):
        rows = (rows0, rows1, rows2, rows3)
        sems = (sem0, sem1, sem2, sem3)
        c = lax.axis_index("c")
        s = lax.axis_index("s")
        wid = s * _NC + c

        r0 = s * rows_per_tile
        pltpu.sync_copy(zeros_hbm.at[pl.ds(r0, rows_per_tile)],
                        acc_sh.at[pl.ds(r0, rows_per_tile)])
        plsc.subcore_barrier()

        def chunk(u, carry):
            pltpu.sync_copy(ei_hbm.at[gather_row, wid, u], gi_v)
            pltpu.sync_copy(ei_hbm.at[scatter_row, wid, u], si_v)
            for b in range(nbuf):
                pltpu.async_copy(table_hbm.at[gi_v.at[b]], rows[b], sems[b])

            def body(t, c2):
                j0 = t * nbuf
                for b in range(nbuf):
                    j = j0 + b
                    pltpu.make_async_copy(table_hbm.at[gi_v.at[0]], rows[b], sems[b]).wait()
                    pltpu.sync_copy(rows[b], acc_sh.at[si_v.at[j]], add=True)
                    jn = j + nbuf

                    @pl.when(jn < n_sub)
                    def _():
                        pltpu.async_copy(table_hbm.at[gi_v.at[jn]], rows[b], sems[b])
                return c2

            lax.fori_loop(0, n_trip, body, 0)
            for b in range(nbuf):
                j = n_trip * nbuf + b
                if j < n_sub:
                    pltpu.make_async_copy(table_hbm.at[gi_v.at[0]], rows[b], sems[b]).wait()
                    pltpu.sync_copy(rows[b], acc_sh.at[si_v.at[j]], add=True)
            return carry

        lax.fori_loop(0, n_chunks, chunk, 0)
        plsc.subcore_barrier()

        pltpu.sync_copy(acc_sh.at[pl.ds(r0, rows_per_tile)],
                        out_hbm.at[c, pl.ds(r0, rows_per_tile)])

    return k(table, ei.reshape(2, _NW, n_chunks, n_sub, batch),
             jnp.zeros((n_pad, d), jnp.float32))


def _tc_linear(x, w, b, block_rows):
    r, d = x.shape

    def body(x_ref, w_ref, b_ref, o_ref):
        o_ref[...] = (
            jnp.dot(x_ref[...], w_ref[...].T, preferred_element_type=jnp.float32)
            + b_ref[...]
        )

    return pl.pallas_call(
        body,
        grid=(r // block_rows,),
        in_specs=[
            pl.BlockSpec((block_rows, d), lambda i: (i, 0)),
            pl.BlockSpec((d, d), lambda i: (0, 0)),
            pl.BlockSpec((1, d), lambda i: (0, 0)),
        ],
        out_specs=pl.BlockSpec((block_rows, d), lambda i: (i, 0)),
        out_shape=jax.ShapeDtypeStruct((r, d), jnp.float32),
    )(x, w, b.reshape(1, d))


def _tc_fuse(acc, x_m, a1, a2, a3, bias, block_rows):
    m, d = x_m.shape
    d_out = a1.shape[1]

    def body(acc_ref, xm_ref, bd_ref, a1_ref, a2_ref, a3_ref, b_ref, o_ref):
        i = pl.program_id(0)
        hs = acc_ref[0] + acc_ref[1]
        xm = xm_ref[...]
        first = jnp.where(i == 0, 0.0, bd_ref[7:8, :])
        ag = jnp.concatenate([first, xm[:-1, :]], axis=0)
        o_ref[...] = (
            jnp.dot(hs, a1_ref[...], preferred_element_type=jnp.float32)
            + jnp.dot(xm, a2_ref[...], preferred_element_type=jnp.float32)
            + jnp.dot(ag, a3_ref[...], preferred_element_type=jnp.float32)
            + b_ref[...]
        )

    return pl.pallas_call(
        body,
        grid=(m // block_rows,),
        in_specs=[
            pl.BlockSpec((2, block_rows, d), lambda i: (0, i, 0)),
            pl.BlockSpec((block_rows, d), lambda i: (i, 0)),
            pl.BlockSpec((8, d), lambda i: (jnp.maximum(i * (block_rows // 8) - 1, 0), 0)),
            pl.BlockSpec((d, d_out), lambda i: (0, 0)),
            pl.BlockSpec((d, d_out), lambda i: (0, 0)),
            pl.BlockSpec((d, d_out), lambda i: (0, 0)),
            pl.BlockSpec((1, d_out), lambda i: (0, 0)),
        ],
        out_specs=pl.BlockSpec((block_rows, d_out), lambda i: (i, 0)),
        out_shape=jax.ShapeDtypeStruct((m, d_out), jnp.float32),
    )(acc, x_m, x_m, a1, a2, a3, bias.reshape(1, d_out))


def _tc_sum_partials(p, r, block_rows):
    d = p.shape[2]

    def body(p_ref, o_ref):
        o_ref[...] = p_ref[0] + p_ref[1]

    return pl.pallas_call(
        body,
        grid=(r // block_rows,),
        in_specs=[pl.BlockSpec((2, block_rows, d), lambda i: (0, i, 0))],
        out_specs=pl.BlockSpec((block_rows, d), lambda i: (i, 0)),
        out_shape=jax.ShapeDtypeStruct((r, d), jnp.float32),
    )(p)


def kernel(x_metrical, x, edge_index, batch, W_neigh, b_neigh, W_l, b_l, W_r,
           W_out, b_out, bn_weight, bn_bias):
    m, d = x_metrical.shape
    n = x.shape[0]
    e = edge_index.shape[1]

    ei = edge_index.astype(jnp.int32)

    h_neigh = _tc_linear(x, W_neigh, b_neigh, block_rows=5000)

    acc = _sc_edge_scatter(h_neigh, ei, 0, m, e, batch=80)

    inv = (1.0 + 1e-5) ** -0.5
    sc = (bn_weight * inv)[None, :]
    wo3t = W_out[:, 2 * d:].T
    a1 = W_out[:, :d].T * sc
    a2 = (W_out[:, d:2 * d].T + W_r.T @ wo3t) * sc
    a3 = (W_l.T @ wo3t) * sc
    bias = (b_l @ wo3t + b_out) * sc[0] + bn_bias
    h = _tc_fuse(acc, x_metrical, a1, a2, a3, bias, block_rows=5000)

    part = _sc_edge_scatter(h, ei, 1, n, e, batch=80)

    return _tc_sum_partials(part, n, block_rows=5000)

# --- scband reference (transcript-rebuilt; emitter-appended) ---
"""Pipeline reference for scband-metrical-conv-layer-12807592477327 (READ-ONLY COPY).

The authoritative reference and input builder live on the scoring server;
editing this copy changes nothing except your own understanding.
"""

import jax, jax.numpy as jnp
import numpy as np

N = 10000   # nodes in x
M = 10000   # metrical nodes in x_metrical
E = 320000  # edges
D_IN = 128
D_OUT = 128


def setup_inputs(seed: int = 0) -> dict:
    key = jax.random.key(seed)
    ks = jax.random.split(key, 14)
    inp = {}
    inp["x_metrical"] = jax.random.normal(ks[0], (M, D_IN), dtype=jnp.float32)
    inp["x"] = jax.random.normal(ks[1], (N, D_IN), dtype=jnp.float32)
    src = jax.random.randint(ks[2], (E,), 0, N)
    dst = jax.random.randint(ks[3], (E,), 0, M)
    inp["edge_index"] = jnp.stack([src, dst], axis=0)
    inp["batch"] = jnp.zeros((M,), dtype=jnp.int32)  # all-equal -> chain seq_index branch
    s1 = 1.0 / np.sqrt(D_IN)
    s3 = 1.0 / np.sqrt(3 * D_IN)
    # self.neigh: Linear(in_dim, in_dim)
    inp["W_neigh"] = jax.random.uniform(ks[4], (D_IN, D_IN), minval=-s1, maxval=s1, dtype=jnp.float32)
    inp["b_neigh"] = jax.random.uniform(ks[5], (D_IN,), minval=-s1, maxval=s1, dtype=jnp.float32)
    # SAGEConv(in_dim, in_dim, aggr='add'): lin_l (with bias) on aggregated neighbors, lin_r (no bias) on self
    inp["W_l"] = jax.random.uniform(ks[6], (D_IN, D_IN), minval=-s1, maxval=s1, dtype=jnp.float32)
    inp["b_l"] = jax.random.uniform(ks[7], (D_IN,), minval=-s1, maxval=s1, dtype=jnp.float32)
    inp["W_r"] = jax.random.uniform(ks[8], (D_IN, D_IN), minval=-s1, maxval=s1, dtype=jnp.float32)
    # self.conv_out: Linear(3*in_dim, out_dim)
    inp["W_out"] = jax.random.uniform(ks[9], (D_OUT, 3 * D_IN), minval=-s3, maxval=s3, dtype=jnp.float32)
    inp["b_out"] = jax.random.uniform(ks[10], (D_OUT,), minval=-s3, maxval=s3, dtype=jnp.float32)
    # BatchNorm1d affine params (eval mode: running_mean=0, running_var=1)
    inp["bn_weight"] = jnp.ones((D_OUT,), dtype=jnp.float32)
    inp["bn_bias"] = jnp.zeros((D_OUT,), dtype=jnp.float32)
    return inp


def reference(x_metrical, x, edge_index, batch, W_neigh, b_neigh, W_l, b_l, W_r, W_out, b_out, bn_weight, bn_bias):
    Mloc = x_metrical.shape[0]
    Nloc = x.shape[0]
    # batch is all-equal -> seq_index is a forward chain 0->1->...->M-1 (first branch of forward)
    seq_src = jnp.arange(0, Mloc - 1)
    seq_dst = jnp.arange(1, Mloc)
    # h_neigh = self.neigh(x)
    h_neigh = x @ W_neigh.T + b_neigh
    # h_scatter = scatter_add(h_neigh[edge_index[0]], edge_index[1], dim_size=M)
    h_scatter = jnp.zeros((Mloc, h_neigh.shape[1]), dtype=h_neigh.dtype).at[edge_index[1]].add(h_neigh[edge_index[0]])
    # h_seq = SAGEConv(x_metrical, seq_index) with aggr='add'
    agg = jnp.zeros_like(x_metrical).at[seq_dst].add(x_metrical[seq_src])
    h_seq = agg @ W_l.T + b_l + x_metrical @ W_r.T
    # h = conv_out(cat([h_scatter, x_metrical, h_seq], dim=1))
    h = jnp.concatenate([h_scatter, x_metrical, h_seq], axis=1)
    h = h @ W_out.T + b_out
    # activation = Identity; BatchNorm1d in eval mode (running_mean=0, running_var=1); dropout = identity in eval
    h = h / jnp.sqrt(1.0 + 1e-5) * bn_weight + bn_bias
    # out = scatter_add(h[edge_index[1]], edge_index[0], dim_size=N)
    out = jnp.zeros((Nloc, h.shape[1]), dtype=h.dtype).at[edge_index[0]].add(h[edge_index[1]])
    return out

if __name__ == "__main__":
    import jax
    _d = setup_inputs()
    print(jax.jit(kernel)(*tuple(_d.values())))

</pallas_src>

<mosaic_0001>
#map = affine_map<(d0, d1) -> (0, 0)>
#map1 = affine_map<(d0, d1) -> (0, 0, 0, 0, 0)>
#map2 = affine_map<(d0, d1) -> (0, 0, 0)>
module attributes {stable_mosaic.version = 14 : i64} {
  func.func @k(%arg0: i32, %arg1: i32, %arg2: memref<10000x128xf32, #tpu.memory_space<hbm>>, %arg3: memref<2x32x5x25x80xi32, #tpu.memory_space<hbm>>, %arg4: memref<10112x128xf32, #tpu.memory_space<hbm>>, %arg5: memref<2x10112x128xf32, #tpu.memory_space<hbm>>, %arg6: memref<25x80xi32, #tpu.memory_space<vmem>>, %arg7: memref<25x80xi32, #tpu.memory_space<vmem>>, %arg8: memref<80x128xf32, #tpu.memory_space<vmem>>, %arg9: memref<80x128xf32, #tpu.memory_space<vmem>>, %arg10: memref<80x128xf32, #tpu.memory_space<vmem>>, %arg11: memref<80x128xf32, #tpu.memory_space<vmem>>, %arg12: memref<10112x128xf32, #tpu.memory_space<vmem_shared>>, %arg13: memref<!tpu.dma_semaphore, #tpu.memory_space<semaphore_mem>>, %arg14: memref<!tpu.dma_semaphore, #tpu.memory_space<semaphore_mem>>, %arg15: memref<!tpu.dma_semaphore, #tpu.memory_space<semaphore_mem>>, %arg16: memref<!tpu.dma_semaphore, #tpu.memory_space<semaphore_mem>>) attributes {dimension_semantics = [#tpu.dimension_semantics<core_parallel>, #tpu.dimension_semantics<subcore_parallel>], iteration_bounds = array<i64: 2, 16>, scalar_prefetch = 0 : i64, scratch_operands = 11 : i64, tpu.core_type = #tpu.core_type<sc_vector_subcore>, window_params = [{transform_indices = #map}, {transform_indices = #map1}, {transform_indices = #map}, {transform_indices = #map2}]} {
    %mul3A = arith.constant 2 : i32
    %mul3A_0 = arith.muli %arg1, %mul3A : i32
    %add3A = arith.addi %mul3A_0, %arg0 : i32
    %mul3A_1 = arith.constant 632 : i32
    %mul3A_2 = arith.muli %arg1, %mul3A_1 : i32
    "tpu.region"() ({
      %run_scoped3A = tpu.sem_alloc : memref<!tpu.dma_semaphore, #tpu.memory_space<semaphore_mem>>
      %dma_start3A = arith.constant 0 : i32
      %dma_start3A_9 = tpu.memref_slice %arg12[%mul3A_2, %dma_start3A] : memref<10112x128xf32, #tpu.memory_space<vmem_shared>> -> memref<632x128xf32, #tpu.memory_space<vmem_shared>>
      %dma_start3A_10 = arith.constant 0 : i32
      %dma_start3A_11 = tpu.memref_slice %arg4[%mul3A_2, %dma_start3A_10] : memref<10112x128xf32, #tpu.memory_space<hbm>> -> memref<632x128xf32, #tpu.memory_space<hbm>>
      tpu.enqueue_dma source(%dma_start3A_11 : memref<632x128xf32, #tpu.memory_space<hbm>>) target(%dma_start3A_9 : memref<632x128xf32, #tpu.memory_space<vmem_shared>>) target_semaphore(%run_scoped3A : memref<!tpu.dma_semaphore, #tpu.memory_space<semaphore_mem>>)
      %dma_wait3A = arith.constant 0 : i32
      %dma_wait3A_12 = tpu.memref_slice %arg12[%mul3A_2, %dma_wait3A] : memref<10112x128xf32, #tpu.memory_space<vmem_shared>> -> memref<632x128xf32, #tpu.memory_space<vmem_shared>>
      %dma_wait3A_13 = arith.constant 0 : i32
      %dma_wait3A_14 = tpu.memref_slice %arg4[%mul3A_2, %dma_wait3A_13] : memref<10112x128xf32, #tpu.memory_space<hbm>> -> memref<632x128xf32, #tpu.memory_space<hbm>>
      tpu.wait_dma2 semaphore(%run_scoped3A : memref<!tpu.dma_semaphore, #tpu.memory_space<semaphore_mem>>) src(%dma_wait3A_14 : memref<632x128xf32, #tpu.memory_space<hbm>>) dst(%dma_wait3A_12 : memref<632x128xf32, #tpu.memory_space<vmem_shared>>)
      tpu.yield
    }) : () -> ()
    %barrier3A = arith.constant 0 : index
    tpu.barrier barrier_id(%barrier3A)
    %scan3A = arith.constant 0 : i32
    %scan3A_3 = arith.constant 0 : i32
    %scan3A_4 = arith.constant 5 : i32
    %scan3A_5 = arith.addi %scan3A_3, %scan3A_4 : i32
    %scan3A_6 = arith.constant 1 : i32
    scf.for %scan3A_9 = %scan3A_3 to %scan3A_5 step %scan3A_6  : i32 {
      %run_scoped3A = arith.constant 0 : i32
      "tpu.region"() ({
        %run_scoped3A_51 = tpu.sem_alloc : memref<!tpu.dma_semaphore, #tpu.memory_space<semaphore_mem>>
        %dma_start3A_52 = arith.constant 0 : i32
        %dma_start3A_53 = arith.constant 0 : i32
        %dma_start3A_54 = tpu.memref_slice %arg3[%run_scoped3A, %add3A, %scan3A_9, %dma_start3A_52, %dma_start3A_53] : memref<2x32x5x25x80xi32, #tpu.memory_space<hbm>> -> memref<1x1x1x25x80xi32, #tpu.memory_space<hbm>>
        %dma_start3A_55 = tpu.memref_squeeze %dma_start3A_54 : memref<1x1x1x25x80xi32, #tpu.memory_space<hbm>> -> memref<25x80xi32, #tpu.memory_space<hbm>>
        %dma_start3A_56 = arith.constant 0 : i32
        %dma_start3A_57 = arith.constant 0 : i32
        %dma_start3A_58 = tpu.memref_slice %arg3[%run_scoped3A, %add3A, %scan3A_9, %dma_start3A_56, %dma_start3A_57] : memref<2x32x5x25x80xi32, #tpu.memory_space<hbm>> -> memref<1x1x1x25x80xi32, #tpu.memory_space<hbm>>
        %dma_start3A_59 = tpu.memref_squeeze %dma_start3A_58 : memref<1x1x1x25x80xi32, #tpu.memory_space<hbm>> -> memref<25x80xi32, #tpu.memory_space<hbm>>
        tpu.enqueue_dma source(%dma_start3A_59 : memref<25x80xi32, #tpu.memory_space<hbm>>) target(%arg6 : memref<25x80xi32, #tpu.memory_space<vmem>>) target_semaphore(%run_scoped3A_51 : memref<!tpu.dma_semaphore, #tpu.memory_space<semaphore_mem>>)
        %dma_wait3A_60 = arith.constant 0 : i32
        %dma_wait3A_61 = arith.constant 0 : i32
        %dma_wait3A_62 = tpu.memref_slice %arg3[%run_scoped3A, %add3A, %scan3A_9, %dma_wait3A_60, %dma_wait3A_61] : memref<2x32x5x25x80xi32, #tpu.memory_space<hbm>> -> memref<1x1x1x25x80xi32, #tpu.memory_space<hbm>>
        %dma_wait3A_63 = tpu.memref_squeeze %dma_wait3A_62 : memref<1x1x1x25x80xi32, #tpu.memory_space<hbm>> -> memref<25x80xi32, #tpu.memory_space<hbm>>
        %dma_wait3A_64 = arith.constant 0 : i32
        %dma_wait3A_65 = arith.constant 0 : i32
        %dma_wait3A_66 = tpu.memref_slice %arg3[%run_scoped3A, %add3A, %scan3A_9, %dma_wait3A_64, %dma_wait3A_65] : memref<2x32x5x25x80xi32, #tpu.memory_space<hbm>> -> memref<1x1x1x25x80xi32, #tpu.memory_space<hbm>>
        %dma_wait3A_67 = tpu.memref_squeeze %dma_wait3A_66 : memref<1x1x1x25x80xi32, #tpu.memory_space<hbm>> -> memref<25x80xi32, #tpu.memory_space<hbm>>
        tpu.wait_dma2 semaphore(%run_scoped3A_51 : memref<!tpu.dma_semaphore, #tpu.memory_space<semaphore_mem>>) src(%dma_wait3A_67 : memref<25x80xi32, #tpu.memory_space<hbm>>) dst(%arg6 : memref<25x80xi32, #tpu.memory_space<vmem>>)
        tpu.yield
      }) : () -> ()
      %run_scoped3A_10 = arith.constant 1 : i32
      "tpu.region"() ({
        %run_scoped3A_51 = tpu.sem_alloc : memref<!tpu.dma_semaphore, #tpu.memory_space<semaphore_mem>>
        %dma_start3A_52 = arith.constant 0 : i32
        %dma_start3A_53 = arith.constant 0 : i32
        %dma_start3A_54 = tpu.memref_slice %arg3[%run_scoped3A_10, %add3A, %scan3A_9, %dma_start3A_52, %dma_start3A_53] : memref<2x32x5x25x80xi32, #tpu.memory_space<hbm>> -> memref<1x1x1x25x80xi32, #tpu.memory_space<hbm>>
        %dma_start3A_55 = tpu.memref_squeeze %dma_start3A_54 : memref<1x1x1x25x80xi32, #tpu.memory_space<hbm>> -> memref<25x80xi32, #tpu.memory_space<hbm>>
        %dma_start3A_56 = arith.constant 0 : i32
        %dma_start3A_57 = arith.constant 0 : i32
        %dma_start3A_58 = tpu.memref_slice %arg3[%run_scoped3A_10, %add3A, %scan3A_9, %dma_start3A_56, %dma_start3A_57] : memref<2x32x5x25x80xi32, #tpu.memory_space<hbm>> -> memref<1x1x1x25x80xi32, #tpu.memory_space<hbm>>
        %dma_start3A_59 = tpu.memref_squeeze %dma_start3A_58 : memref<1x1x1x25x80xi32, #tpu.memory_space<hbm>> -> memref<25x80xi32, #tpu.memory_space<hbm>>
        tpu.enqueue_dma source(%dma_start3A_59 : memref<25x80xi32, #tpu.memory_space<hbm>>) target(%arg7 : memref<25x80xi32, #tpu.memory_space<vmem>>) target_semaphore(%run_scoped3A_51 : memref<!tpu.dma_semaphore, #tpu.memory_space<semaphore_mem>>)
        %dma_wait3A_60 = arith.constant 0 : i32
        %dma_wait3A_61 = arith.constant 0 : i32
        %dma_wait3A_62 = tpu.memref_slice %arg3[%run_scoped3A_10, %add3A, %scan3A_9, %dma_wait3A_60, %dma_wait3A_61] : memref<2x32x5x25x80xi32, #tpu.memory_space<hbm>> -> memref<1x1x1x25x80xi32, #tpu.memory_space<hbm>>
        %dma_wait3A_63 = tpu.memref_squeeze %dma_wait3A_62 : memref<1x1x1x25x80xi32, #tpu.memory_space<hbm>> -> memref<25x80xi32, #tpu.memory_space<hbm>>
        %dma_wait3A_64 = arith.constant 0 : i32
        %dma_wait3A_65 = arith.constant 0 : i32
        %dma_wait3A_66 = tpu.memref_slice %arg3[%run_scoped3A_10, %add3A, %scan3A_9, %dma_wait3A_64, %dma_wait3A_65] : memref<2x32x5x25x80xi32, #tpu.memory_space<hbm>> -> memref<1x1x1x25x80xi32, #tpu.memory_space<hbm>>
        %dma_wait3A_67 = tpu.memref_squeeze %dma_wait3A_66 : memref<1x1x1x25x80xi32, #tpu.memory_space<hbm>> -> memref<25x80xi32, #tpu.memory_space<hbm>>
        tpu.wait_dma2 semaphore(%run_scoped3A_51 : memref<!tpu.dma_semaphore, #tpu.memory_space<semaphore_mem>>) src(%dma_wait3A_67 : memref<25x80xi32, #tpu.memory_space<hbm>>) dst(%arg7 : memref<25x80xi32, #tpu.memory_space<vmem>>)
        tpu.yield
      }) : () -> ()
      %dma_start3A = arith.constant 0 : i32
      %dma_start3A_11 = arith.constant 0 : i32
      %dma_start3A_12 = tpu.memref_slice %arg6[%dma_start3A, %dma_start3A_11] : memref<25x80xi32, #tpu.memory_space<vmem>> -> memref<1x80xi32, #tpu.memory_space<vmem>>
      %dma_start3A_13 = tpu.memref_squeeze %dma_start3A_12 : memref<1x80xi32, #tpu.memory_space<vmem>> -> memref<80xi32, #tpu.memory_space<vmem>>
      %dma_start3A_14 = arith.constant 0 : i32
      %dma_start3A_15 = arith.constant 0 : i32
      %dma_start3A_16 = tpu.memref_slice %arg2[%dma_start3A_14, %dma_start3A_15] : memref<10000x128xf32, #tpu.memory_space<hbm>> -> memref<10000x128xf32, #tpu.memory_space<hbm>>
      tpu.enqueue_indirect_dma source(%dma_start3A_16 : memref<10000x128xf32, #tpu.memory_space<hbm>>) target(%arg8 : memref<80x128xf32, #tpu.memory_space<vmem>>) offsets(%dma_start3A_13 : memref<80xi32, #tpu.memory_space<vmem>>) semaphore(%arg13 : memref<!tpu.dma_semaphore, #tpu.memory_space<semaphore_mem>>)
      %dma_start3A_17 = arith.constant 1 : i32
      %dma_start3A_18 = arith.constant 0 : i32
      %dma_start3A_19 = tpu.memref_slice %arg6[%dma_start3A_17, %dma_start3A_18] : memref<25x80xi32, #tpu.memory_space<vmem>> -> memref<1x80xi32, #tpu.memory_space<vmem>>
      %dma_start3A_20 = tpu.memref_squeeze %dma_start3A_19 : memref<1x80xi32, #tpu.memory_space<vmem>> -> memref<80xi32, #tpu.memory_space<vmem>>
      %dma_start3A_21 = arith.constant 0 : i32
      %dma_start3A_22 = arith.constant 0 : i32
      %dma_start3A_23 = tpu.memref_slice %arg2[%dma_start3A_21, %dma_start3A_22] : memref<10000x128xf32, #tpu.memory_space<hbm>> -> memref<10000x128xf32, #tpu.memory_space<hbm>>
      tpu.enqueue_indirect_dma source(%dma_start3A_23 : memref<10000x128xf32, #tpu.memory_space<hbm>>) target(%arg9 : memref<80x128xf32, #tpu.memory_space<vmem>>) offsets(%dma_start3A_20 : memref<80xi32, #tpu.memory_space<vmem>>) semaphore(%arg14 : memref<!tpu.dma_semaphore, #tpu.memory_space<semaphore_mem>>)
      %dma_start3A_24 = arith.constant 2 : i32
      %dma_start3A_25 = arith.constant 0 : i32
      %dma_start3A_26 = tpu.memref_slice %arg6[%dma_start3A_24, %dma_start3A_25] : memref<25x80xi32, #tpu.memory_space<vmem>> -> memref<1x80xi32, #tpu.memory_space<vmem>>
      %dma_start3A_27 = tpu.memref_squeeze %dma_start3A_26 : memref<1x80xi32, #tpu.memory_space<vmem>> -> memref<80xi32, #tpu.memory_space<vmem>>
      %dma_start3A_28 = arith.constant 0 : i32
      %dma_start3A_29 = arith.constant 0 : i32
      %dma_start3A_30 = tpu.memref_slice %arg2[%dma_start3A_28, %dma_start3A_29] : memref<10000x128xf32, #tpu.memory_space<hbm>> -> memref<10000x128xf32, #tpu.memory_space<hbm>>
      tpu.enqueue_indirect_dma source(%dma_start3A_30 : memref<10000x128xf32, #tpu.memory_space<hbm>>) target(%arg10 : memref<80x128xf32, #tpu.memory_space<vmem>>) offsets(%dma_start3A_27 : memref<80xi32, #tpu.memory_space<vmem>>) semaphore(%arg15 : memref<!tpu.dma_semaphore, #tpu.memory_space<semaphore_mem>>)
      %dma_start3A_31 = arith.constant 3 : i32
      %dma_start3A_32 = arith.constant 0 : i32
      %dma_start3A_33 = tpu.memref_slice %arg6[%dma_start3A_31, %dma_start3A_32] : memref<25x80xi32, #tpu.memory_space<vmem>> -> memref<1x80xi32, #tpu.memory_space<vmem>>
      %dma_start3A_34 = tpu.memref_squeeze %dma_start3A_33 : memref<1x80xi32, #tpu.memory_space<vmem>> -> memref<80xi32, #tpu.memory_space<vmem>>
      %dma_start3A_35 = arith.constant 0 : i32
      %dma_start3A_36 = arith.constant 0 : i32
      %dma_start3A_37 = tpu.memref_slice %arg2[%dma_start3A_35, %dma_start3A_36] : memref<10000x128xf32, #tpu.memory_space<hbm>> -> memref<10000x128xf32, #tpu.memory_space<hbm>>
      tpu.enqueue_indirect_dma source(%dma_start3A_37 : memref<10000x128xf32, #tpu.memory_space<hbm>>) target(%arg11 : memref<80x128xf32, #tpu.memory_space<vmem>>) offsets(%dma_start3A_34 : memref<80xi32, #tpu.memory_space<vmem>>) semaphore(%arg16 : memref<!tpu.dma_semaphore, #tpu.memory_space<semaphore_mem>>)
      %scan3A_38 = arith.constant 0 : i32
      %scan3A_39 = arith.constant 0 : i32
      %scan3A_40 = arith.constant 6 : i32
      %scan3A_41 = arith.addi %scan3A_39, %scan3A_40 : i32
      %scan3A_42 = arith.constant 1 : i32
      scf.for %scan3A_51 = %scan3A_39 to %scan3A_41 step %scan3A_42  : i32 {
        %mul3A_52 = arith.constant 4 : i32
        %mul3A_53 = arith.muli %scan3A_51, %mul3A_52 : i32
        %add3A_54 = arith.constant 0 : i32
        %add3A_55 = arith.addi %mul3A_53, %add3A_54 : i32
        %dma_wait3A_56 = arith.constant 0 : i32
        %dma_wait3A_57 = arith.constant 0 : i32
        %dma_wait3A_58 = tpu.memref_slice %arg6[%dma_wait3A_56, %dma_wait3A_57] : memref<25x80xi32, #tpu.memory_space<vmem>> -> memref<1x80xi32, #tpu.memory_space<vmem>>
        %dma_wait3A_59 = tpu.memref_squeeze %dma_wait3A_58 : memref<1x80xi32, #tpu.memory_space<vmem>> -> memref<80xi32, #tpu.memory_space<vmem>>
        %dma_wait3A_60 = arith.constant 0 : i32
        %dma_wait3A_61 = arith.constant 0 : i32
        %dma_wait3A_62 = tpu.memref_slice %arg2[%dma_wait3A_60, %dma_wait3A_61] : memref<10000x128xf32, #tpu.memory_space<hbm>> -> memref<10000x128xf32, #tpu.memory_space<hbm>>
        tpu.wait_indirect_dma semaphore(%arg13 : memref<!tpu.dma_semaphore, #tpu.memory_space<semaphore_mem>>) src(%dma_wait3A_62 : memref<10000x128xf32, #tpu.memory_space<hbm>>) dst(%arg8 : memref<80x128xf32, #tpu.memory_space<vmem>>)
        "tpu.region"() ({
          %run_scoped3A_115 = tpu.sem_alloc : memref<!tpu.dma_semaphore, #tpu.memory_space<semaphore_mem>>
          %dma_start3A_116 = arith.constant 0 : i32
          %dma_start3A_117 = tpu.memref_slice %arg7[%add3A_55, %dma_start3A_116] : memref<25x80xi32, #tpu.memory_space<vmem>> -> memref<1x80xi32, #tpu.memory_space<vmem>>
          %dma_start3A_118 = tpu.memref_squeeze %dma_start3A_117 : memref<1x80xi32, #tpu.memory_space<vmem>> -> memref<80xi32, #tpu.memory_space<vmem>>
          %dma_start3A_119 = arith.constant 0 : i32
          %dma_start3A_120 = arith.constant 0 : i32
          %dma_start3A_121 = tpu.memref_slice %arg12[%dma_start3A_119, %dma_start3A_120] : memref<10112x128xf32, #tpu.memory_space<vmem_shared>> -> memref<10112x128xf32, #tpu.memory_space<vmem_shared>>
          tpu.enqueue_indirect_dma source(%arg8 : memref<80x128xf32, #tpu.memory_space<vmem>>) target(%dma_start3A_121 : memref<10112x128xf32, #tpu.memory_space<vmem_shared>>) offsets(%dma_start3A_118 : memref<80xi32, #tpu.memory_space<vmem>>) semaphore(%run_scoped3A_115 : memref<!tpu.dma_semaphore, #tpu.memory_space<semaphore_mem>>) {add = true}
          %dma_wait3A_122 = arith.constant 0 : i32
          %dma_wait3A_123 = tpu.memref_slice %arg7[%add3A_55, %dma_wait3A_122] : memref<25x80xi32, #tpu.memory_space<vmem>> -> memref<1x80xi32, #tpu.memory_space<vmem>>
          %dma_wait3A_124 = tpu.memref_squeeze %dma_wait3A_123 : memref<1x80xi32, #tpu.memory_space<vmem>> -> memref<80xi32, #tpu.memory_space<vmem>>
          %dma_wait3A_125 = arith.constant 0 : i32
          %dma_wait3A_126 = arith.constant 0 : i32
          %dma_wait3A_127 = tpu.memref_slice %arg12[%dma_wait3A_125, %dma_wait3A_126] : memref<10112x128xf32, #tpu.memory_space<vmem_shared>> -> memref<10112x128xf32, #tpu.memory_space<vmem_shared>>
          tpu.wait_indirect_dma semaphore(%run_scoped3A_115 : memref<!tpu.dma_semaphore, #tpu.memory_space<semaphore_mem>>) src(%arg8 : memref<80x128xf32, #tpu.memory_space<vmem>>) dst(%dma_wait3A_127 : memref<10112x128xf32, #tpu.memory_space<vmem_shared>>)
          tpu.yield
        }) : () -> ()
        %add3A_63 = arith.constant 4 : i32
        %add3A_64 = arith.addi %add3A_55, %add3A_63 : i32
        %lt3A = arith.constant 25 : i32
        %lt3A_65 = arith.cmpi slt, %add3A_64, %lt3A : i32
        %convert_element_type3A = arith.extui %lt3A_65 : i1 to i32
        %cond3A = arith.constant 0 : i32
        %cond3A_66 = arith.cmpi ne, %convert_element_type3A, %cond3A : i32
        scf.if %cond3A_66 {
          %dma_start3A_115 = arith.constant 0 : i32
          %dma_start3A_116 = tpu.memref_slice %arg6[%add3A_64, %dma_start3A_115] : memref<25x80xi32, #tpu.memory_space<vmem>> -> memref<1x80xi32, #tpu.memory_space<vmem>>
          %dma_start3A_117 = tpu.memref_squeeze %dma_start3A_116 : memref<1x80xi32, #tpu.memory_space<vmem>> -> memref<80xi32, #tpu.memory_space<vmem>>
          %dma_start3A_118 = arith.constant 0 : i32
          %dma_start3A_119 = arith.constant 0 : i32
          %dma_start3A_120 = tpu.memref_slice %arg2[%dma_start3A_118, %dma_start3A_119] : memref<10000x128xf32, #tpu.memory_space<hbm>> -> memref<10000x128xf32, #tpu.memory_space<hbm>>
          tpu.enqueue_indirect_dma source(%dma_start3A_120 : memref<10000x128xf32, #tpu.memory_space<hbm>>) target(%arg8 : memref<80x128xf32, #tpu.memory_space<vmem>>) offsets(%dma_start3A_117 : memref<80xi32, #tpu.memory_space<vmem>>) semaphore(%arg13 : memref<!tpu.dma_semaphore, #tpu.memory_space<semaphore_mem>>)
        } else {
        }
        %add3A_67 = arith.constant 1 : i32
        %add3A_68 = arith.addi %mul3A_53, %add3A_67 : i32
        %dma_wait3A_69 = arith.constant 0 : i32
        %dma_wait3A_70 = arith.constant 0 : i32
        %dma_wait3A_71 = tpu.memref_slice %arg6[%dma_wait3A_69, %dma_wait3A_70] : memref<25x80xi32, #tpu.memory_space<vmem>> -> memref<1x80xi32, #tpu.memory_space<vmem>>
        %dma_wait3A_72 = tpu.memref_squeeze %dma_wait3A_71 : memref<1x80xi32, #tpu.memory_space<vmem>> -> memref<80xi32, #tpu.memory_space<vmem>>
        %dma_wait3A_73 = arith.constant 0 : i32
        %dma_wait3A_74 = arith.constant 0 : i32
        %dma_wait3A_75 = tpu.memref_slice %arg2[%dma_wait3A_73, %dma_wait3A_74] : memref<10000x128xf32, #tpu.memory_space<hbm>> -> memref<10000x128xf32, #tpu.memory_space<hbm>>
        tpu.wait_indirect_dma semaphore(%arg14 : memref<!tpu.dma_semaphore, #tpu.memory_space<semaphore_mem>>) src(%dma_wait3A_75 : memref<10000x128xf32, #tpu.memory_space<hbm>>) dst(%arg9 : memref<80x128xf32, #tpu.memory_space<vmem>>)
        "tpu.region"() ({
          %run_scoped3A_115 = tpu.sem_alloc : memref<!tpu.dma_semaphore, #tpu.memory_space<semaphore_mem>>
          %dma_start3A_116 = arith.constant 0 : i32
          %dma_start3A_117 = tpu.memref_slice %arg7[%add3A_68, %dma_start3A_116] : memref<25x80xi32, #tpu.memory_space<vmem>> -> memref<1x80xi32, #tpu.memory_space<vmem>>
          %dma_start3A_118 = tpu.memref_squeeze %dma_start3A_117 : memref<1x80xi32, #tpu.memory_space<vmem>> -> memref<80xi32, #tpu.memory_space<vmem>>
          %dma_start3A_119 = arith.constant 0 : i32
          %dma_start3A_120 = arith.constant 0 : i32
          %dma_start3A_121 = tpu.memref_slice %arg12[%dma_start3A_119, %dma_start3A_120] : memref<10112x128xf32, #tpu.memory_space<vmem_shared>> -> memref<10112x128xf32, #tpu.memory_space<vmem_shared>>
          tpu.enqueue_indirect_dma source(%arg9 : memref<80x128xf32, #tpu.memory_space<vmem>>) target(%dma_start3A_121 : memref<10112x128xf32, #tpu.memory_space<vmem_shared>>) offsets(%dma_start3A_118 : memref<80xi32, #tpu.memory_space<vmem>>) semaphore(%run_scoped3A_115 : memref<!tpu.dma_semaphore, #tpu.memory_space<semaphore_mem>>) {add = true}
          %dma_wait3A_122 = arith.constant 0 : i32
          %dma_wait3A_123 = tpu.memref_slice %arg7[%add3A_68, %dma_wait3A_122] : memref<25x80xi32, #tpu.memory_space<vmem>> -> memref<1x80xi32, #tpu.memory_space<vmem>>
          %dma_wait3A_124 = tpu.memref_squeeze %dma_wait3A_123 : memref<1x80xi32, #tpu.memory_space<vmem>> -> memref<80xi32, #tpu.memory_space<vmem>>
          %dma_wait3A_125 = arith.constant 0 : i32
          %dma_wait3A_126 = arith.constant 0 : i32
          %dma_wait3A_127 = tpu.memref_slice %arg12[%dma_wait3A_125, %dma_wait3A_126] : memref<10112x128xf32, #tpu.memory_space<vmem_shared>> -> memref<10112x128xf32, #tpu.memory_space<vmem_shared>>
          tpu.wait_indirect_dma semaphore(%run_scoped3A_115 : memref<!tpu.dma_semaphore, #tpu.memory_space<semaphore_mem>>) src(%arg9 : memref<80x128xf32, #tpu.memory_space<vmem>>) dst(%dma_wait3A_127 : memref<10112x128xf32, #tpu.memory_space<vmem_shared>>)
          tpu.yield
        }) : () -> ()
        %add3A_76 = arith.constant 4 : i32
        %add3A_77 = arith.addi %add3A_68, %add3A_76 : i32
        %lt3A_78 = arith.constant 25 : i32
        %lt3A_79 = arith.cmpi slt, %add3A_77, %lt3A_78 : i32
        %convert_element_type3A_80 = arith.extui %lt3A_79 : i1 to i32
        %cond3A_81 = arith.constant 0 : i32
        %cond3A_82 = arith.cmpi ne, %convert_element_type3A_80, %cond3A_81 : i32
        scf.if %cond3A_82 {
          %dma_start3A_115 = arith.constant 0 : i32
          %dma_start3A_116 = tpu.memref_slice %arg6[%add3A_77, %dma_start3A_115] : memref<25x80xi32, #tpu.memory_space<vmem>> -> memref<1x80xi32, #tpu.memory_space<vmem>>
          %dma_start3A_117 = tpu.memref_squeeze %dma_start3A_116 : memref<1x80xi32, #tpu.memory_space<vmem>> -> memref<80xi32, #tpu.memory_space<vmem>>
          %dma_start3A_118 = arith.constant 0 : i32
          %dma_start3A_119 = arith.constant 0 : i32
          %dma_start3A_120 = tpu.memref_slice %arg2[%dma_start3A_118, %dma_start3A_119] : memref<10000x128xf32, #tpu.memory_space<hbm>> -> memref<10000x128xf32, #tpu.memory_space<hbm>>
          tpu.enqueue_indirect_dma source(%dma_start3A_120 : memref<10000x128xf32, #tpu.memory_space<hbm>>) target(%arg9 : memref<80x128xf32, #tpu.memory_space<vmem>>) offsets(%dma_start3A_117 : memref<80xi32, #tpu.memory_space<vmem>>) semaphore(%arg14 : memref<!tpu.dma_semaphore, #tpu.memory_space<semaphore_mem>>)
        } else {
        }
        %add3A_83 = arith.constant 2 : i32
        %add3A_84 = arith.addi %mul3A_53, %add3A_83 : i32
        %dma_wait3A_85 = arith.constant 0 : i32
        %dma_wait3A_86 = arith.constant 0 : i32
        %dma_wait3A_87 = tpu.memref_slice %arg6[%dma_wait3A_85, %dma_wait3A_86] : memref<25x80xi32, #tpu.memory_space<vmem>> -> memref<1x80xi32, #tpu.memory_space<vmem>>
        %dma_wait3A_88 = tpu.memref_squeeze %dma_wait3A_87 : memref<1x80xi32, #tpu.memory_space<vmem>> -> memref<80xi32, #tpu.memory_space<vmem>>
        %dma_wait3A_89 = arith.constant 0 : i32
        %dma_wait3A_90 = arith.constant 0 : i32
        %dma_wait3A_91 = tpu.memref_slice %arg2[%dma_wait3A_89, %dma_wait3A_90] : memref<10000x128xf32, #tpu.memory_space<hbm>> -> memref<10000x128xf32, #tpu.memory_space<hbm>>
        tpu.wait_indirect_dma semaphore(%arg15 : memref<!tpu.dma_semaphore, #tpu.memory_space<semaphore_mem>>) src(%dma_wait3A_91 : memref<10000x128xf32, #tpu.memory_space<hbm>>) dst(%arg10 : memref<80x128xf32, #tpu.memory_space<vmem>>)
        "tpu.region"() ({
          %run_scoped3A_115 = tpu.sem_alloc : memref<!tpu.dma_semaphore, #tpu.memory_space<semaphore_mem>>
          %dma_start3A_116 = arith.constant 0 : i32
          %dma_start3A_117 = tpu.memref_slice %arg7[%add3A_84, %dma_start3A_116] : memref<25x80xi32, #tpu.memory_space<vmem>> -> memref<1x80xi32, #tpu.memory_space<vmem>>
          %dma_start3A_118 = tpu.memref_squeeze %dma_start3A_117 : memref<1x80xi32, #tpu.memory_space<vmem>> -> memref<80xi32, #tpu.memory_space<vmem>>
          %dma_start3A_119 = arith.constant 0 : i32
          %dma_start3A_120 = arith.constant 0 : i32
          %dma_start3A_121 = tpu.memref_slice %arg12[%dma_start3A_119, %dma_start3A_120] : memref<10112x128xf32, #tpu.memory_space<vmem_shared>> -> memref<10112x128xf32, #tpu.memory_space<vmem_shared>>
          tpu.enqueue_indirect_dma source(%arg10 : memref<80x128xf32, #tpu.memory_space<vmem>>) target(%dma_start3A_121 : memref<10112x128xf32, #tpu.memory_space<vmem_shared>>) offsets(%dma_start3A_118 : memref<80xi32, #tpu.memory_space<vmem>>) semaphore(%run_scoped3A_115 : memref<!tpu.dma_semaphore, #tpu.memory_space<semaphore_mem>>) {add = true}
          %dma_wait3A_122 = arith.constant 0 : i32
          %dma_wait3A_123 = tpu.memref_slice %arg7[%add3A_84, %dma_wait3A_122] : memref<25x80xi32, #tpu.memory_space<vmem>> -> memref<1x80xi32, #tpu.memory_space<vmem>>
          %dma_wait3A_124 = tpu.memref_squeeze %dma_wait3A_123 : memref<1x80xi32, #tpu.memory_space<vmem>> -> memref<80xi32, #tpu.memory_space<vmem>>
          %dma_wait3A_125 = arith.constant 0 : i32
          %dma_wait3A_126 = arith.constant 0 : i32
          %dma_wait3A_127 = tpu.memref_slice %arg12[%dma_wait3A_125, %dma_wait3A_126] : memref<10112x128xf32, #tpu.memory_space<vmem_shared>> -> memref<10112x128xf32, #tpu.memory_space<vmem_shared>>
          tpu.wait_indirect_dma semaphore(%run_scoped3A_115 : memref<!tpu.dma_semaphore, #tpu.memory_space<semaphore_mem>>) src(%arg10 : memref<80x128xf32, #tpu.memory_space<vmem>>) dst(%dma_wait3A_127 : memref<10112x128xf32, #tpu.memory_space<vmem_shared>>)
          tpu.yield
        }) : () -> ()
        %add3A_92 = arith.constant 4 : i32
        %add3A_93 = arith.addi %add3A_84, %add3A_92 : i32
        %lt3A_94 = arith.constant 25 : i32
        %lt3A_95 = arith.cmpi slt, %add3A_93, %lt3A_94 : i32
        %convert_element_type3A_96 = arith.extui %lt3A_95 : i1 to i32
        %cond3A_97 = arith.constant 0 : i32
        %cond3A_98 = arith.cmpi ne, %convert_element_type3A_96, %cond3A_97 : i32
        scf.if %cond3A_98 {
          %dma_start3A_115 = arith.constant 0 : i32
          %dma_start3A_116 = tpu.memref_slice %arg6[%add3A_93, %dma_start3A_115] : memref<25x80xi32, #tpu.memory_space<vmem>> -> memref<1x80xi32, #tpu.memory_space<vmem>>
          %dma_start3A_117 = tpu.memref_squeeze %dma_start3A_116 : memref<1x80xi32, #tpu.memory_space<vmem>> -> memref<80xi32, #tpu.memory_space<vmem>>
          %dma_start3A_118 = arith.constant 0 : i32
          %dma_start3A_119 = arith.constant 0 : i32
          %dma_start3A_120 = tpu.memref_slice %arg2[%dma_start3A_118, %dma_start3A_119] : memref<10000x128xf32, #tpu.memory_space<hbm>> -> memref<10000x128xf32, #tpu.memory_space<hbm>>
          tpu.enqueue_indirect_dma source(%dma_start3A_120 : memref<10000x128xf32, #tpu.memory_space<hbm>>) target(%arg10 : memref<80x128xf32, #tpu.memory_space<vmem>>) offsets(%dma_start3A_117 : memref<80xi32, #tpu.memory_space<vmem>>) semaphore(%arg15 : memref<!tpu.dma_semaphore, #tpu.memory_space<semaphore_mem>>)
        } else {
        }
        %add3A_99 = arith.constant 3 : i32
        %add3A_100 = arith.addi %mul3A_53, %add3A_99 : i32
        %dma_wait3A_101 = arith.constant 0 : i32
        %dma_wait3A_102 = arith.constant 0 : i32
        %dma_wait3A_103 = tpu.memref_slice %arg6[%dma_wait3A_101, %dma_wait3A_102] : memref<25x80xi32, #tpu.memory_space<vmem>> -> memref<1x80xi32, #tpu.memory_space<vmem>>
        %dma_wait3A_104 = tpu.memref_squeeze %dma_wait3A_103 : memref<1x80xi32, #tpu.memory_space<vmem>> -> memref<80xi32, #tpu.memory_space<vmem>>
        %dma_wait3A_105 = arith.constant 0 : i32
        %dma_wait3A_106 = arith.constant 0 : i32
        %dma_wait3A_107 = tpu.memref_slice %arg2[%dma_wait3A_105, %dma_wait3A_106] : memref<10000x128xf32, #tpu.memory_space<hbm>> -> memref<10000x128xf32, #tpu.memory_space<hbm>>
        tpu.wait_indirect_dma semaphore(%arg16 : memref<!tpu.dma_semaphore, #tpu.memory_space<semaphore_mem>>) src(%dma_wait3A_107 : memref<10000x128xf32, #tpu.memory_space<hbm>>) dst(%arg11 : memref<80x128xf32, #tpu.memory_space<vmem>>)
        "tpu.region"() ({
          %run_scoped3A_115 = tpu.sem_alloc : memref<!tpu.dma_semaphore, #tpu.memory_space<semaphore_mem>>
          %dma_start3A_116 = arith.constant 0 : i32
          %dma_start3A_117 = tpu.memref_slice %arg7[%add3A_100, %dma_start3A_116] : memref<25x80xi32, #tpu.memory_space<vmem>> -> memref<1x80xi32, #tpu.memory_space<vmem>>
          %dma_start3A_118 = tpu.memref_squeeze %dma_start3A_117 : memref<1x80xi32, #tpu.memory_space<vmem>> -> memref<80xi32, #tpu.memory_space<vmem>>
          %dma_start3A_119 = arith.constant 0 : i32
          %dma_start3A_120 = arith.constant 0 : i32
          %dma_start3A_121 = tpu.memref_slice %arg12[%dma_start3A_119, %dma_start3A_120] : memref<10112x128xf32, #tpu.memory_space<vmem_shared>> -> memref<10112x128xf32, #tpu.memory_space<vmem_shared>>
          tpu.enqueue_indirect_dma source(%arg11 : memref<80x128xf32, #tpu.memory_space<vmem>>) target(%dma_start3A_121 : memref<10112x128xf32, #tpu.memory_space<vmem_shared>>) offsets(%dma_start3A_118 : memref<80xi32, #tpu.memory_space<vmem>>) semaphore(%run_scoped3A_115 : memref<!tpu.dma_semaphore, #tpu.memory_space<semaphore_mem>>) {add = true}
          %dma_wait3A_122 = arith.constant 0 : i32
          %dma_wait3A_123 = tpu.memref_slice %arg7[%add3A_100, %dma_wait3A_122] : memref<25x80xi32, #tpu.memory_space<vmem>> -> memref<1x80xi32, #tpu.memory_space<vmem>>
          %dma_wait3A_124 = tpu.memref_squeeze %dma_wait3A_123 : memref<1x80xi32, #tpu.memory_space<vmem>> -> memref<80xi32, #tpu.memory_space<vmem>>
          %dma_wait3A_125 = arith.constant 0 : i32
          %dma_wait3A_126 = arith.constant 0 : i32
          %dma_wait3A_127 = tpu.memref_slice %arg12[%dma_wait3A_125, %dma_wait3A_126] : memref<10112x128xf32, #tpu.memory_space<vmem_shared>> -> memref<10112x128xf32, #tpu.memory_space<vmem_shared>>
          tpu.wait_indirect_dma semaphore(%run_scoped3A_115 : memref<!tpu.dma_semaphore, #tpu.memory_space<semaphore_mem>>) src(%arg11 : memref<80x128xf32, #tpu.memory_space<vmem>>) dst(%dma_wait3A_127 : memref<10112x128xf32, #tpu.memory_space<vmem_shared>>)
          tpu.yield
        }) : () -> ()
        %add3A_108 = arith.constant 4 : i32
        %add3A_109 = arith.addi %add3A_100, %add3A_108 : i32
        %lt3A_110 = arith.constant 25 : i32
        %lt3A_111 = arith.cmpi slt, %add3A_109, %lt3A_110 : i32
        %convert_element_type3A_112 = arith.extui %lt3A_111 : i1 to i32
        %cond3A_113 = arith.constant 0 : i32
        %cond3A_114 = arith.cmpi ne, %convert_element_type3A_112, %cond3A_113 : i32
        scf.if %cond3A_114 {
          %dma_start3A_115 = arith.constant 0 : i32
          %dma_start3A_116 = tpu.memref_slice %arg6[%add3A_109, %dma_start3A_115] : memref<25x80xi32, #tpu.memory_space<vmem>> -> memref<1x80xi32, #tpu.memory_space<vmem>>
          %dma_start3A_117 = tpu.memref_squeeze %dma_start3A_116 : memref<1x80xi32, #tpu.memory_space<vmem>> -> memref<80xi32, #tpu.memory_space<vmem>>
          %dma_start3A_118 = arith.constant 0 : i32
          %dma_start3A_119 = arith.constant 0 : i32
          %dma_start3A_120 = tpu.memref_slice %arg2[%dma_start3A_118, %dma_start3A_119] : memref<10000x128xf32, #tpu.memory_space<hbm>> -> memref<10000x128xf32, #tpu.memory_space<hbm>>
          tpu.enqueue_indirect_dma source(%dma_start3A_120 : memref<10000x128xf32, #tpu.memory_space<hbm>>) target(%arg11 : memref<80x128xf32, #tpu.memory_space<vmem>>) offsets(%dma_start3A_117 : memref<80xi32, #tpu.memory_space<vmem>>) semaphore(%arg16 : memref<!tpu.dma_semaphore, #tpu.memory_space<semaphore_mem>>)
        } else {
        }
      }
      %scan3A_43 = arith.constant 6 : i32
      %dma_wait3A = arith.constant 0 : i32
      %dma_wait3A_44 = arith.constant 0 : i32
      %dma_wait3A_45 = tpu.memref_slice %arg6[%dma_wait3A, %dma_wait3A_44] : memref<25x80xi32, #tpu.memory_space<vmem>> -> memref<1x80xi32, #tpu.memory_space<vmem>>
      %dma_wait3A_46 = tpu.memref_squeeze %dma_wait3A_45 : memref<1x80xi32, #tpu.memory_space<vmem>> -> memref<80xi32, #tpu.memory_space<vmem>>
      %dma_wait3A_47 = arith.constant 0 : i32
      %dma_wait3A_48 = arith.constant 0 : i32
      %dma_wait3A_49 = tpu.memref_slice %arg2[%dma_wait3A_47, %dma_wait3A_48] : memref<10000x128xf32, #tpu.memory_space<hbm>> -> memref<10000x128xf32, #tpu.memory_space<hbm>>
      tpu.wait_indirect_dma semaphore(%arg13 : memref<!tpu.dma_semaphore, #tpu.memory_space<semaphore_mem>>) src(%dma_wait3A_49 : memref<10000x128xf32, #tpu.memory_space<hbm>>) dst(%arg8 : memref<80x128xf32, #tpu.memory_space<vmem>>)
      %run_scoped3A_50 = arith.constant 24 : i32
      "tpu.region"() ({
        %run_scoped3A_51 = tpu.sem_alloc : memref<!tpu.dma_semaphore, #tpu.memory_space<semaphore_mem>>
        %dma_start3A_52 = arith.constant 0 : i32
        %dma_start3A_53 = tpu.memref_slice %arg7[%run_scoped3A_50, %dma_start3A_52] : memref<25x80xi32, #tpu.memory_space<vmem>> -> memref<1x80xi32, #tpu.memory_space<vmem>>
        %dma_start3A_54 = tpu.memref_squeeze %dma_start3A_53 : memref<1x80xi32, #tpu.memory_space<vmem>> -> memref<80xi32, #tpu.memory_space<vmem>>
        %dma_start3A_55 = arith.constant 0 : i32
        %dma_start3A_56 = arith.constant 0 : i32
        %dma_start3A_57 = tpu.memref_slice %arg12[%dma_start3A_55, %dma_start3A_56] : memref<10112x128xf32, #tpu.memory_space<vmem_shared>> -> memref<10112x128xf32, #tpu.memory_space<vmem_shared>>
        tpu.enqueue_indirect_dma source(%arg8 : memref<80x128xf32, #tpu.memory_space<vmem>>) target(%dma_start3A_57 : memref<10112x128xf32, #tpu.memory_space<vmem_shared>>) offsets(%dma_start3A_54 : memref<80xi32, #tpu.memory_space<vmem>>) semaphore(%run_scoped3A_51 : memref<!tpu.dma_semaphore, #tpu.memory_space<semaphore_mem>>) {add = true}
        %dma_wait3A_58 = arith.constant 0 : i32
        %dma_wait3A_59 = tpu.memref_slice %arg7[%run_scoped3A_50, %dma_wait3A_58] : memref<25x80xi32, #tpu.memory_space<vmem>> -> memref<1x80xi32, #tpu.memory_space<vmem>>
        %dma_wait3A_60 = tpu.memref_squeeze %dma_wait3A_59 : memref<1x80xi32, #tpu.memory_space<vmem>> -> memref<80xi32, #tpu.memory_space<vmem>>
        %dma_wait3A_61 = arith.constant 0 : i32
        %dma_wait3A_62 = arith.constant 0 : i32
        %dma_wait3A_63 = tpu.memref_slice %arg12[%dma_wait3A_61, %dma_wait3A_62] : memref<10112x128xf32, #tpu.memory_space<vmem_shared>> -> memref<10112x128xf32, #tpu.memory_space<vmem_shared>>
        tpu.wait_indirect_dma semaphore(%run_scoped3A_51 : memref<!tpu.dma_semaphore, #tpu.memory_space<semaphore_mem>>) src(%arg8 : memref<80x128xf32, #tpu.memory_space<vmem>>) dst(%dma_wait3A_63 : memref<10112x128xf32, #tpu.memory_space<vmem_shared>>)
        tpu.yield
      }) : () -> ()
    }
    %scan3A_7 = arith.constant 5 : i32
    %barrier3A_8 = arith.constant 0 : index
    tpu.barrier barrier_id(%barrier3A_8)
    "tpu.region"() ({
      %run_scoped3A = tpu.sem_alloc : memref<!tpu.dma_semaphore, #tpu.memory_space<semaphore_mem>>
      %dma_start3A = arith.constant 0 : i32
      %dma_start3A_9 = tpu.memref_slice %arg5[%arg0, %mul3A_2, %dma_start3A] : memref<2x10112x128xf32, #tpu.memory_space<hbm>> -> memref<1x632x128xf32, #tpu.memory_space<hbm>>
      %dma_start3A_10 = tpu.memref_squeeze %dma_start3A_9 : memref<1x632x128xf32, #tpu.memory_space<hbm>> -> memref<632x128xf32, #tpu.memory_space<hbm>>
      %dma_start3A_11 = arith.constant 0 : i32
      %dma_start3A_12 = tpu.memref_slice %arg12[%mul3A_2, %dma_start3A_11] : memref<10112x128xf32, #tpu.memory_space<vmem_shared>> -> memref<632x128xf32, #tpu.memory_space<vmem_shared>>
      tpu.enqueue_dma source(%dma_start3A_12 : memref<632x128xf32, #tpu.memory_space<vmem_shared>>) target(%dma_start3A_10 : memref<632x128xf32, #tpu.memory_space<hbm>>) target_semaphore(%run_scoped3A : memref<!tpu.dma_semaphore, #tpu.memory_space<semaphore_mem>>)
      %dma_wait3A = arith.constant 0 : i32
      %dma_wait3A_13 = tpu.memref_slice %arg5[%arg0, %mul3A_2, %dma_wait3A] : memref<2x10112x128xf32, #tpu.memory_space<hbm>> -> memref<1x632x128xf32, #tpu.memory_space<hbm>>
      %dma_wait3A_14 = tpu.memref_squeeze %dma_wait3A_13 : memref<1x632x128xf32, #tpu.memory_space<hbm>> -> memref<632x128xf32, #tpu.memory_space<hbm>>
      %dma_wait3A_15 = arith.constant 0 : i32
      %dma_wait3A_16 = tpu.memref_slice %arg12[%mul3A_2, %dma_wait3A_15] : memref<10112x128xf32, #tpu.memory_space<vmem_shared>> -> memref<632x128xf32, #tpu.memory_space<vmem_shared>>
      tpu.wait_dma2 semaphore(%run_scoped3A : memref<!tpu.dma_semaphore, #tpu.memory_space<semaphore_mem>>) src(%dma_wait3A_16 : memref<632x128xf32, #tpu.memory_space<vmem_shared>>) dst(%dma_wait3A_14 : memref<632x128xf32, #tpu.memory_space<hbm>>)
      tpu.yield
    }) : () -> ()
    return
  }
}

#map = affine_map<(d0, d1) -> (0, 0)>
#map1 = affine_map<(d0, d1) -> (0, 0, 0, 0, 0)>
#map2 = affine_map<(d0, d1) -> (0, 0, 0)>
module attributes {stable_mosaic.version = 14 : i64} {
  func.func @k(%arg0: i32, %arg1: i32, %arg2: memref<10000x128xf32, #tpu.memory_space<hbm>>, %arg3: memref<2x32x5x25x80xi32, #tpu.memory_space<hbm>>, %arg4: memref<10112x128xf32, #tpu.memory_space<hbm>>, %arg5: memref<2x10112x128xf32, #tpu.memory_space<hbm>>, %arg6: memref<25x80xi32, #tpu.memory_space<vmem>>, %arg7: memref<25x80xi32, #tpu.memory_space<vmem>>, %arg8: memref<80x128xf32, #tpu.memory_space<vmem>>, %arg9: memref<80x128xf32, #tpu.memory_space<vmem>>, %arg10: memref<80x128xf32, #tpu.memory_space<vmem>>, %arg11: memref<80x128xf32, #tpu.memory_space<vmem>>, %arg12: memref<10112x128xf32, #tpu.memory_space<vmem_shared>>, %arg13: memref<!tpu.dma_semaphore, #tpu.memory_space<semaphore_mem>>, %arg14: memref<!tpu.dma_semaphore, #tpu.memory_space<semaphore_mem>>, %arg15: memref<!tpu.dma_semaphore, #tpu.memory_space<semaphore_mem>>, %arg16: memref<!tpu.dma_semaphore, #tpu.memory_space<semaphore_mem>>) attributes {dimension_semantics = [#tpu.dimension_semantics<core_parallel>, #tpu.dimension_semantics<subcore_parallel>], iteration_bounds = array<i64: 2, 16>, scalar_prefetch = 0 : i64, scratch_operands = 11 : i64, tpu.core_type = #tpu.core_type<sc_vector_subcore>, window_params = [{transform_indices = #map}, {transform_indices = #map1}, {transform_indices = #map}, {transform_indices = #map2}]} {
    %mul3A = arith.constant 2 : i32
    %mul3A_0 = arith.muli %arg1, %mul3A : i32
    %add3A = arith.addi %mul3A_0, %arg0 : i32
    %mul3A_1 = arith.constant 632 : i32
    %mul3A_2 = arith.muli %arg1, %mul3A_1 : i32
    "tpu.region"() ({
      %run_scoped3A = tpu.sem_alloc : memref<!tpu.dma_semaphore, #tpu.memory_space<semaphore_mem>>
      %dma_start3A = arith.constant 0 : i32
      %dma_start3A_9 = tpu.memref_slice %arg12[%mul3A_2, %dma_start3A] : memref<10112x128xf32, #tpu.memory_space<vmem_shared>> -> memref<632x128xf32, #tpu.memory_space<vmem_shared>>
      %dma_start3A_10 = arith.constant 0 : i32
      %dma_start3A_11 = tpu.memref_slice %arg4[%mul3A_2, %dma_start3A_10] : memref<10112x128xf32, #tpu.memory_space<hbm>> -> memref<632x128xf32, #tpu.memory_space<hbm>>
      tpu.enqueue_dma source(%dma_start3A_11 : memref<632x128xf32, #tpu.memory_space<hbm>>) target(%dma_start3A_9 : memref<632x128xf32, #tpu.memory_space<vmem_shared>>) target_semaphore(%run_scoped3A : memref<!tpu.dma_semaphore, #tpu.memory_space<semaphore_mem>>)
      %dma_wait3A = arith.constant 0 : i32
      %dma_wait3A_12 = tpu.memref_slice %arg12[%mul3A_2, %dma_wait3A] : memref<10112x128xf32, #tpu.memory_space<vmem_shared>> -> memref<632x128xf32, #tpu.memory_space<vmem_shared>>
      %dma_wait3A_13 = arith.constant 0 : i32
      %dma_wait3A_14 = tpu.memref_slice %arg4[%mul3A_2, %dma_wait3A_13] : memref<10112x128xf32, #tpu.memory_space<hbm>> -> memref<632x128xf32, #tpu.memory_space<hbm>>
      tpu.wait_dma2 semaphore(%run_scoped3A : memref<!tpu.dma_semaphore, #tpu.memory_space<semaphore_mem>>) src(%dma_wait3A_14 : memref<632x128xf32, #tpu.memory_space<hbm>>) dst(%dma_wait3A_12 : memref<632x128xf32, #tpu.memory_space<vmem_shared>>)
      tpu.yield
    }) : () -> ()
    %barrier3A = arith.constant 0 : index
    tpu.barrier barrier_id(%barrier3A)
    %scan3A = arith.constant 0 : i32
    %scan3A_3 = arith.constant 0 : i32
    %scan3A_4 = arith.constant 5 : i32
    %scan3A_5 = arith.addi %scan3A_3, %scan3A_4 : i32
    %scan3A_6 = arith.constant 1 : i32
    scf.for %scan3A_9 = %scan3A_3 to %scan3A_5 step %scan3A_6  : i32 {
      %run_scoped3A = arith.constant 1 : i32
      "tpu.region"() ({
        %run_scoped3A_51 = tpu.sem_alloc : memref<!tpu.dma_semaphore, #tpu.memory_space<semaphore_mem>>
        %dma_start3A_52 = arith.constant 0 : i32
        %dma_start3A_53 = arith.constant 0 : i32
        %dma_start3A_54 = tpu.memref_slice %arg3[%run_scoped3A, %add3A, %scan3A_9, %dma_start3A_52, %dma_start3A_53] : memref<2x32x5x25x80xi32, #tpu.memory_space<hbm>> -> memref<1x1x1x25x80xi32, #tpu.memory_space<hbm>>
        %dma_start3A_55 = tpu.memref_squeeze %dma_start3A_54 : memref<1x1x1x25x80xi32, #tpu.memory_space<hbm>> -> memref<25x80xi32, #tpu.memory_space<hbm>>
        %dma_start3A_56 = arith.constant 0 : i32
        %dma_start3A_57 = arith.constant 0 : i32
        %dma_start3A_58 = tpu.memref_slice %arg3[%run_scoped3A, %add3A, %scan3A_9, %dma_start3A_56, %dma_start3A_57] : memref<2x32x5x25x80xi32, #tpu.memory_space<hbm>> -> memref<1x1x1x25x80xi32, #tpu.memory_space<hbm>>
        %dma_start3A_59 = tpu.memref_squeeze %dma_start3A_58 : memref<1x1x1x25x80xi32, #tpu.memory_space<hbm>> -> memref<25x80xi32, #tpu.memory_space<hbm>>
        tpu.enqueue_dma source(%dma_start3A_59 : memref<25x80xi32, #tpu.memory_space<hbm>>) target(%arg6 : memref<25x80xi32, #tpu.memory_space<vmem>>) target_semaphore(%run_scoped3A_51 : memref<!tpu.dma_semaphore, #tpu.memory_space<semaphore_mem>>)
        %dma_wait3A_60 = arith.constant 0 : i32
        %dma_wait3A_61 = arith.constant 0 : i32
        %dma_wait3A_62 = tpu.memref_slice %arg3[%run_scoped3A, %add3A, %scan3A_9, %dma_wait3A_60, %dma_wait3A_61] : memref<2x32x5x25x80xi32, #tpu.memory_space<hbm>> -> memref<1x1x1x25x80xi32, #tpu.memory_space<hbm>>
        %dma_wait3A_63 = tpu.memref_squeeze %dma_wait3A_62 : memref<1x1x1x25x80xi32, #tpu.memory_space<hbm>> -> memref<25x80xi32, #tpu.memory_space<hbm>>
        %dma_wait3A_64 = arith.constant 0 : i32
        %dma_wait3A_65 = arith.constant 0 : i32
        %dma_wait3A_66 = tpu.memref_slice %arg3[%run_scoped3A, %add3A, %scan3A_9, %dma_wait3A_64, %dma_wait3A_65] : memref<2x32x5x25x80xi32, #tpu.memory_space<hbm>> -> memref<1x1x1x25x80xi32, #tpu.memory_space<hbm>>
        %dma_wait3A_67 = tpu.memref_squeeze %dma_wait3A_66 : memref<1x1x1x25x80xi32, #tpu.memory_space<hbm>> -> memref<25x80xi32, #tpu.memory_space<hbm>>
        tpu.wait_dma2 semaphore(%run_scoped3A_51 : memref<!tpu.dma_semaphore, #tpu.memory_space<semaphore_mem>>) src(%dma_wait3A_67 : memref<25x80xi32, #tpu.memory_space<hbm>>) dst(%arg6 : memref<25x80xi32, #tpu.memory_space<vmem>>)
        tpu.yield
      }) : () -> ()
      %run_scoped3A_10 = arith.constant 0 : i32
      "tpu.region"() ({
        %run_scoped3A_51 = tpu.sem_alloc : memref<!tpu.dma_semaphore, #tpu.memory_space<semaphore_mem>>
        %dma_start3A_52 = arith.constant 0 : i32
        %dma_start3A_53 = arith.constant 0 : i32
        %dma_start3A_54 = tpu.memref_slice %arg3[%run_scoped3A_10, %add3A, %scan3A_9, %dma_start3A_52, %dma_start3A_53] : memref<2x32x5x25x80xi32, #tpu.memory_space<hbm>> -> memref<1x1x1x25x80xi32, #tpu.memory_space<hbm>>
        %dma_start3A_55 = tpu.memref_squeeze %dma_start3A_54 : memref<1x1x1x25x80xi32, #tpu.memory_space<hbm>> -> memref<25x80xi32, #tpu.memory_space<hbm>>
        %dma_start3A_56 = arith.constant 0 : i32
        %dma_start3A_57 = arith.constant 0 : i32
        %dma_start3A_58 = tpu.memref_slice %arg3[%run_scoped3A_10, %add3A, %scan3A_9, %dma_start3A_56, %dma_start3A_57] : memref<2x32x5x25x80xi32, #tpu.memory_space<hbm>> -> memref<1x1x1x25x80xi32, #tpu.memory_space<hbm>>
        %dma_start3A_59 = tpu.memref_squeeze %dma_start3A_58 : memref<1x1x1x25x80xi32, #tpu.memory_space<hbm>> -> memref<25x80xi32, #tpu.memory_space<hbm>>
        tpu.enqueue_dma source(%dma_start3A_59 : memref<25x80xi32, #tpu.memory_space<hbm>>) target(%arg7 : memref<25x80xi32, #tpu.memory_space<vmem>>) target_semaphore(%run_scoped3A_51 : memref<!tpu.dma_semaphore, #tpu.memory_space<semaphore_mem>>)
        %dma_wait3A_60 = arith.constant 0 : i32
        %dma_wait3A_61 = arith.constant 0 : i32
        %dma_wait3A_62 = tpu.memref_slice %arg3[%run_scoped3A_10, %add3A, %scan3A_9, %dma_wait3A_60, %dma_wait3A_61] : memref<2x32x5x25x80xi32, #tpu.memory_space<hbm>> -> memref<1x1x1x25x80xi32, #tpu.memory_space<hbm>>
        %dma_wait3A_63 = tpu.memref_squeeze %dma_wait3A_62 : memref<1x1x1x25x80xi32, #tpu.memory_space<hbm>> -> memref<25x80xi32, #tpu.memory_space<hbm>>
        %dma_wait3A_64 = arith.constant 0 : i32
        %dma_wait3A_65 = arith.constant 0 : i32
        %dma_wait3A_66 = tpu.memref_slice %arg3[%run_scoped3A_10, %add3A, %scan3A_9, %dma_wait3A_64, %dma_wait3A_65] : memref<2x32x5x25x80xi32, #tpu.memory_space<hbm>> -> memref<1x1x1x25x80xi32, #tpu.memory_space<hbm>>
        %dma_wait3A_67 = tpu.memref_squeeze %dma_wait3A_66 : memref<1x1x1x25x80xi32, #tpu.memory_space<hbm>> -> memref<25x80xi32, #tpu.memory_space<hbm>>
        tpu.wait_dma2 semaphore(%run_scoped3A_51 : memref<!tpu.dma_semaphore, #tpu.memory_space<semaphore_mem>>) src(%dma_wait3A_67 : memref<25x80xi32, #tpu.memory_space<hbm>>) dst(%arg7 : memref<25x80xi32, #tpu.memory_space<vmem>>)
        tpu.yield
      }) : () -> ()
      %dma_start3A = arith.constant 0 : i32
      %dma_start3A_11 = arith.constant 0 : i32
      %dma_start3A_12 = tpu.memref_slice %arg6[%dma_start3A, %dma_start3A_11] : memref<25x80xi32, #tpu.memory_space<vmem>> -> memref<1x80xi32, #tpu.memory_space<vmem>>
      %dma_start3A_13 = tpu.memref_squeeze %dma_start3A_12 : memref<1x80xi32, #tpu.memory_space<vmem>> -> memref<80xi32, #tpu.memory_space<vmem>>
      %dma_start3A_14 = arith.constant 0 : i32
      %dma_start3A_15 = arith.constant 0 : i32
      %dma_start3A_16 = tpu.memref_slice %arg2[%dma_start3A_14, %dma_start3A_15] : memref<10000x128xf32, #tpu.memory_space<hbm>> -> memref<10000x128xf32, #tpu.memory_space<hbm>>
      tpu.enqueue_indirect_dma source(%dma_start3A_16 : memref<10000x128xf32, #tpu.memory_space<hbm>>) target(%arg8 : memref<80x128xf32, #tpu.memory_space<vmem>>) offsets(%dma_start3A_13 : memref<80xi32, #tpu.memory_space<vmem>>) semaphore(%arg13 : memref<!tpu.dma_semaphore, #tpu.memory_space<semaphore_mem>>)
      %dma_start3A_17 = arith.constant 1 : i32
      %dma_start3A_18 = arith.constant 0 : i32
      %dma_start3A_19 = tpu.memref_slice %arg6[%dma_start3A_17, %dma_start3A_18] : memref<25x80xi32, #tpu.memory_space<vmem>> -> memref<1x80xi32, #tpu.memory_space<vmem>>
      %dma_start3A_20 = tpu.memref_squeeze %dma_start3A_19 : memref<1x80xi32, #tpu.memory_space<vmem>> -> memref<80xi32, #tpu.memory_space<vmem>>
      %dma_start3A_21 = arith.constant 0 : i32
      %dma_start3A_22 = arith.constant 0 : i32
      %dma_start3A_23 = tpu.memref_slice %arg2[%dma_start3A_21, %dma_start3A_22] : memref<10000x128xf32, #tpu.memory_space<hbm>> -> memref<10000x128xf32, #tpu.memory_space<hbm>>
      tpu.enqueue_indirect_dma source(%dma_start3A_23 : memref<10000x128xf32, #tpu.memory_space<hbm>>) target(%arg9 : memref<80x128xf32, #tpu.memory_space<vmem>>) offsets(%dma_start3A_20 : memref<80xi32, #tpu.memory_space<vmem>>) semaphore(%arg14 : memref<!tpu.dma_semaphore, #tpu.memory_space<semaphore_mem>>)
      %dma_start3A_24 = arith.constant 2 : i32
      %dma_start3A_25 = arith.constant 0 : i32
      %dma_start3A_26 = tpu.memref_slice %arg6[%dma_start3A_24, %dma_start3A_25] : memref<25x80xi32, #tpu.memory_space<vmem>> -> memref<1x80xi32, #tpu.memory_space<vmem>>
      %dma_start3A_27 = tpu.memref_squeeze %dma_start3A_26 : memref<1x80xi32, #tpu.memory_space<vmem>> -> memref<80xi32, #tpu.memory_space<vmem>>
      %dma_start3A_28 = arith.constant 0 : i32
      %dma_start3A_29 = arith.constant 0 : i32
      %dma_start3A_30 = tpu.memref_slice %arg2[%dma_start3A_28, %dma_start3A_29] : memref<10000x128xf32, #tpu.memory_space<hbm>> -> memref<10000x128xf32, #tpu.memory_space<hbm>>
      tpu.enqueue_indirect_dma source(%dma_start3A_30 : memref<10000x128xf32, #tpu.memory_space<hbm>>) target(%arg10 : memref<80x128xf32, #tpu.memory_space<vmem>>) offsets(%dma_start3A_27 : memref<80xi32, #tpu.memory_space<vmem>>) semaphore(%arg15 : memref<!tpu.dma_semaphore, #tpu.memory_space<semaphore_mem>>)
      %dma_start3A_31 = arith.constant 3 : i32
      %dma_start3A_32 = arith.constant 0 : i32
      %dma_start3A_33 = tpu.memref_slice %arg6[%dma_start3A_31, %dma_start3A_32] : memref<25x80xi32, #tpu.memory_space<vmem>> -> memref<1x80xi32, #tpu.memory_space<vmem>>
      %dma_start3A_34 = tpu.memref_squeeze %dma_start3A_33 : memref<1x80xi32, #tpu.memory_space<vmem>> -> memref<80xi32, #tpu.memory_space<vmem>>
      %dma_start3A_35 = arith.constant 0 : i32
      %dma_start3A_36 = arith.constant 0 : i32
      %dma_start3A_37 = tpu.memref_slice %arg2[%dma_start3A_35, %dma_start3A_36] : memref<10000x128xf32, #tpu.memory_space<hbm>> -> memref<10000x128xf32, #tpu.memory_space<hbm>>
      tpu.enqueue_indirect_dma source(%dma_start3A_37 : memref<10000x128xf32, #tpu.memory_space<hbm>>) target(%arg11 : memref<80x128xf32, #tpu.memory_space<vmem>>) offsets(%dma_start3A_34 : memref<80xi32, #tpu.memory_space<vmem>>) semaphore(%arg16 : memref<!tpu.dma_semaphore, #tpu.memory_space<semaphore_mem>>)
      %scan3A_38 = arith.constant 0 : i32
      %scan3A_39 = arith.constant 0 : i32
      %scan3A_40 = arith.constant 6 : i32
      %scan3A_41 = arith.addi %scan3A_39, %scan3A_40 : i32
      %scan3A_42 = arith.constant 1 : i32
      scf.for %scan3A_51 = %scan3A_39 to %scan3A_41 step %scan3A_42  : i32 {
        %mul3A_52 = arith.constant 4 : i32
        %mul3A_53 = arith.muli %scan3A_51, %mul3A_52 : i32
        %add3A_54 = arith.constant 0 : i32
        %add3A_55 = arith.addi %mul3A_53, %add3A_54 : i32
        %dma_wait3A_56 = arith.constant 0 : i32
        %dma_wait3A_57 = arith.constant 0 : i32
        %dma_wait3A_58 = tpu.memref_slice %arg6[%dma_wait3A_56, %dma_wait3A_57] : memref<25x80xi32, #tpu.memory_space<vmem>> -> memref<1x80xi32, #tpu.memory_space<vmem>>
        %dma_wait3A_59 = tpu.memref_squeeze %dma_wait3A_58 : memref<1x80xi32, #tpu.memory_space<vmem>> -> memref<80xi32, #tpu.memory_space<vmem>>
        %dma_wait3A_60 = arith.constant 0 : i32
        %dma_wait3A_61 = arith.constant 0 : i32
        %dma_wait3A_62 = tpu.memref_slice %arg2[%dma_wait3A_60, %dma_wait3A_61] : memref<10000x128xf32, #tpu.memory_space<hbm>> -> memref<10000x128xf32, #tpu.memory_space<hbm>>
        tpu.wait_indirect_dma semaphore(%arg13 : memref<!tpu.dma_semaphore, #tpu.memory_space<semaphore_mem>>) src(%dma_wait3A_62 : memref<10000x128xf32, #tpu.memory_space<hbm>>) dst(%arg8 : memref<80x128xf32, #tpu.memory_space<vmem>>)
        "tpu.region"() ({
          %run_scoped3A_115 = tpu.sem_alloc : memref<!tpu.dma_semaphore, #tpu.memory_space<semaphore_mem>>
          %dma_start3A_116 = arith.constant 0 : i32
          %dma_start3A_117 = tpu.memref_slice %arg7[%add3A_55, %dma_start3A_116] : memref<25x80xi32, #tpu.memory_space<vmem>> -> memref<1x80xi32, #tpu.memory_space<vmem>>
          %dma_start3A_118 = tpu.memref_squeeze %dma_start3A_117 : memref<1x80xi32, #tpu.memory_space<vmem>> -> memref<80xi32, #tpu.memory_space<vmem>>
          %dma_start3A_119 = arith.constant 0 : i32
          %dma_start3A_120 = arith.constant 0 : i32
          %dma_start3A_121 = tpu.memref_slice %arg12[%dma_start3A_119, %dma_start3A_120] : memref<10112x128xf32, #tpu.memory_space<vmem_shared>> -> memref<10112x128xf32, #tpu.memory_space<vmem_shared>>
          tpu.enqueue_indirect_dma source(%arg8 : memref<80x128xf32, #tpu.memory_space<vmem>>) target(%dma_start3A_121 : memref<10112x128xf32, #tpu.memory_space<vmem_shared>>) offsets(%dma_start3A_118 : memref<80xi32, #tpu.memory_space<vmem>>) semaphore(%run_scoped3A_115 : memref<!tpu.dma_semaphore, #tpu.memory_space<semaphore_mem>>) {add = true}
          %dma_wait3A_122 = arith.constant 0 : i32
          %dma_wait3A_123 = tpu.memref_slice %arg7[%add3A_55, %dma_wait3A_122] : memref<25x80xi32, #tpu.memory_space<vmem>> -> memref<1x80xi32, #tpu.memory_space<vmem>>
          %dma_wait3A_124 = tpu.memref_squeeze %dma_wait3A_123 : memref<1x80xi32, #tpu.memory_space<vmem>> -> memref<80xi32, #tpu.memory_space<vmem>>
          %dma_wait3A_125 = arith.constant 0 : i32
          %dma_wait3A_126 = arith.constant 0 : i32
          %dma_wait3A_127 = tpu.memref_slice %arg12[%dma_wait3A_125, %dma_wait3A_126] : memref<10112x128xf32, #tpu.memory_space<vmem_shared>> -> memref<10112x128xf32, #tpu.memory_space<vmem_shared>>
          tpu.wait_indirect_dma semaphore(%run_scoped3A_115 : memref<!tpu.dma_semaphore, #tpu.memory_space<semaphore_mem>>) src(%arg8 : memref<80x128xf32, #tpu.memory_space<vmem>>) dst(%dma_wait3A_127 : memref<10112x128xf32, #tpu.memory_space<vmem_shared>>)
          tpu.yield
        }) : () -> ()
        %add3A_63 = arith.constant 4 : i32
        %add3A_64 = arith.addi %add3A_55, %add3A_63 : i32
        %lt3A = arith.constant 25 : i32
        %lt3A_65 = arith.cmpi slt, %add3A_64, %lt3A : i32
        %convert_element_type3A = arith.extui %lt3A_65 : i1 to i32
        %cond3A = arith.constant 0 : i32
        %cond3A_66 = arith.cmpi ne, %convert_element_type3A, %cond3A : i32
        scf.if %cond3A_66 {
          %dma_start3A_115 = arith.constant 0 : i32
          %dma_start3A_116 = tpu.memref_slice %arg6[%add3A_64, %dma_start3A_115] : memref<25x80xi32, #tpu.memory_space<vmem>> -> memref<1x80xi32, #tpu.memory_space<vmem>>
          %dma_start3A_117 = tpu.memref_squeeze %dma_start3A_116 : memref<1x80xi32, #tpu.memory_space<vmem>> -> memref<80xi32, #tpu.memory_space<vmem>>
          %dma_start3A_118 = arith.constant 0 : i32
          %dma_start3A_119 = arith.constant 0 : i32
          %dma_start3A_120 = tpu.memref_slice %arg2[%dma_start3A_118, %dma_start3A_119] : memref<10000x128xf32, #tpu.memory_space<hbm>> -> memref<10000x128xf32, #tpu.memory_space<hbm>>
          tpu.enqueue_indirect_dma source(%dma_start3A_120 : memref<10000x128xf32, #tpu.memory_space<hbm>>) target(%arg8 : memref<80x128xf32, #tpu.memory_space<vmem>>) offsets(%dma_start3A_117 : memref<80xi32, #tpu.memory_space<vmem>>) semaphore(%arg13 : memref<!tpu.dma_semaphore, #tpu.memory_space<semaphore_mem>>)
        } else {
        }
        %add3A_67 = arith.constant 1 : i32
        %add3A_68 = arith.addi %mul3A_53, %add3A_67 : i32
        %dma_wait3A_69 = arith.constant 0 : i32
        %dma_wait3A_70 = arith.constant 0 : i32
        %dma_wait3A_71 = tpu.memref_slice %arg6[%dma_wait3A_69, %dma_wait3A_70] : memref<25x80xi32, #tpu.memory_space<vmem>> -> memref<1x80xi32, #tpu.memory_space<vmem>>
        %dma_wait3A_72 = tpu.memref_squeeze %dma_wait3A_71 : memref<1x80xi32, #tpu.memory_space<vmem>> -> memref<80xi32, #tpu.memory_space<vmem>>
        %dma_wait3A_73 = arith.constant 0 : i32
        %dma_wait3A_74 = arith.constant 0 : i32
        %dma_wait3A_75 = tpu.memref_slice %arg2[%dma_wait3A_73, %dma_wait3A_74] : memref<10000x128xf32, #tpu.memory_space<hbm>> -> memref<10000x128xf32, #tpu.memory_space<hbm>>
        tpu.wait_indirect_dma semaphore(%arg14 : memref<!tpu.dma_semaphore, #tpu.memory_space<semaphore_mem>>) src(%dma_wait3A_75 : memref<10000x128xf32, #tpu.memory_space<hbm>>) dst(%arg9 : memref<80x128xf32, #tpu.memory_space<vmem>>)
        "tpu.region"() ({
          %run_scoped3A_115 = tpu.sem_alloc : memref<!tpu.dma_semaphore, #tpu.memory_space<semaphore_mem>>
          %dma_start3A_116 = arith.constant 0 : i32
          %dma_start3A_117 = tpu.memref_slice %arg7[%add3A_68, %dma_start3A_116] : memref<25x80xi32, #tpu.memory_space<vmem>> -> memref<1x80xi32, #tpu.memory_space<vmem>>
          %dma_start3A_118 = tpu.memref_squeeze %dma_start3A_117 : memref<1x80xi32, #tpu.memory_space<vmem>> -> memref<80xi32, #tpu.memory_space<vmem>>
          %dma_start3A_119 = arith.constant 0 : i32
          %dma_start3A_120 = arith.constant 0 : i32
          %dma_start3A_121 = tpu.memref_slice %arg12[%dma_start3A_119, %dma_start3A_120] : memref<10112x128xf32, #tpu.memory_space<vmem_shared>> -> memref<10112x128xf32, #tpu.memory_space<vmem_shared>>
          tpu.enqueue_indirect_dma source(%arg9 : memref<80x128xf32, #tpu.memory_space<vmem>>) target(%dma_start3A_121 : memref<10112x128xf32, #tpu.memory_space<vmem_shared>>) offsets(%dma_start3A_118 : memref<80xi32, #tpu.memory_space<vmem>>) semaphore(%run_scoped3A_115 : memref<!tpu.dma_semaphore, #tpu.memory_space<semaphore_mem>>) {add = true}
          %dma_wait3A_122 = arith.constant 0 : i32
          %dma_wait3A_123 = tpu.memref_slice %arg7[%add3A_68, %dma_wait3A_122] : memref<25x80xi32, #tpu.memory_space<vmem>> -> memref<1x80xi32, #tpu.memory_space<vmem>>
          %dma_wait3A_124 = tpu.memref_squeeze %dma_wait3A_123 : memref<1x80xi32, #tpu.memory_space<vmem>> -> memref<80xi32, #tpu.memory_space<vmem>>
          %dma_wait3A_125 = arith.constant 0 : i32
          %dma_wait3A_126 = arith.constant 0 : i32
          %dma_wait3A_127 = tpu.memref_slice %arg12[%dma_wait3A_125, %dma_wait3A_126] : memref<10112x128xf32, #tpu.memory_space<vmem_shared>> -> memref<10112x128xf32, #tpu.memory_space<vmem_shared>>
          tpu.wait_indirect_dma semaphore(%run_scoped3A_115 : memref<!tpu.dma_semaphore, #tpu.memory_space<semaphore_mem>>) src(%arg9 : memref<80x128xf32, #tpu.memory_space<vmem>>) dst(%dma_wait3A_127 : memref<10112x128xf32, #tpu.memory_space<vmem_shared>>)
          tpu.yield
        }) : () -> ()
        %add3A_76 = arith.constant 4 : i32
        %add3A_77 = arith.addi %add3A_68, %add3A_76 : i32
        %lt3A_78 = arith.constant 25 : i32
        %lt3A_79 = arith.cmpi slt, %add3A_77, %lt3A_78 : i32
        %convert_element_type3A_80 = arith.extui %lt3A_79 : i1 to i32
        %cond3A_81 = arith.constant 0 : i32
        %cond3A_82 = arith.cmpi ne, %convert_element_type3A_80, %cond3A_81 : i32
        scf.if %cond3A_82 {
          %dma_start3A_115 = arith.constant 0 : i32
          %dma_start3A_116 = tpu.memref_slice %arg6[%add3A_77, %dma_start3A_115] : memref<25x80xi32, #tpu.memory_space<vmem>> -> memref<1x80xi32, #tpu.memory_space<vmem>>
          %dma_start3A_117 = tpu.memref_squeeze %dma_start3A_116 : memref<1x80xi32, #tpu.memory_space<vmem>> -> memref<80xi32, #tpu.memory_space<vmem>>
          %dma_start3A_118 = arith.constant 0 : i32
          %dma_start3A_119 = arith.constant 0 : i32
          %dma_start3A_120 = tpu.memref_slice %arg2[%dma_start3A_118, %dma_start3A_119] : memref<10000x128xf32, #tpu.memory_space<hbm>> -> memref<10000x128xf32, #tpu.memory_space<hbm>>
          tpu.enqueue_indirect_dma source(%dma_start3A_120 : memref<10000x128xf32, #tpu.memory_space<hbm>>) target(%arg9 : memref<80x128xf32, #tpu.memory_space<vmem>>) offsets(%dma_start3A_117 : memref<80xi32, #tpu.memory_space<vmem>>) semaphore(%arg14 : memref<!tpu.dma_semaphore, #tpu.memory_space<semaphore_mem>>)
        } else {
        }
        %add3A_83 = arith.constant 2 : i32
        %add3A_84 = arith.addi %mul3A_53, %add3A_83 : i32
        %dma_wait3A_85 = arith.constant 0 : i32
        %dma_wait3A_86 = arith.constant 0 : i32
        %dma_wait3A_87 = tpu.memref_slice %arg6[%dma_wait3A_85, %dma_wait3A_86] : memref<25x80xi32, #tpu.memory_space<vmem>> -> memref<1x80xi32, #tpu.memory_space<vmem>>
        %dma_wait3A_88 = tpu.memref_squeeze %dma_wait3A_87 : memref<1x80xi32, #tpu.memory_space<vmem>> -> memref<80xi32, #tpu.memory_space<vmem>>
        %dma_wait3A_89 = arith.constant 0 : i32
        %dma_wait3A_90 = arith.constant 0 : i32
        %dma_wait3A_91 = tpu.memref_slice %arg2[%dma_wait3A_89, %dma_wait3A_90] : memref<10000x128xf32, #tpu.memory_space<hbm>> -> memref<10000x128xf32, #tpu.memory_space<hbm>>
        tpu.wait_indirect_dma semaphore(%arg15 : memref<!tpu.dma_semaphore, #tpu.memory_space<semaphore_mem>>) src(%dma_wait3A_91 : memref<10000x128xf32, #tpu.memory_space<hbm>>) dst(%arg10 : memref<80x128xf32, #tpu.memory_space<vmem>>)
        "tpu.region"() ({
          %run_scoped3A_115 = tpu.sem_alloc : memref<!tpu.dma_semaphore, #tpu.memory_space<semaphore_mem>>
          %dma_start3A_116 = arith.constant 0 : i32
          %dma_start3A_117 = tpu.memref_slice %arg7[%add3A_84, %dma_start3A_116] : memref<25x80xi32, #tpu.memory_space<vmem>> -> memref<1x80xi32, #tpu.memory_space<vmem>>
          %dma_start3A_118 = tpu.memref_squeeze %dma_start3A_117 : memref<1x80xi32, #tpu.memory_space<vmem>> -> memref<80xi32, #tpu.memory_space<vmem>>
          %dma_start3A_119 = arith.constant 0 : i32
          %dma_start3A_120 = arith.constant 0 : i32
          %dma_start3A_121 = tpu.memref_slice %arg12[%dma_start3A_119, %dma_start3A_120] : memref<10112x128xf32, #tpu.memory_space<vmem_shared>> -> memref<10112x128xf32, #tpu.memory_space<vmem_shared>>
          tpu.enqueue_indirect_dma source(%arg10 : memref<80x128xf32, #tpu.memory_space<vmem>>) target(%dma_start3A_121 : memref<10112x128xf32, #tpu.memory_space<vmem_shared>>) offsets(%dma_start3A_118 : memref<80xi32, #tpu.memory_space<vmem>>) semaphore(%run_scoped3A_115 : memref<!tpu.dma_semaphore, #tpu.memory_space<semaphore_mem>>) {add = true}
          %dma_wait3A_122 = arith.constant 0 : i32
          %dma_wait3A_123 = tpu.memref_slice %arg7[%add3A_84, %dma_wait3A_122] : memref<25x80xi32, #tpu.memory_space<vmem>> -> memref<1x80xi32, #tpu.memory_space<vmem>>
          %dma_wait3A_124 = tpu.memref_squeeze %dma_wait3A_123 : memref<1x80xi32, #tpu.memory_space<vmem>> -> memref<80xi32, #tpu.memory_space<vmem>>
          %dma_wait3A_125 = arith.constant 0 : i32
          %dma_wait3A_126 = arith.constant 0 : i32
          %dma_wait3A_127 = tpu.memref_slice %arg12[%dma_wait3A_125, %dma_wait3A_126] : memref<10112x128xf32, #tpu.memory_space<vmem_shared>> -> memref<10112x128xf32, #tpu.memory_space<vmem_shared>>
          tpu.wait_indirect_dma semaphore(%run_scoped3A_115 : memref<!tpu.dma_semaphore, #tpu.memory_space<semaphore_mem>>) src(%arg10 : memref<80x128xf32, #tpu.memory_space<vmem>>) dst(%dma_wait3A_127 : memref<10112x128xf32, #tpu.memory_space<vmem_shared>>)
          tpu.yield
        }) : () -> ()
        %add3A_92 = arith.constant 4 : i32
        %add3A_93 = arith.addi %add3A_84, %add3A_92 : i32
        %lt3A_94 = arith.constant 25 : i32
        %lt3A_95 = arith.cmpi slt, %add3A_93, %lt3A_94 : i32
        %convert_element_type3A_96 = arith.extui %lt3A_95 : i1 to i32
        %cond3A_97 = arith.constant 0 : i32
        %cond3A_98 = arith.cmpi ne, %convert_element_type3A_96, %cond3A_97 : i32
        scf.if %cond3A_98 {
          %dma_start3A_115 = arith.constant 0 : i32
          %dma_start3A_116 = tpu.memref_slice %arg6[%add3A_93, %dma_start3A_115] : memref<25x80xi32, #tpu.memory_space<vmem>> -> memref<1x80xi32, #tpu.memory_space<vmem>>
          %dma_start3A_117 = tpu.memref_squeeze %dma_start3A_116 : memref<1x80xi32, #tpu.memory_space<vmem>> -> memref<80xi32, #tpu.memory_space<vmem>>
          %dma_start3A_118 = arith.constant 0 : i32
          %dma_start3A_119 = arith.constant 0 : i32
          %dma_start3A_120 = tpu.memref_slice %arg2[%dma_start3A_118, %dma_start3A_119] : memref<10000x128xf32, #tpu.memory_space<hbm>> -> memref<10000x128xf32, #tpu.memory_space<hbm>>
          tpu.enqueue_indirect_dma source(%dma_start3A_120 : memref<10000x128xf32, #tpu.memory_space<hbm>>) target(%arg10 : memref<80x128xf32, #tpu.memory_space<vmem>>) offsets(%dma_start3A_117 : memref<80xi32, #tpu.memory_space<vmem>>) semaphore(%arg15 : memref<!tpu.dma_semaphore, #tpu.memory_space<semaphore_mem>>)
        } else {
        }
        %add3A_99 = arith.constant 3 : i32
        %add3A_100 = arith.addi %mul3A_53, %add3A_99 : i32
        %dma_wait3A_101 = arith.constant 0 : i32
        %dma_wait3A_102 = arith.constant 0 : i32
        %dma_wait3A_103 = tpu.memref_slice %arg6[%dma_wait3A_101, %dma_wait3A_102] : memref<25x80xi32, #tpu.memory_space<vmem>> -> memref<1x80xi32, #tpu.memory_space<vmem>>
        %dma_wait3A_104 = tpu.memref_squeeze %dma_wait3A_103 : memref<1x80xi32, #tpu.memory_space<vmem>> -> memref<80xi32, #tpu.memory_space<vmem>>
        %dma_wait3A_105 = arith.constant 0 : i32
        %dma_wait3A_106 = arith.constant 0 : i32
        %dma_wait3A_107 = tpu.memref_slice %arg2[%dma_wait3A_105, %dma_wait3A_106] : memref<10000x128xf32, #tpu.memory_space<hbm>> -> memref<10000x128xf32, #tpu.memory_space<hbm>>
        tpu.wait_indirect_dma semaphore(%arg16 : memref<!tpu.dma_semaphore, #tpu.memory_space<semaphore_mem>>) src(%dma_wait3A_107 : memref<10000x128xf32, #tpu.memory_space<hbm>>) dst(%arg11 : memref<80x128xf32, #tpu.memory_space<vmem>>)
        "tpu.region"() ({
          %run_scoped3A_115 = tpu.sem_alloc : memref<!tpu.dma_semaphore, #tpu.memory_space<semaphore_mem>>
          %dma_start3A_116 = arith.constant 0 : i32
          %dma_start3A_117 = tpu.memref_slice %arg7[%add3A_100, %dma_start3A_116] : memref<25x80xi32, #tpu.memory_space<vmem>> -> memref<1x80xi32, #tpu.memory_space<vmem>>
          %dma_start3A_118 = tpu.memref_squeeze %dma_start3A_117 : memref<1x80xi32, #tpu.memory_space<vmem>> -> memref<80xi32, #tpu.memory_space<vmem>>
          %dma_start3A_119 = arith.constant 0 : i32
          %dma_start3A_120 = arith.constant 0 : i32
          %dma_start3A_121 = tpu.memref_slice %arg12[%dma_start3A_119, %dma_start3A_120] : memref<10112x128xf32, #tpu.memory_space<vmem_shared>> -> memref<10112x128xf32, #tpu.memory_space<vmem_shared>>
          tpu.enqueue_indirect_dma source(%arg11 : memref<80x128xf32, #tpu.memory_space<vmem>>) target(%dma_start3A_121 : memref<10112x128xf32, #tpu.memory_space<vmem_shared>>) offsets(%dma_start3A_118 : memref<80xi32, #tpu.memory_space<vmem>>) semaphore(%run_scoped3A_115 : memref<!tpu.dma_semaphore, #tpu.memory_space<semaphore_mem>>) {add = true}
          %dma_wait3A_122 = arith.constant 0 : i32
          %dma_wait3A_123 = tpu.memref_slice %arg7[%add3A_100, %dma_wait3A_122] : memref<25x80xi32, #tpu.memory_space<vmem>> -> memref<1x80xi32, #tpu.memory_space<vmem>>
          %dma_wait3A_124 = tpu.memref_squeeze %dma_wait3A_123 : memref<1x80xi32, #tpu.memory_space<vmem>> -> memref<80xi32, #tpu.memory_space<vmem>>
          %dma_wait3A_125 = arith.constant 0 : i32
          %dma_wait3A_126 = arith.constant 0 : i32
          %dma_wait3A_127 = tpu.memref_slice %arg12[%dma_wait3A_125, %dma_wait3A_126] : memref<10112x128xf32, #tpu.memory_space<vmem_shared>> -> memref<10112x128xf32, #tpu.memory_space<vmem_shared>>
          tpu.wait_indirect_dma semaphore(%run_scoped3A_115 : memref<!tpu.dma_semaphore, #tpu.memory_space<semaphore_mem>>) src(%arg11 : memref<80x128xf32, #tpu.memory_space<vmem>>) dst(%dma_wait3A_127 : memref<10112x128xf32, #tpu.memory_space<vmem_shared>>)
          tpu.yield
        }) : () -> ()
        %add3A_108 = arith.constant 4 : i32
        %add3A_109 = arith.addi %add3A_100, %add3A_108 : i32
        %lt3A_110 = arith.constant 25 : i32
        %lt3A_111 = arith.cmpi slt, %add3A_109, %lt3A_110 : i32
        %convert_element_type3A_112 = arith.extui %lt3A_111 : i1 to i32
        %cond3A_113 = arith.constant 0 : i32
        %cond3A_114 = arith.cmpi ne, %convert_element_type3A_112, %cond3A_113 : i32
        scf.if %cond3A_114 {
          %dma_start3A_115 = arith.constant 0 : i32
          %dma_start3A_116 = tpu.memref_slice %arg6[%add3A_109, %dma_start3A_115] : memref<25x80xi32, #tpu.memory_space<vmem>> -> memref<1x80xi32, #tpu.memory_space<vmem>>
          %dma_start3A_117 = tpu.memref_squeeze %dma_start3A_116 : memref<1x80xi32, #tpu.memory_space<vmem>> -> memref<80xi32, #tpu.memory_space<vmem>>
          %dma_start3A_118 = arith.constant 0 : i32
          %dma_start3A_119 = arith.constant 0 : i32
          %dma_start3A_120 = tpu.memref_slice %arg2[%dma_start3A_118, %dma_start3A_119] : memref<10000x128xf32, #tpu.memory_space<hbm>> -> memref<10000x128xf32, #tpu.memory_space<hbm>>
          tpu.enqueue_indirect_dma source(%dma_start3A_120 : memref<10000x128xf32, #tpu.memory_space<hbm>>) target(%arg11 : memref<80x128xf32, #tpu.memory_space<vmem>>) offsets(%dma_start3A_117 : memref<80xi32, #tpu.memory_space<vmem>>) semaphore(%arg16 : memref<!tpu.dma_semaphore, #tpu.memory_space<semaphore_mem>>)
        } else {
        }
      }
      %scan3A_43 = arith.constant 6 : i32
      %dma_wait3A = arith.constant 0 : i32
      %dma_wait3A_44 = arith.constant 0 : i32
      %dma_wait3A_45 = tpu.memref_slice %arg6[%dma_wait3A, %dma_wait3A_44] : memref<25x80xi32, #tpu.memory_space<vmem>> -> memref<1x80xi32, #tpu.memory_space<vmem>>
      %dma_wait3A_46 = tpu.memref_squeeze %dma_wait3A_45 : memref<1x80xi32, #tpu.memory_space<vmem>> -> memref<80xi32, #tpu.memory_space<vmem>>
      %dma_wait3A_47 = arith.constant 0 : i32
      %dma_wait3A_48 = arith.constant 0 : i32
      %dma_wait3A_49 = tpu.memref_slice %arg2[%dma_wait3A_47, %dma_wait3A_48] : memref<10000x128xf32, #tpu.memory_space<hbm>> -> memref<10000x128xf32, #tpu.memory_space<hbm>>
      tpu.wait_indirect_dma semaphore(%arg13 : memref<!tpu.dma_semaphore, #tpu.memory_space<semaphore_mem>>) src(%dma_wait3A_49 : memref<10000x128xf32, #tpu.memory_space<hbm>>) dst(%arg8 : memref<80x128xf32, #tpu.memory_space<vmem>>)
      %run_scoped3A_50 = arith.constant 24 : i32
      "tpu.region"() ({
        %run_scoped3A_51 = tpu.sem_alloc : memref<!tpu.dma_semaphore, #tpu.memory_space<semaphore_mem>>
        %dma_start3A_52 = arith.constant 0 : i32
        %dma_start3A_53 = tpu.memref_slice %arg7[%run_scoped3A_50, %dma_start3A_52] : memref<25x80xi32, #tpu.memory_space<vmem>> -> memref<1x80xi32, #tpu.memory_space<vmem>>
        %dma_start3A_54 = tpu.memref_squeeze %dma_start3A_53 : memref<1x80xi32, #tpu.memory_space<vmem>> -> memref<80xi32, #tpu.memory_space<vmem>>
        %dma_start3A_55 = arith.constant 0 : i32
        %dma_start3A_56 = arith.constant 0 : i32
        %dma_start3A_57 = tpu.memref_slice %arg12[%dma_start3A_55, %dma_start3A_56] : memref<10112x128xf32, #tpu.memory_space<vmem_shared>> -> memref<10112x128xf32, #tpu.memory_space<vmem_shared>>
        tpu.enqueue_indirect_dma source(%arg8 : memref<80x128xf32, #tpu.memory_space<vmem>>) target(%dma_start3A_57 : memref<10112x128xf32, #tpu.memory_space<vmem_shared>>) offsets(%dma_start3A_54 : memref<80xi32, #tpu.memory_space<vmem>>) semaphore(%run_scoped3A_51 : memref<!tpu.dma_semaphore, #tpu.memory_space<semaphore_mem>>) {add = true}
        %dma_wait3A_58 = arith.constant 0 : i32
        %dma_wait3A_59 = tpu.memref_slice %arg7[%run_scoped3A_50, %dma_wait3A_58] : memref<25x80xi32, #tpu.memory_space<vmem>> -> memref<1x80xi32, #tpu.memory_space<vmem>>
        %dma_wait3A_60 = tpu.memref_squeeze %dma_wait3A_59 : memref<1x80xi32, #tpu.memory_space<vmem>> -> memref<80xi32, #tpu.memory_space<vmem>>
        %dma_wait3A_61 = arith.constant 0 : i32
        %dma_wait3A_62 = arith.constant 0 : i32
        %dma_wait3A_63 = tpu.memref_slice %arg12[%dma_wait3A_61, %dma_wait3A_62] : memref<10112x128xf32, #tpu.memory_space<vmem_shared>> -> memref<10112x128xf32, #tpu.memory_space<vmem_shared>>
        tpu.wait_indirect_dma semaphore(%run_scoped3A_51 : memref<!tpu.dma_semaphore, #tpu.memory_space<semaphore_mem>>) src(%arg8 : memref<80x128xf32, #tpu.memory_space<vmem>>) dst(%dma_wait3A_63 : memref<10112x128xf32, #tpu.memory_space<vmem_shared>>)
        tpu.yield
      }) : () -> ()
    }
    %scan3A_7 = arith.constant 5 : i32
    %barrier3A_8 = arith.constant 0 : index
    tpu.barrier barrier_id(%barrier3A_8)
    "tpu.region"() ({
      %run_scoped3A = tpu.sem_alloc : memref<!tpu.dma_semaphore, #tpu.memory_space<semaphore_mem>>
      %dma_start3A = arith.constant 0 : i32
      %dma_start3A_9 = tpu.memref_slice %arg5[%arg0, %mul3A_2, %dma_start3A] : memref<2x10112x128xf32, #tpu.memory_space<hbm>> -> memref<1x632x128xf32, #tpu.memory_space<hbm>>
      %dma_start3A_10 = tpu.memref_squeeze %dma_start3A_9 : memref<1x632x128xf32, #tpu.memory_space<hbm>> -> memref<632x128xf32, #tpu.memory_space<hbm>>
      %dma_start3A_11 = arith.constant 0 : i32
      %dma_start3A_12 = tpu.memref_slice %arg12[%mul3A_2, %dma_start3A_11] : memref<10112x128xf32, #tpu.memory_space<vmem_shared>> -> memref<632x128xf32, #tpu.memory_space<vmem_shared>>
      tpu.enqueue_dma source(%dma_start3A_12 : memref<632x128xf32, #tpu.memory_space<vmem_shared>>) target(%dma_start3A_10 : memref<632x128xf32, #tpu.memory_space<hbm>>) target_semaphore(%run_scoped3A : memref<!tpu.dma_semaphore, #tpu.memory_space<semaphore_mem>>)
      %dma_wait3A = arith.constant 0 : i32
      %dma_wait3A_13 = tpu.memref_slice %arg5[%arg0, %mul3A_2, %dma_wait3A] : memref<2x10112x128xf32, #tpu.memory_space<hbm>> -> memref<1x632x128xf32, #tpu.memory_space<hbm>>
      %dma_wait3A_14 = tpu.memref_squeeze %dma_wait3A_13 : memref<1x632x128xf32, #tpu.memory_space<hbm>> -> memref<632x128xf32, #tpu.memory_space<hbm>>
      %dma_wait3A_15 = arith.constant 0 : i32
      %dma_wait3A_16 = tpu.memref_slice %arg12[%mul3A_2, %dma_wait3A_15] : memref<10112x128xf32, #tpu.memory_space<vmem_shared>> -> memref<632x128xf32, #tpu.memory_space<vmem_shared>>
      tpu.wait_dma2 semaphore(%run_scoped3A : memref<!tpu.dma_semaphore, #tpu.memory_space<semaphore_mem>>) src(%dma_wait3A_16 : memref<632x128xf32, #tpu.memory_space<vmem_shared>>) dst(%dma_wait3A_14 : memref<632x128xf32, #tpu.memory_space<hbm>>)
      tpu.yield
    }) : () -> ()
    return
  }
}

module attributes {stable_mosaic.version = 14 : i64} {
  func.func @body(%arg0: i32, %arg1: memref<5000x128xf32, #tpu.memory_space<vmem>>, %arg2: memref<128x128xf32, #tpu.memory_space<vmem>>, %arg3: memref<1x128xf32, #tpu.memory_space<vmem>>, %arg4: memref<5000x128xf32, #tpu.memory_space<vmem>>) attributes {dimension_semantics = [#tpu.dimension_semantics<arbitrary>], iteration_bounds = array<i64: 2>, scalar_prefetch = 0 : i64, scratch_operands = 0 : i64, tpu.core_type = #tpu.core_type<tc>, window_params = [{transform_indices = @transform_0, window_bounds = array<i64: 5000, 128>}, {pipeline_mode = #tpu.pipeline_mode<synchronous>, transform_indices = @transform_1, window_bounds = array<i64: 128, 128>}, {pipeline_mode = #tpu.pipeline_mode<synchronous>, transform_indices = @transform_2, window_bounds = array<i64: 1, 128>}, {transform_indices = @transform_3, window_bounds = array<i64: 5000, 128>}]} {
    %get3A = arith.constant 0 : index
    %get3A_0 = arith.constant 0 : index
    %get3A_1 = vector.load %arg1[%get3A, %get3A_0] : memref<5000x128xf32, #tpu.memory_space<vmem>>, vector<5000x128xf32>
    %get3A_2 = arith.constant 0 : index
    %get3A_3 = arith.constant 0 : index
    %get3A_4 = vector.load %arg2[%get3A_2, %get3A_3] : memref<128x128xf32, #tpu.memory_space<vmem>>, vector<128x128xf32>
    %transpose3A = tpu.transpose %get3A_4, [1, 0] : vector<128x128xf32> -> vector<128x128xf32>
    %dot_general3A = arith.constant dense<0.000000e+00> : vector<5000x128xf32>
    %dot_general3A_5 = tpu.matmul %get3A_1, %transpose3A, %dot_general3A {dimension_numbers = #tpu.dot_dimension_numbers<[1], [0], [0], [1], [0, 0, 1, 1], [], []>, transpose_lhs_hint = false} : vector<5000x128xf32>, vector<128x128xf32>, vector<5000x128xf32> -> vector<5000x128xf32>
    %get3A_6 = arith.constant 0 : index
    %get3A_7 = arith.constant 0 : index
    %get3A_8 = vector.load %arg3[%get3A_6, %get3A_7] : memref<1x128xf32, #tpu.memory_space<vmem>>, vector<1x128xf32>
    %add3A = vector.broadcast %get3A_8 : vector<1x128xf32> to vector<5000x128xf32>
    %add3A_9 = arith.addf %dot_general3A_5, %add3A : vector<5000x128xf32>
    %swap3A = arith.constant 0 : index
    %swap3A_10 = arith.constant 0 : index
    %swap3A_11 = vector.load %arg4[%swap3A, %swap3A_10] : memref<5000x128xf32, #tpu.memory_space<vmem>>, vector<5000x128xf32>
    tpu.vector_store %arg4[%swap3A, %swap3A_10], %add3A_9 {strides = array<i32>} : memref<5000x128xf32, #tpu.memory_space<vmem>>, vector<5000x128xf32>,
    return
  }
  func.func @transform_0(%arg0: i32) -> (i32, i32) {
    %c0_i32 = arith.constant 0 : i32
    %c0_i32_0 = arith.constant 0 : i32
    return %arg0, %c0_i32 : i32, i32
  }
  func.func @transform_1(%arg0: i32) -> (i32, i32) {
    %c0_i32 = arith.constant 0 : i32
    %c0_i32_0 = arith.constant 0 : i32
    %c0_i32_1 = arith.constant 0 : i32
    return %c0_i32, %c0_i32_0 : i32, i32
  }
  func.func @transform_2(%arg0: i32) -> (i32, i32) {
    %c0_i32 = arith.constant 0 : i32
    %c0_i32_0 = arith.constant 0 : i32
    %c0_i32_1 = arith.constant 0 : i32
    return %c0_i32, %c0_i32_0 : i32, i32
  }
  func.func @transform_3(%arg0: i32) -> (i32, i32) {
    %c0_i32 = arith.constant 0 : i32
    %c0_i32_0 = arith.constant 0 : i32
    return %arg0, %c0_i32 : i32, i32
  }
}

module attributes {stable_mosaic.version = 14 : i64} {
  func.func @body(%arg0: i32, %arg1: memref<2x5000x128xf32, #tpu.memory_space<vmem>>, %arg2: memref<5000x128xf32, #tpu.memory_space<vmem>>, %arg3: memref<8x128xf32, #tpu.memory_space<vmem>>, %arg4: memref<128x128xf32, #tpu.memory_space<vmem>>, %arg5: memref<128x128xf32, #tpu.memory_space<vmem>>, %arg6: memref<128x128xf32, #tpu.memory_space<vmem>>, %arg7: memref<1x128xf32, #tpu.memory_space<vmem>>, %arg8: memref<5000x128xf32, #tpu.memory_space<vmem>>) attributes {dimension_semantics = [#tpu.dimension_semantics<arbitrary>], iteration_bounds = array<i64: 2>, scalar_prefetch = 0 : i64, scratch_operands = 0 : i64, tpu.core_type = #tpu.core_type<tc>, window_params = [{transform_indices = @transform_0, window_bounds = array<i64: 2, 5000, 128>}, {transform_indices = @transform_1, window_bounds = array<i64: 5000, 128>}, {transform_indices = @transform_2, window_bounds = array<i64: 8, 128>}, {pipeline_mode = #tpu.pipeline_mode<synchronous>, transform_indices = @transform_3, window_bounds = array<i64: 128, 128>}, {pipeline_mode = #tpu.pipeline_mode<synchronous>, transform_indices = @transform_4, window_bounds = array<i64: 128, 128>}, {pipeline_mode = #tpu.pipeline_mode<synchronous>, transform_indices = @transform_5, window_bounds = array<i64: 128, 128>}, {pipeline_mode = #tpu.pipeline_mode<synchronous>, transform_indices = @transform_6, window_bounds = array<i64: 1, 128>}, {transform_indices = @transform_7, window_bounds = array<i64: 5000, 128>}]} {
    %get3A = arith.constant 0 : index
    %get3A_0 = arith.constant 0 : index
    %get3A_1 = arith.constant 0 : index
    %get3A_2 = vector.load %arg1[%get3A, %get3A_0, %get3A_1] : memref<2x5000x128xf32, #tpu.memory_space<vmem>>, vector<1x5000x128xf32>
    %get3A_3 = vector.shape_cast %get3A_2 : vector<1x5000x128xf32> to vector<5000x128xf32>
    %get3A_4 = arith.constant 1 : index
    %get3A_5 = arith.constant 0 : index
    %get3A_6 = arith.constant 0 : index
    %get3A_7 = vector.load %arg1[%get3A_4, %get3A_5, %get3A_6] : memref<2x5000x128xf32, #tpu.memory_space<vmem>>, vector<1x5000x128xf32>
    %get3A_8 = vector.shape_cast %get3A_7 : vector<1x5000x128xf32> to vector<5000x128xf32>
    %add3A = arith.addf %get3A_3, %get3A_8 : vector<5000x128xf32>
    %get3A_9 = arith.constant 0 : index
    %get3A_10 = arith.constant 0 : index
    %get3A_11 = vector.load %arg2[%get3A_9, %get3A_10] : memref<5000x128xf32, #tpu.memory_space<vmem>>, vector<5000x128xf32>
    %eq3A = arith.constant 0 : i32
    %eq3A_12 = arith.cmpi eq, %arg0, %eq3A : i32
    %get3A_13 = arith.constant 7 : index
    %get3A_14 = arith.constant 0 : index
    %get3A_15 = vector.load %arg3[%get3A_13, %get3A_14] : memref<8x128xf32, #tpu.memory_space<vmem>>, vector<1x128xf32>
    %jit3A = arith.constant 0.000000e+00 : f32
    %broadcast_in_dim3A = vector.broadcast %jit3A : f32 to vector<1x128xf32>
    %select_n3A = arith.select %eq3A_12, %broadcast_in_dim3A, %get3A_15 : vector<1x128xf32>
    %slice3A = vector.extract_strided_slice %get3A_11 {offsets = [0, 0], sizes = [4999, 128], strides = [1, 1]} : vector<5000x128xf32> to vector<4999x128xf32>
    %concatenate3A = tpu.concatenate %select_n3A, %slice3A in 0 : vector<1x128xf32>, vector<4999x128xf32> -> vector<5000x128xf32>
    %get3A_16 = arith.constant 0 : index
    %get3A_17 = arith.constant 0 : index
    %get3A_18 = vector.load %arg4[%get3A_16, %get3A_17] : memref<128x128xf32, #tpu.memory_space<vmem>>, vector<128x128xf32>
    %dot_general3A = arith.constant dense<0.000000e+00> : vector<5000x128xf32>
    %dot_general3A_19 = tpu.matmul %add3A, %get3A_18, %dot_general3A {dimension_numbers = #tpu.dot_dimension_numbers<[1], [0], [0], [1], [0, 0, 1, 1], [], []>, transpose_lhs_hint = false} : vector<5000x128xf32>, vector<128x128xf32>, vector<5000x128xf32> -> vector<5000x128xf32>
    %get3A_20 = arith.constant 0 : index
    %get3A_21 = arith.constant 0 : index
    %get3A_22 = vector.load %arg5[%get3A_20, %get3A_21] : memref<128x128xf32, #tpu.memory_space<vmem>>, vector<128x128xf32>
    %dot_general3A_23 = arith.constant dense<0.000000e+00> : vector<5000x128xf32>
    %dot_general3A_24 = tpu.matmul %get3A_11, %get3A_22, %dot_general3A_23 {dimension_numbers = #tpu.dot_dimension_numbers<[1], [0], [0], [1], [0, 0, 1, 1], [], []>, transpose_lhs_hint = false} : vector<5000x128xf32>, vector<128x128xf32>, vector<5000x128xf32> -> vector<5000x128xf32>
    %add3A_25 = arith.addf %dot_general3A_19, %dot_general3A_24 : vector<5000x128xf32>
    %get3A_26 = arith.constant 0 : index
    %get3A_27 = arith.constant 0 : index
    %get3A_28 = vector.load %arg6[%get3A_26, %get3A_27] : memref<128x128xf32, #tpu.memory_space<vmem>>, vector<128x128xf32>
    %dot_general3A_29 = arith.constant dense<0.000000e+00> : vector<5000x128xf32>
    %dot_general3A_30 = tpu.matmul %concatenate3A, %get3A_28, %dot_general3A_29 {dimension_numbers = #tpu.dot_dimension_numbers<[1], [0], [0], [1], [0, 0, 1, 1], [], []>, transpose_lhs_hint = false} : vector<5000x128xf32>, vector<128x128xf32>, vector<5000x128xf32> -> vector<5000x128xf32>
    %add3A_31 = arith.addf %add3A_25, %dot_general3A_30 : vector<5000x128xf32>
    %get3A_32 = arith.constant 0 : index
    %get3A_33 = arith.constant 0 : index
    %get3A_34 = vector.load %arg7[%get3A_32, %get3A_33] : memref<1x128xf32, #tpu.memory_space<vmem>>, vector<1x128xf32>
    %add3A_35 = vector.broadcast %get3A_34 : vector<1x128xf32> to vector<5000x128xf32>
    %add3A_36 = arith.addf %add3A_31, %add3A_35 : vector<5000x128xf32>
    %swap3A = arith.constant 0 : index
    %swap3A_37 = arith.constant 0 : index
    %swap3A_38 = vector.load %arg8[%swap3A, %swap3A_37] : memref<5000x128xf32, #tpu.memory_space<vmem>>, vector<5000x128xf32>
    tpu.vector_store %arg8[%swap3A, %swap3A_37], %add3A_36 {strides = array<i32>} : memref<5000x128xf32, #tpu.memory_space<vmem>>, vector<5000x128xf32>,
    return
  }
  func.func @transform_0(%arg0: i32) -> (i32, i32, i32) {
    %c0_i32 = arith.constant 0 : i32
    %c0_i32_0 = arith.constant 0 : i32
    %c0_i32_1 = arith.constant 0 : i32
    return %c0_i32, %arg0, %c0_i32_0 : i32, i32, i32
  }
  func.func @transform_1(%arg0: i32) -> (i32, i32) {
    %c0_i32 = arith.constant 0 : i32
    %c0_i32_0 = arith.constant 0 : i32
    return %arg0, %c0_i32 : i32, i32
  }
  func.func @transform_2(%arg0: i32) -> (i32, i32) {
    %mul3A = arith.constant 625 : i32
    %mul3A_0 = arith.muli %arg0, %mul3A : i32
    %sub3A = arith.constant 1 : i32
    %sub3A_1 = arith.subi %mul3A_0, %sub3A : i32
    %max3A = arith.constant 0 : i32
    %max3A_2 = arith.maxsi %sub3A_1, %max3A : i32
    %c0_i32 = arith.constant 0 : i32
    %c0_i32_3 = arith.constant 0 : i32
    return %max3A_2, %c0_i32 : i32, i32
  }
  func.func @transform_3(%arg0: i32) -> (i32, i32) {
    %c0_i32 = arith.constant 0 : i32
    %c0_i32_0 = arith.constant 0 : i32
    %c0_i32_1 = arith.constant 0 : i32
    return %c0_i32, %c0_i32_0 : i32, i32
  }
  func.func @transform_4(%arg0: i32) -> (i32, i32) {
    %c0_i32 = arith.constant 0 : i32
    %c0_i32_0 = arith.constant 0 : i32
    %c0_i32_1 = arith.constant 0 : i32
    return %c0_i32, %c0_i32_0 : i32, i32
  }
  func.func @transform_5(%arg0: i32) -> (i32, i32) {
    %c0_i32 = arith.constant 0 : i32
    %c0_i32_0 = arith.constant 0 : i32
    %c0_i32_1 = arith.constant 0 : i32
    return %c0_i32, %c0_i32_0 : i32, i32
  }
  func.func @transform_6(%arg0: i32) -> (i32, i32) {
    %c0_i32 = arith.constant 0 : i32
    %c0_i32_0 = arith.constant 0 : i32
    %c0_i32_1 = arith.constant 0 : i32
    return %c0_i32, %c0_i32_0 : i32, i32
  }
  func.func @transform_7(%arg0: i32) -> (i32, i32) {
    %c0_i32 = arith.constant 0 : i32
    %c0_i32_0 = arith.constant 0 : i32
    return %arg0, %c0_i32 : i32, i32
  }
}

module attributes {stable_mosaic.version = 14 : i64} {
  func.func @body(%arg0: i32, %arg1: memref<2x5000x128xf32, #tpu.memory_space<vmem>>, %arg2: memref<5000x128xf32, #tpu.memory_space<vmem>>) attributes {dimension_semantics = [#tpu.dimension_semantics<arbitrary>], iteration_bounds = array<i64: 2>, scalar_prefetch = 0 : i64, scratch_operands = 0 : i64, tpu.core_type = #tpu.core_type<tc>, window_params = [{transform_indices = @transform_0, window_bounds = array<i64: 2, 5000, 128>}, {transform_indices = @transform_1, window_bounds = array<i64: 5000, 128>}]} {
    %get3A = arith.constant 0 : index
    %get3A_0 = arith.constant 0 : index
    %get3A_1 = arith.constant 0 : index
    %get3A_2 = vector.load %arg1[%get3A, %get3A_0, %get3A_1] : memref<2x5000x128xf32, #tpu.memory_space<vmem>>, vector<1x5000x128xf32>
    %get3A_3 = vector.shape_cast %get3A_2 : vector<1x5000x128xf32> to vector<5000x128xf32>
    %get3A_4 = arith.constant 1 : index
    %get3A_5 = arith.constant 0 : index
    %get3A_6 = arith.constant 0 : index
    %get3A_7 = vector.load %arg1[%get3A_4, %get3A_5, %get3A_6] : memref<2x5000x128xf32, #tpu.memory_space<vmem>>, vector<1x5000x128xf32>
    %get3A_8 = vector.shape_cast %get3A_7 : vector<1x5000x128xf32> to vector<5000x128xf32>
    %add3A = arith.addf %get3A_3, %get3A_8 : vector<5000x128xf32>
    %swap3A = arith.constant 0 : index
    %swap3A_9 = arith.constant 0 : index
    %swap3A_10 = vector.load %arg2[%swap3A, %swap3A_9] : memref<5000x128xf32, #tpu.memory_space<vmem>>, vector<5000x128xf32>
    tpu.vector_store %arg2[%swap3A, %swap3A_9], %add3A {strides = array<i32>} : memref<5000x128xf32, #tpu.memory_space<vmem>>, vector<5000x128xf32>,
    return
  }
  func.func @transform_0(%arg0: i32) -> (i32, i32, i32) {
    %c0_i32 = arith.constant 0 : i32
    %c0_i32_0 = arith.constant 0 : i32
    %c0_i32_1 = arith.constant 0 : i32
    return %c0_i32, %arg0, %c0_i32_0 : i32, i32, i32
  }
  func.func @transform_1(%arg0: i32) -> (i32, i32) {
    %c0_i32 = arith.constant 0 : i32
    %c0_i32_0 = arith.constant 0 : i32
    return %arg0, %c0_i32 : i32, i32
  }
}

</mosaic_0001>

<sc_bundles>
// kernel: kernel.10.cloned.1.call-start
scs
__scs_entry_jumppad:
0x0: {  	(pc) =	sbr.rel $0x88, $3  }
0x1: {  	(tag) =	ssettag $0x0;
	lr =	simm.s32 $0x1  }
0x2: {  	[smem:$0x3F95] =	sst lr;
	_ =	strace $0xD0000000  }
0x3: {  	_ = 	snop  }
0x4: {  	_ = 	snop  }
0x5: {  	_ = 	snop  }
0x6: {  	_ = 	snop  }
0x7: {  	_ = 	snop  }
__scs_overlays_trampoline_lowered:
0x8: {  	[smem:$0x3FA4] =	sst s0  }
0x9: {  	[smem:$0x3FA5] =	sst s1  }
0xa: {  	[smem:$0x3FA6] =	sst s2  }
0xb: {  	[smem:$0x3FA7] =	sst s3  }
0xc: {  	[smem:$0x3FA8] =	sst s4  }
0xd: {  	[smem:$0x3FA9] =	sst s5  }
0xe: {  	[smem:$0x3FAA] =	sst s6  }
0xf: {  	[smem:$0x3FAB] =	sst s7  }
0x10: {  	[smem:$0x3FAC] =	sst s8  }
0x11: {  	[smem:$0x3FAD] =	sst s9;
	s0 =	simm.s32 @!p0 $0x0  }
0x12: {  	s1 =	sld [smem:$0x3F93];
	s0 =	simm.s32 @p0 $0x1  }
0x13: {  	[smem:$0x3FAE] =	sst s0;
	s0 =	simm.s32 @!p1 $0x0  }
0x14: {  	s2 =	sld [smem:$0x3F92];
	s0 =	simm.s32 @p1 $0x1  }
0x15: {  	[smem:$0x3FAF] =	sst s0;
	s0 =	simm.s32 @!p2 $0x0  }
0x16: {  	s3 =	sld [smem:$0x3FDB];
	s0 =	simm.s32 @p2 $0x1  }
0x17: {  	s4 =	simm.s32 $0x1BF5;
	[smem:$0x3FB1] =	sst s0  }
0x18: {  	s0 =	sld [smem:$0x3F94];
	_ =	swait.ge [sflag:s4], $0x0  }
0x19: {  	s7 =	sld [smem:$0x3F95]  }
0x1a: {  	s8 =	sadd.s32 $0xFFFFE003, lr  }
0x1b: {  	s9 =	sadd.s32 $0xFFFFFEF7, lr;
	s5 =	simm.s32 $0xFFFFFFFF;
	p2 =	slt.u32 s8, $0xFFFFF086  }
0x1c: {  	p1 =	slt.u32 s9, $0xF7A;
	s5 =	simm.s32 @!p2 $0x0  }
0x1d: {  	s5 =	simm.s32 @p1 $0x1;
	p0 =	seq.s32 s7, s2  }
0x1e: {  	s7 =	smul.u32 @!p0 $0xF7A, s2;
	p2 =	seq.s32 @!p0 s5, $0x0  }
0x1f: {  	s9 =	smul.u32 $0xF7A, s1;
	s8 =	simm.s32 @!p0 $0x1BF5;
	p2 =	por !p2, p0  }
0x20: {  	[sflag:s8] =	ssyncset.s32 @!p0 $0xFFFFF086;
	s6 =	sadd.s32 @!p0 s3, s7;
	s7 =	simm.s32 @!p0 $0x108  }
0x21: {  	s3 =	sadd.s32 s3, s9;
	s6 =	sadd.s32 @!p0 $0x88, s6;
	s7 =	simm.s32 @p2 $0x1082  }
0x22: {  	[simem:s7], [sflag:s8] =	dma.local @!p0 [hbm:s6], $0xF7A  }
0x23: {  	s9 =	sor.u32 $0xD0000000, s2;
	s6 =	simm.s32 $0x108;
	_ =	swait.ge @!p0 [sflag:s8], $0x0  }
0x24: {  	s3 =	sadd.s32 $0x88, s3;
	s6 =	simm.s32 @!p1 $0x1082;
	[sflag:s4] =	ssyncset.s32 $0xFFFFF086  }
0x25: {  	[simem:s6], [sflag:s4] =	dma.local [hbm:s3], $0xF7A  }
0x26: {  	[smem:$0x3F95] =	sst s1;
	(tag) =	ssettag s2;
	_ =	strace s9  }
0x27: {  	s1 =	sld [smem:$0x3FA5]  }
0x28: {  	s2 =	sld [smem:$0x3FA6]  }
0x29: {  	s4 =	sld [smem:$0x3FA8]  }
0x2a: {  	p0 =	seq.s32 s5, $0x0;
	s5 =	sld [smem:$0x3FA9]  }
0x2b: {  	s6 =	sld [smem:$0x3FAA]  }
0x2c: {  	s7 =	sld [smem:$0x3FAB]  }
0x2d: {  	s3 =	simm.s32 $0x108;
	s8 =	sld [smem:$0x3FAC]  }
0x2e: {  	s3 =	simm.s32 @!p0 $0x1082;
	s9 =	sld [smem:$0x3FAD]  }
0x2f: {  	lr =	sadd.s32 s0, s3;
	s0 =	sld [smem:$0x3FA4]  }
0x30: {  	s3 =	sld [smem:$0x3FA7]  }
0x31: {  	[smem:$0x3FB0] =	sst s10  }
0x32: {  	s10 =	sld [smem:$0x3FAE];
	_ =	sdelay $0x3  }
0x33: {  	p0 =	seq.s32 s10, $0x1;
	s10 =	sld [smem:$0x3FB0];
	_ =	sdelay $0x3  }
0x34: {  	[smem:$0x3FB0] =	sst s10  }
0x35: {  	s10 =	sld [smem:$0x3FAF];
	_ =	sdelay $0x3  }
0x36: {  	p1 =	seq.s32 s10, $0x1;
	s10 =	sld [smem:$0x3FB0];
	_ =	sdelay $0x3  }
0x37: {  	[smem:$0x3FB0] =	sst s10  }
0x38: {  	s10 =	sld [smem:$0x3FB1]  }
0x39: {  	_ = 	snop;
	(pc) =	sbr.ind lr, $3  }
0x3a: {  	_ = 	snop  }
0x3b: {  	_ = 	snop  }
0x3c: {  	p2 =	seq.s32 s10, $0x1;
	s10 =	sld [smem:$0x3FB0]  }
0x3d: {  	_ =	shalt  }
0x3e: {  	_ =	shalt  }
0x3f: {  	_ =	shalt  }
0x40: {  	_ =	shalt  }
0x41: {  	_ =	shalt  }
0x42: {  	_ =	shalt  }
0x43: {  	_ =	shalt  }
0x44: {  	_ =	shalt  }
0x45: {  	_ =	shalt  }
0x46: {  	_ =	shalt  }
0x47: {  	_ =	shalt  }
0x48: {  	_ =	shalt  }
0x49: {  	_ =	shalt  }
0x4a: {  	_ =	shalt  }
0x4b: {  	_ =	shalt  }
0x4c: {  	_ =	shalt  }
0x4d: {  	_ =	shalt  }
0x4e: {  	_ =	shalt  }
0x4f: {  	_ =	shalt  }
0x50: {  	_ =	shalt  }
0x51: {  	_ =	shalt  }
0x52: {  	_ =	shalt  }
0x53: {  	_ =	shalt  }
0x54: {  	_ =	shalt  }
0x55: {  	_ =	shalt  }
0x56: {  	_ =	shalt  }
0x57: {  	_ =	shalt  }
0x58: {  	_ =	shalt  }
0x59: {  	_ =	shalt  }
0x5a: {  	_ =	shalt  }
0x5b: {  	_ =	shalt  }
0x5c: {  	_ =	shalt  }
0x5d: {  	_ =	shalt  }
0x5e: {  	_ =	shalt  }
0x5f: {  	_ =	shalt  }
0x60: {  	_ =	shalt  }
0x61: {  	_ =	shalt  }
0x62: {  	_ =	shalt  }
0x63: {  	_ =	shalt  }
0x64: {  	_ =	shalt  }
0x65: {  	_ =	shalt  }
0x66: {  	_ =	shalt  }
0x67: {  	_ =	shalt  }
0x68: {  	_ =	shalt  }
0x69: {  	_ =	shalt  }
0x6a: {  	_ =	shalt  }
0x6b: {  	_ =	shalt  }
0x6c: {  	_ =	shalt  }
0x6d: {  	_ =	shalt  }
0x6e: {  	_ =	shalt  }
0x6f: {  	_ =	shalt  }
0x70: {  	_ =	shalt  }
0x71: {  	_ =	shalt  }
0x72: {  	_ =	shalt  }
0x73: {  	_ =	shalt  }
0x74: {  	_ =	shalt  }
0x75: {  	_ =	shalt  }
0x76: {  	_ =	shalt  }
0x77: {  	_ =	shalt  }
0x78: {  	_ =	shalt  }
0x79: {  	_ =	shalt  }
0x7a: {  	_ =	shalt  }
0x7b: {  	_ =	shalt  }
0x7c: {  	_ =	shalt  }
0x7d: {  	_ =	shalt  }
0x7e: {  	_ =	shalt  }
0x7f: {  	_ =	shalt  }
0x80: {  	_ =	shalt  }
0x81: {  	_ =	shalt  }
0x82: {  	_ =	shalt  }
0x83: {  	_ =	shalt  }
0x84: {  	_ =	shalt  }
0x85: {  	_ =	shalt  }
0x86: {  	_ =	shalt  }
0x87: {  	_ =	shalt  }
.Lfunc_end0:
.L_simem_size_0:
called_computation.1_lowered:
.L_overlay_start_0:
0x88: {  	s2 =	sld [smem:$0x3FD9]  }
0x89: {  	s3 =	sld [smem:$0x3FFE];
	_ =	sdelay $0x1  }
0x8a: {  	s1 =	srdreg.scid  }
0x8b: {  	s0 =	sand.u32 $0x1, s1  }
0x8c: {  	s17 =	sshll.u32 s0, $0xA;
	s2 =	sadd.s32 s3, s2  }
0x8d: {  	s2 =	sadd.s32 s2, s17  }
0x8e: {  	[smem:$0x3FBC] =	sst s2  }
0x8f: {  	_ = 	snop  }
0x90: {  	s2 =	sld [smem:$0x3FD0];
	(tm) =	ssettm $0x1  }
0x91: {  	s18 =	sld [smem:$0x3FFB];
	_ =	sdelay $0x3  }
0x92: {  	_ =	strace s18  }
0x93: {  	s3 =	sld [smem:$0x3FFC];
	_ =	sdelay $0x3  }
0x94: {  	_ =	strace s3  }
0x95: {  	s3 =	sld [smem:$0x3FFD];
	_ =	sdelay $0x3  }
0x96: {  	_ =	strace s3  }
0x97: {  	_ =	strace $0x8FFFFFFF  }
0x98: {  	s19 =	sld [smem:$0x3FDB];
	_ =	sdelay $0x1  }
0x99: {  	s4 =	simm.s32 $_scs_section_size  }
0x9a: {  	s5 =	simm.s32 $_size__tile_overlayer_lowered;
	s6 =	simm.s32 $_tile_overlayer_lowered  }
0x9b: {  	s22 =	simm.s32 $0x1BFF;
	s21 =	sshll.u32 s6, $0x1;
	s3 =	sadd.s32 s4, s19  }
0x9c: {  	s7 =	simm.s32 $0x0;
	s20 =	sshll.u32 s5, $0x1;
	s5 =	sadd.s32 s21, s3  }
0x9d: {  	[timem:s7], [sflag:s22] =	dma.local [hbm:s5], s20  }
0x9e: {  	_ =	swait.ge [sflag:s22], s20  }
0x9f: {  	s4 =	ssub.s32 $0x0, s20;
	[sflag:s22] =	ssyncset.done $0x0  }
0xa0: {  	[sflag:s22] =	ssyncadd.s32 s4;
	_ =	sdelay $0x1  }
0xa1: {  	s23 =	simm.s32 $0x1B8B  }
0xa2: {  	_ =	swait.ge [sflag:s23], $0x1  }
0xa3: {  	[sflag:s23] =	ssyncset.done $0x0  }
0xa4: {  	s25 =	simm.s32 $0x1B8E;
	s24 =	sld [smem:$0x3FFE];
	[sflag:s23] =	ssyncadd.s32 $0xFFFFFFFF  }
0xa5: {  	s26 =	simm.s32 $execute0_lowered;
	[smem:$0x3FD2] =	sst s25  }
0xa6: {  	s5 =	sshll.u32 s26, $0x1;
	_ =	strace $0x80000049;
	[dreg:$0x1] =	wrdreg $0xFFFFFFFF  }
0xa7: {  	s28 =	simm.s32 $_size_execute0_lowered;
	s3 =	sadd.s32 s3, s5;
	[dreg:$0x0] =	wrdreg $0x0  }
0xa8: {  	s5 =	sshll.u32 s28, $0x1;
	[dreg:$0x2] =	wrdreg s3  }
0xa9: {  	[dreg:$0x3] =	wrdreg s5  }
0xaa: {  	[dreg:$0x4] =	wrdreg $0xC0  }
0xab: {  	_ =	task [dreg:s7], $0x5FFFF  }
0xac: {  	[dreg:$0x1] =	wrdreg $0xFFFFFFFF  }
0xad: {  	[dreg:$0x0] =	wrdreg $0x60  }
0xae: {  	[dreg:$0x2] =	wrdreg s2  }
0xaf: {  	[dreg:$0x3] =	wrdreg s24  }
0xb0: {  	[dreg:$0x4] =	wrdreg $0xC0000  }
0xb1: {  	[dreg:$0x5] =	wrdreg $0x9  }
0xb2: {  	_ =	task.clear_ibuf [dreg:s7], $0x6FFFF;
	_ =	strace $0x90000049  }
0xb3: {  	s29 =	simm.s32 $0x9;
	_ =	strace $0x8000004B  }
0xb4: {  	_ =	swait.ge [sflag:s29], $0x1  }
0xb5: {  	[sflag:s29] =	ssyncadd.s32 $0xFFFFFFFF  }
0xb6: {  	_ =	strace $0x9000004B  }
0xb7: {  	_ =	sfence  }
0xb8: {  	s30 =	sld [smem:$0x0];
	_ =	sdelay $0x2  }
0xb9: {  	s31 =	sshll.u32 s1, $0xD;
	s1 =	sshrl.u32 s1, $0x2  }
0xba: {  	s3 =	sand.u32 $0x4000, s31;
	s1 =	sadd.s32 s1, s30  }
0xbb: {  	s0 =	sor.u32 s3, s0;
	s1 =	sshll.u32 s1, $0x11  }
0xbc: {  	s0 =	sor.u32 s1, s0  }
0xbd: {  	s0 =	sadd.s32 $0x8F2B, s0  }
0xbe: {  	[sflag:s0] =	ssyncadd.remote.s32 $0x1  }
0xbf: {  	_ =	sfence.sel $0xFFFF  }
0xc0: {  	[dreg:$0x0] =	wrdreg $0xFFFFFFFF;
	(pc) =	sbr.abs _section_cstart, $3  }
0xc1: {  	[dreg:$0x1] =	wrdreg $0xFFFFFFFF  }
0xc2: {  	_ =	task.clear_ibuf [dreg:s7], $0x2FFFF;
	_ =	strace $0x9FFFFFFF  }
0xc3: {  	(tm) =	ssettm $0x7FFFFFFF  }
tec
execute0_lowered:
.L_overlay_start_1:
0x0: {  	(tag) =	ssettag $0x1  }
0x1: {  	s1 =	rddreg [dreg:$0x0]  }
0x2: {  	s2 =	rddreg [dreg:$0x1]  }
0x3: {  	s3 =	rddreg [dreg:$0x2];
	s4 =	simm.s32 $0x0  }
0x4: {  	s22 =	simm.s32 $0x80;
	[smem:$0x7FF] =	sst s4  }
0x5: {  	s23 =	simm.s32 $0x100;
	_ =	strace $0x8000004A;
	[dreg:$0x6] =	wrdreg s22  }
0x6: {  	s24 =	simm.s32 $0x180;
	[dreg:$0x7] =	wrdreg s23  }
0x7: {  	s25 =	simm.s32 $0x200;
	[dreg:$0x8] =	wrdreg s24  }
0x8: {  	s8 =	simm.s32 $0x1080;
	[dreg:$0x9] =	wrdreg s25  }
0x9: {  	s10 =	simm.s32 $0x280;
	[dreg:$0xa] =	wrdreg s8  }
0xa: {  	s12 =	simm.s32 $0x1100;
	[dreg:$0xb] =	wrdreg s10  }
0xb: {  	s9 =	stileid.u32;
	s13 =	simm.s32 $0x300;
	[dreg:$0xc] =	wrdreg s12  }
0xc: {  	s0 =	srdreg.scid;
	s14 =	simm.s32 $0x1180;
	[dreg:$0xd] =	wrdreg s13  }
0xd: {  	s15 =	simm.s32 $0x380;
	s16 =	simm.s32 $0x1200;
	[dreg:$0xe] =	wrdreg s14  }
0xe: {  	s17 =	simm.s32 $0x400;
	s18 =	simm.s32 $0x1280;
	[dreg:$0xf] =	wrdreg s15  }
0xf: {  	s20 =	simm.s32 $0x480;
	s28 =	simm.s32 $0xB80;
	[dreg:$0x10] =	wrdreg s16  }
0x10: {  	s29 =	simm.s32 $0x1A00;
	s30 =	simm.s32 $0xC00;
	[dreg:$0x11] =	wrdreg s17  }
0x11: {  	s31 =	simm.s32 $0x1A80;
	s0 =	sand.u32 $0x1, s0;
	[dreg:$0x12] =	wrdreg s18  }
0x12: {  	s5 =	smul.u32 $0xA000, s9;
	[dreg:$0x13] =	wrdreg s20;
	s22 =	simm.s32 $0x1300  }
0x13: {  	s21 =	sadd.s32 $0x2E00, s2;
	s23 =	simm.s32 $0x500;
	[dreg:$0x14] =	wrdreg s22  }
0x14: {  	s26 =	smul.u32 $0x13C00, s9;
	s25 =	simm.s32 $0x1380;
	[dreg:$0x15] =	wrdreg s23  }
0x15: {  	s6 =	smul.u32 $0x5000, s0;
	s12 =	simm.s32 $0x1480;
	[dreg:$0x16] =	wrdreg s25  }
0x16: {  	s8 =	smul.u32 $0x13C000, s0;
	s13 =	simm.s32 $0x680;
	[dreg:$0x1a] =	wrdreg s12  }
0x17: {  	s0 =	ssub.s32 $0x2, s0;
	s14 =	simm.s32 $0x1500;
	[dreg:$0x1b] =	wrdreg s13  }
0x18: {  	s10 =	sshll.u32 s9, $0x6;
	s15 =	simm.s32 $0x700;
	[dreg:$0x1c] =	wrdreg s14  }
0x19: {  	s16 =	simm.s32 $0x1580;
	s17 =	simm.s32 $0x780;
	[dreg:$0x1d] =	wrdreg s15  }
0x1a: {  	s18 =	simm.s32 $0x1600;
	s20 =	simm.s32 $0x1680;
	[dreg:$0x1e] =	wrdreg s16  }
0x1b: {  	s11 =	sshrl.u32 s26, $0x3;
	s19 =	sshrl.u32 s0, $0x1;
	[dreg:$0x1f] =	wrdreg s17  }
0x1c: {  	s12 =	simm.s32 $0x50;
	s13 =	simm.s32 $0x2000;
	[smem:$0x7F3] =	sst s18  }
0x1d: {  	s14 =	simm.s32 $0x4800;
	s15 =	simm.s32 $0x7000;
	[smem:$0x7F5] =	sst s20  }
0x1e: {  	s16 =	simm.s32 $0x9800;
	s22 =	simm.s32 $0x1700;
	s17 =	simm.s32 $0x1  }
0x1f: {  	s23 =	simm.s32 $0x900;
	s18 =	simm.s32 $0x2;
	s25 =	simm.s32 $0x980  }
0x20: {  	s20 =	simm.s32 $0x4;
	s5 =	sadd.s32 s6, s5;
	s6 =	sadd.s32 s26, s8  }
0x21: {  	s0 =	ssub.s32 s0, s19;
	s26 =	simm.s32 $0x580;
	[smem:$0x7F7] =	sst s22  }
0x22: {  	s8 =	simm.s32 $0x1400;
	s19 =	simm.s32 $0x800;
	[smem:$0x7F8] =	sst s23  }
0x23: {  	[smem:$0x7FA] =	sst s25;
	s22 =	simm.s32 $0x1880;
	s23 =	simm.s32 $0xA80  }
0x24: {  	s25 =	simm.s32 $0xB00;
	s7 =	sshrl.u32 s5, $0x3;
	[dreg:$0x17] =	wrdreg s26  }
0x25: {  	s5 =	sadd.s32 $0xA0000, s5;
	s6 =	sshrl.u32 s6, $0x3;
	[dreg:$0x18] =	wrdreg s8  }
0x26: {  	s0 =	smax.u32 s0, $0x1;
	[smem:$0x7F4] =	sst s19;
	s19 =	simm.s32 $0x3  }
0x27: {  	s26 =	simm.s32 $0x1800;
	s7 =	sadd.s32 s7, s21;
	[smem:$0x7F2] =	sst s0  }
0x28: {  	s5 =	sshrl.u32 s5, $0x3;
	[smem:$0x7FB] =	sst s26;
	s26 =	simm.s32 $0x1980  }
0x29: {  	s0 =	simm.s32 $0x1B80;
	[dreg:$0x4] =	wrdreg s7;
	s5 =	sadd.s32 s5, s21  }
0x2a: {  	s7 =	sadd.s32 s11, s2;
	s2 =	sadd.s32 s6, s2;
	s21 =	smul.u32 $0x4F000, s9  }
0x2b: {  	s11 =	simm.s32 $0x600;
	s9 =	simm.s32 $0x0;
	[dreg:$0x5] =	wrdreg s5  }
0x2c: {  	s7 =	sadd.s32 $0x2AE00, s7;
	[dreg:$0x19] =	wrdreg s11;
	s2 =	sadd.s32 $0x52600, s2  }
0x2d: {  	s11 =	simm.s32 $0x1000;
	s5 =	simm.s32 $0x1C00;
	[smem:$0x7F0] =	sst s7  }
0x2e: {  	s24 =	sshrl.u32 s21, $0x2;
	[smem:$0x7F1] =	sst s2;
	s21 =	simm.s32 $0x880  }
0x2f: {  	s7 =	sor.u32 $0x1C05, s10;
	s10 =	simm.s32 $0x5;
	[smem:$0x7F6] =	sst s21  }
0x30: {  	s6 =	sadd.s32 s24, s3;
	s24 =	simm.s32 $0x1780;
	[smem:$0x7FC] =	sst s7  }
0x31: {  	s2 =	simm.s32 $0x1B00;
	s8 =	sshrl.u32 s6, $0x3;
	[smem:$0x7F9] =	sst s24  }
0x32: {  	s21 =	simm.s32 $0xA00;
	s24 =	simm.s32 $0x1900;
	[smem:$0x7FD] =	sst s8  }
.LBB2_1:
0x33: {  	s6 =	sld [smem:$0x7F0];
	_ =	sdelay $0x1  }
0x34: {  	[smem:$0x7EF] =	sst s9  }
0x35: {  	[spmem:s8], [sflag:s7] =	dma.local [hbm:s6], $0x2780  }
0x36: {  	_ =	swait.ge [sflag:s10], $0x2780  }
0x37: {  	[sflag:s10] =	ssyncset.done $0x0  }
0x38: {  	[sflag:s10] =	ssyncadd.s32 $0xFFFFD880  }
0x39: {  	[bflag:$0x0] =	sbarrier.arrive $0xFFFF  }
0x3a: {  	s9 =	rddreg [dreg:$0x5]  }
0x3b: {  	s6 =	sadd.s32 $0x0, s9  }
0x3c: {  	[tilespmem:s4], [sflag:$0x5] =	stream.linear.gather [hbm4b:s6+s4], $0xC80, $0x38;
	[tilespmem:$0x1FC00] =	vst v63  }
0x3d: {  	_ =	swait.ge [sflag:s10], $0xC80  }
0x3e: {  	s7 =	rddreg [dreg:$0x4];
	[sflag:s10] =	ssyncset.done $0x0  }
0x3f: {  	[sflag:s10] =	ssyncadd.s32 $0xFFFFF380;
	s6 =	sadd.s32 $0x0, s7  }
0x40: {  	[tilespmem:s11], [sflag:$0x5] =	stream.linear.gather [hbm4b:s6+s4], $0xC80, $0x38;
	[tilespmem:$0x1FC00] =	vst v63  }
0x41: {  	_ =	swait.ge [sflag:s10], $0xC80  }
0x42: {  	[sflag:s10] =	ssyncset.done $0x0  }
0x43: {  	[sflag:s10] =	ssyncadd.s32 $0xFFFFF380  }
0x44: {  	[tilespmem:s13], [sflag:$0x1] =	stream.indirect.gather [hbm4b:s1+s12], $0x80, s4, s12, $0xb8;
	[tilespmem:$0x1FC00] =	vst v63  }
0x45: {  	s8 =	rddreg [dreg:$0x6]  }
0x46: {  	[tilespmem:s14], [sflag:$0x2] =	stream.indirect.gather [hbm4b:s1+s12], $0x80, s8, s12, $0xb8;
	[tilespmem:$0x1FC00] =	vst v63  }
0x47: {  	s9 =	rddreg [dreg:$0x7]  }
0x48: {  	[tilespmem:s15], [sflag:$0x3] =	stream.indirect.gather [hbm4b:s1+s12], $0x80, s9, s12, $0xb8;
	[tilespmem:$0x1FC00] =	vst v63  }
0x49: {  	s7 =	rddreg [dreg:$0x8]  }
0x4a: {  	[tilespmem:s16], [sflag:$0x4] =	stream.indirect.gather [hbm4b:s1+s12], $0x80, s7, s12, $0xb8;
	[tilespmem:$0x1FC00] =	vst v63  }
0x4b: {  	_ =	swait.ge [sflag:s17], $0x2800  }
0x4c: {  	[sflag:s17] =	ssyncset.done $0x0  }
0x4d: {  	[sflag:s17] =	ssyncadd.s32 $0xFFFFD800  }
0x4e: {  	[spmem:s3] =	stream.indirect.scatter.add.f32 [tilespmem:s13], [sflag:$0x5], $0x80, s11, s12, $0xb8;
	[tilespmem:$0x1FC00] =	vst v63  }
0x4f: {  	_ =	swait.ge [sflag:s10], $0x2800  }
0x50: {  	[sflag:s10] =	ssyncset.done $0x0  }
0x51: {  	s8 =	rddreg [dreg:$0x9];
	[sflag:s10] =	ssyncadd.s32 $0xFFFFD800  }
0x52: {  	[tilespmem:s13], [sflag:$0x1] =	stream.indirect.gather [hbm4b:s1+s12], $0x80, s8, s12, $0xb8;
	[tilespmem:$0x1FC00] =	vst v63  }
0x53: {  	_ =	swait.ge [sflag:s18], $0x2800  }
0x54: {  	[sflag:s18] =	ssyncset.done $0x0  }
0x55: {  	s9 =	rddreg [dreg:$0xa];
	[sflag:s18] =	ssyncadd.s32 $0xFFFFD800  }
0x56: {  	[spmem:s3] =	stream.indirect.scatter.add.f32 [tilespmem:s14], [sflag:$0x5], $0x80, s9, s12, $0xb8;
	[tilespmem:$0x1FC00] =	vst v63  }
0x57: {  	_ =	swait.ge [sflag:s10], $0x2800  }
0x58: {  	[sflag:s10] =	ssyncset.done $0x0  }
0x59: {  	s7 =	rddreg [dreg:$0xb];
	[sflag:s10] =	ssyncadd.s32 $0xFFFFD800  }
0x5a: {  	[tilespmem:s14], [sflag:$0x2] =	stream.indirect.gather [hbm4b:s1+s12], $0x80, s7, s12, $0xb8;
	[tilespmem:$0x1FC00] =	vst v63  }
0x5b: {  	_ =	swait.ge [sflag:s19], $0x2800  }
0x5c: {  	[sflag:s19] =	ssyncset.done $0x0  }
0x5d: {  	s8 =	rddreg [dreg:$0xc];
	[sflag:s19] =	ssyncadd.s32 $0xFFFFD800  }
0x5e: {  	[spmem:s3] =	stream.indirect.scatter.add.f32 [tilespmem:s15], [sflag:$0x5], $0x80, s8, s12, $0xb8;
	[tilespmem:$0x1FC00] =	vst v63  }
0x5f: {  	_ =	swait.ge [sflag:s10], $0x2800  }
0x60: {  	[sflag:s10] =	ssyncset.done $0x0  }
0x61: {  	s9 =	rddreg [dreg:$0xd];
	[sflag:s10] =	ssyncadd.s32 $0xFFFFD800  }
0x62: {  	[tilespmem:s15], [sflag:$0x3] =	stream.indirect.gather [hbm4b:s1+s12], $0x80, s9, s12, $0xb8;
	[tilespmem:$0x1FC00] =	vst v63  }
0x63: {  	_ =	swait.ge [sflag:s20], $0x2800  }
0x64: {  	[sflag:s20] =	ssyncset.done $0x0  }
0x65: {  	s7 =	rddreg [dreg:$0xe];
	[sflag:s20] =	ssyncadd.s32 $0xFFFFD800  }
0x66: {  	[spmem:s3] =	stream.indirect.scatter.add.f32 [tilespmem:s16], [sflag:$0x5], $0x80, s7, s12, $0xb8;
	[tilespmem:$0x1FC00] =	vst v63  }
0x67: {  	_ =	swait.ge [sflag:s10], $0x2800  }
0x68: {  	[sflag:s10] =	ssyncset.done $0x0  }
0x69: {  	s8 =	rddreg [dreg:$0xf];
	[sflag:s10] =	ssyncadd.s32 $0xFFFFD800  }
0x6a: {  	[tilespmem:s16], [sflag:$0x4] =	stream.indirect.gather [hbm4b:s1+s12], $0x80, s8, s12, $0xb8;
	[tilespmem:$0x1FC00] =	vst v63  }
0x6b: {  	_ =	swait.ge [sflag:s17], $0x2800  }
0x6c: {  	[sflag:s17] =	ssyncset.done $0x0  }
0x6d: {  	s9 =	rddreg [dreg:$0x10];
	[sflag:s17] =	ssyncadd.s32 $0xFFFFD800  }
0x6e: {  	[spmem:s3] =	stream.indirect.scatter.add.f32 [tilespmem:s13], [sflag:$0x5], $0x80, s9, s12, $0xb8;
	[tilespmem:$0x1FC00] =	vst v63  }
0x6f: {  	_ =	swait.ge [sflag:s10], $0x2800  }
0x70: {  	[sflag:s10] =	ssyncset.done $0x0  }
0x71: {  	s7 =	rddreg [dreg:$0x11];
	[sflag:s10] =	ssyncadd.s32 $0xFFFFD800  }
0x72: {  	[tilespmem:s13], [sflag:$0x1] =	stream.indirect.gather [hbm4b:s1+s12], $0x80, s7, s12, $0xb8;
	[tilespmem:$0x1FC00] =	vst v63  }
0x73: {  	_ =	swait.ge [sflag:s18], $0x2800  }
0x74: {  	[sflag:s18] =	ssyncset.done $0x0  }
0x75: {  	s8 =	rddreg [dreg:$0x12];
	[sflag:s18] =	ssyncadd.s32 $0xFFFFD800  }
0x76: {  	[spmem:s3] =	stream.indirect.scatter.add.f32 [tilespmem:s14], [sflag:$0x5], $0x80, s8, s12, $0xb8;
	[tilespmem:$0x1FC00] =	vst v63  }
0x77: {  	_ =	swait.ge [sflag:s10], $0x2800  }
0x78: {  	[sflag:s10] =	ssyncset.done $0x0  }
0x79: {  	s9 =	rddreg [dreg:$0x13];
	[sflag:s10] =	ssyncadd.s32 $0xFFFFD800  }
0x7a: {  	[tilespmem:s14], [sflag:$0x2] =	stream.indirect.gather [hbm4b:s1+s12], $0x80, s9, s12, $0xb8;
	[tilespmem:$0x1FC00] =	vst v63  }
0x7b: {  	_ =	swait.ge [sflag:s19], $0x2800  }
0x7c: {  	[sflag:s19] =	ssyncset.done $0x0  }
0x7d: {  	s7 =	rddreg [dreg:$0x14];
	[sflag:s19] =	ssyncadd.s32 $0xFFFFD800  }
0x7e: {  	[spmem:s3] =	stream.indirect.scatter.add.f32 [tilespmem:s15], [sflag:$0x5], $0x80, s7, s12, $0xb8;
	[tilespmem:$0x1FC00] =	vst v63  }
0x7f: {  	_ =	swait.ge [sflag:s10], $0x2800  }
0x80: {  	[sflag:s10] =	ssyncset.done $0x0  }
0x81: {  	s8 =	rddreg [dreg:$0x15];
	[sflag:s10] =	ssyncadd.s32 $0xFFFFD800  }
0x82: {  	[tilespmem:s15], [sflag:$0x3] =	stream.indirect.gather [hbm4b:s1+s12], $0x80, s8, s12, $0xb8;
	[tilespmem:$0x1FC00] =	vst v63  }
0x83: {  	_ =	swait.ge [sflag:s20], $0x2800  }
0x84: {  	[sflag:s20] =	ssyncset.done $0x0  }
0x85: {  	s9 =	rddreg [dreg:$0x16];
	[sflag:s20] =	ssyncadd.s32 $0xFFFFD800  }
0x86: {  	[spmem:s3] =	stream.indirect.scatter.add.f32 [tilespmem:s16], [sflag:$0x5], $0x80, s9, s12, $0xb8;
	[tilespmem:$0x1FC00] =	vst v63  }
0x87: {  	_ =	swait.ge [sflag:s10], $0x2800  }
0x88: {  	[sflag:s10] =	ssyncset.done $0x0  }
0x89: {  	s7 =	rddreg [dreg:$0x17];
	[sflag:s10] =	ssyncadd.s32 $0xFFFFD800  }
0x8a: {  	[tilespmem:s16], [sflag:$0x4] =	stream.indirect.gather [hbm4b:s1+s12], $0x80, s7, s12, $0xb8;
	[tilespmem:$0x1FC00] =	vst v63  }
0x8b: {  	_ =	swait.ge [sflag:s17], $0x2800  }
0x8c: {  	[sflag:s17] =	ssyncset.done $0x0  }
0x8d: {  	s8 =	rddreg [dreg:$0x18];
	[sflag:s17] =	ssyncadd.s32 $0xFFFFD800  }
0x8e: {  	[spmem:s3] =	stream.indirect.scatter.add.f32 [tilespmem:s13], [sflag:$0x5], $0x80, s8, s12, $0xb8;
	[tilespmem:$0x1FC00] =	vst v63  }
0x8f: {  	_ =	swait.ge [sflag:s10], $0x2800  }
0x90: {  	[sflag:s10] =	ssyncset.done $0x0  }
0x91: {  	s9 =	rddreg [dreg:$0x19];
	[sflag:s10] =	ssyncadd.s32 $0xFFFFD800  }
0x92: {  	[tilespmem:s13], [sflag:$0x1] =	stream.indirect.gather [hbm4b:s1+s12], $0x80, s9, s12, $0xb8;
	[tilespmem:$0x1FC00] =	vst v63  }
0x93: {  	_ =	swait.ge [sflag:s18], $0x2800  }
0x94: {  	[sflag:s18] =	ssyncset.done $0x0  }
0x95: {  	s7 =	rddreg [dreg:$0x1a];
	[sflag:s18] =	ssyncadd.s32 $0xFFFFD800  }
0x96: {  	[spmem:s3] =	stream.indirect.scatter.add.f32 [tilespmem:s14], [sflag:$0x5], $0x80, s7, s12, $0xb8;
	[tilespmem:$0x1FC00] =	vst v63  }
0x97: {  	_ =	swait.ge [sflag:s10], $0x2800  }
0x98: {  	[sflag:s10] =	ssyncset.done $0x0  }
0x99: {  	s8 =	rddreg [dreg:$0x1b];
	[sflag:s10] =	ssyncadd.s32 $0xFFFFD800  }
0x9a: {  	[tilespmem:s14], [sflag:$0x2] =	stream.indirect.gather [hbm4b:s1+s12], $0x80, s8, s12, $0xb8;
	[tilespmem:$0x1FC00] =	vst v63  }
0x9b: {  	_ =	swait.ge [sflag:s19], $0x2800  }
0x9c: {  	[sflag:s19] =	ssyncset.done $0x0  }
0x9d: {  	s9 =	rddreg [dreg:$0x1c];
	[sflag:s19] =	ssyncadd.s32 $0xFFFFD800  }
0x9e: {  	[spmem:s3] =	stream.indirect.scatter.add.f32 [tilespmem:s15], [sflag:$0x5], $0x80, s9, s12, $0xb8;
	[tilespmem:$0x1FC00] =	vst v63  }
0x9f: {  	_ =	swait.ge [sflag:s10], $0x2800  }
0xa0: {  	[sflag:s10] =	ssyncset.done $0x0  }
0xa1: {  	s7 =	rddreg [dreg:$0x1d];
	[sflag:s10] =	ssyncadd.s32 $0xFFFFD800  }
0xa2: {  	[tilespmem:s15], [sflag:$0x3] =	stream.indirect.gather [hbm4b:s1+s12], $0x80, s7, s12, $0xb8;
	[tilespmem:$0x1FC00] =	vst v63  }
0xa3: {  	_ =	swait.ge [sflag:s20], $0x2800  }
0xa4: {  	[sflag:s20] =	ssyncset.done $0x0  }
0xa5: {  	s8 =	rddreg [dreg:$0x1e];
	[sflag:s20] =	ssyncadd.s32 $0xFFFFD800  }
0xa6: {  	[spmem:s3] =	stream.indirect.scatter.add.f32 [tilespmem:s16], [sflag:$0x5], $0x80, s8, s12, $0xb8;
	[tilespmem:$0x1FC00] =	vst v63  }
0xa7: {  	_ =	swait.ge [sflag:s10], $0x2800  }
0xa8: {  	[sflag:s10] =	ssyncset.done $0x0  }
0xa9: {  	s9 =	rddreg [dreg:$0x1f];
	[sflag:s10] =	ssyncadd.s32 $0xFFFFD800  }
0xaa: {  	[tilespmem:s16], [sflag:$0x4] =	stream.indirect.gather [hbm4b:s1+s12], $0x80, s9, s12, $0xb8;
	[tilespmem:$0x1FC00] =	vst v63  }
0xab: {  	_ =	swait.ge [sflag:s17], $0x2800  }
0xac: {  	s7 =	sld [smem:$0x7F3]  }
0xad: {  	[sflag:s17] =	ssyncset.done $0x0  }
0xae: {  	[sflag:s17] =	ssyncadd.s32 $0xFFFFD800  }
0xaf: {  	[spmem:s3] =	stream.indirect.scatter.add.f32 [tilespmem:s13], [sflag:$0x5], $0x80, s7, s12, $0xb8;
	[tilespmem:$0x1FC00] =	vst v63  }
0xb0: {  	_ =	swait.ge [sflag:s10], $0x2800  }
0xb1: {  	s8 =	sld [smem:$0x7F4]  }
0xb2: {  	[sflag:s10] =	ssyncset.done $0x0  }
0xb3: {  	[sflag:s10] =	ssyncadd.s32 $0xFFFFD800  }
0xb4: {  	[tilespmem:s13], [sflag:$0x1] =	stream.indirect.gather [hbm4b:s1+s12], $0x80, s8, s12, $0xb8;
	[tilespmem:$0x1FC00] =	vst v63  }
0xb5: {  	_ =	swait.ge [sflag:s18], $0x2800  }
0xb6: {  	s9 =	sld [smem:$0x7F5]  }
0xb7: {  	[sflag:s18] =	ssyncset.done $0x0  }
0xb8: {  	[sflag:s18] =	ssyncadd.s32 $0xFFFFD800  }
0xb9: {  	[spmem:s3] =	stream.indirect.scatter.add.f32 [tilespmem:s14], [sflag:$0x5], $0x80, s9, s12, $0xb8;
	[tilespmem:$0x1FC00] =	vst v63  }
0xba: {  	_ =	swait.ge [sflag:s10], $0x2800  }
0xbb: {  	s7 =	sld [smem:$0x7F6]  }
0xbc: {  	[sflag:s10] =	ssyncset.done $0x0  }
0xbd: {  	[sflag:s10] =	ssyncadd.s32 $0xFFFFD800  }
0xbe: {  	[tilespmem:s14], [sflag:$0x2] =	stream.indirect.gather [hbm4b:s1+s12], $0x80, s7, s12, $0xb8;
	[tilespmem:$0x1FC00] =	vst v63  }
0xbf: {  	_ =	swait.ge [sflag:s19], $0x2800  }
0xc0: {  	s8 =	sld [smem:$0x7F7]  }
0xc1: {  	[sflag:s19] =	ssyncset.done $0x0  }
0xc2: {  	[sflag:s19] =	ssyncadd.s32 $0xFFFFD800  }
0xc3: {  	[spmem:s3] =	stream.indirect.scatter.add.f32 [tilespmem:s15], [sflag:$0x5], $0x80, s8, s12, $0xb8;
	[tilespmem:$0x1FC00] =	vst v63  }
0xc4: {  	_ =	swait.ge [sflag:s10], $0x2800  }
0xc5: {  	s9 =	sld [smem:$0x7F8]  }
0xc6: {  	[sflag:s10] =	ssyncset.done $0x0  }
0xc7: {  	[sflag:s10] =	ssyncadd.s32 $0xFFFFD800  }
0xc8: {  	[tilespmem:s15], [sflag:$0x3] =	stream.indirect.gather [hbm4b:s1+s12], $0x80, s9, s12, $0xb8;
	[tilespmem:$0x1FC00] =	vst v63  }
0xc9: {  	_ =	swait.ge [sflag:s20], $0x2800  }
0xca: {  	s7 =	sld [smem:$0x7F9]  }
0xcb: {  	[sflag:s20] =	ssyncset.done $0x0  }
0xcc: {  	[sflag:s20] =	ssyncadd.s32 $0xFFFFD800  }
0xcd: {  	[spmem:s3] =	stream.indirect.scatter.add.f32 [tilespmem:s16], [sflag:$0x5], $0x80, s7, s12, $0xb8;
	[tilespmem:$0x1FC00] =	vst v63  }
0xce: {  	_ =	swait.ge [sflag:s10], $0x2800  }
0xcf: {  	s8 =	sld [smem:$0x7FA]  }
0xd0: {  	[sflag:s10] =	ssyncset.done $0x0  }
0xd1: {  	[sflag:s10] =	ssyncadd.s32 $0xFFFFD800  }
0xd2: {  	[tilespmem:s16], [sflag:$0x4] =	stream.indirect.gather [hbm4b:s1+s12], $0x80, s8, s12, $0xb8;
	[tilespmem:$0x1FC00] =	vst v63  }
0xd3: {  	_ =	swait.ge [sflag:s17], $0x2800  }
0xd4: {  	s9 =	sld [smem:$0x7FB]  }
0xd5: {  	[sflag:s17] =	ssyncset.done $0x0  }
0xd6: {  	[sflag:s17] =	ssyncadd.s32 $0xFFFFD800  }
0xd7: {  	[spmem:s3] =	stream.indirect.scatter.add.f32 [tilespmem:s13], [sflag:$0x5], $0x80, s9, s12, $0xb8;
	[tilespmem:$0x1FC00] =	vst v63  }
0xd8: {  	_ =	swait.ge [sflag:s10], $0x2800  }
0xd9: {  	[sflag:s10] =	ssyncset.done $0x0  }
0xda: {  	[sflag:s10] =	ssyncadd.s32 $0xFFFFD800  }
0xdb: {  	[tilespmem:s13], [sflag:$0x1] =	stream.indirect.gather [hbm4b:s1+s12], $0x80, s21, s12, $0xb8;
	[tilespmem:$0x1FC00] =	vst v63  }
0xdc: {  	_ =	swait.ge [sflag:s18], $0x2800  }
0xdd: {  	[sflag:s18] =	ssyncset.done $0x0  }
0xde: {  	[sflag:s18] =	ssyncadd.s32 $0xFFFFD800  }
0xdf: {  	[spmem:s3] =	stream.indirect.scatter.add.f32 [tilespmem:s14], [sflag:$0x5], $0x80, s22, s12, $0xb8;
	[tilespmem:$0x1FC00] =	vst v63  }
0xe0: {  	_ =	swait.ge [sflag:s10], $0x2800  }
0xe1: {  	[sflag:s10] =	ssyncset.done $0x0  }
0xe2: {  	[sflag:s10] =	ssyncadd.s32 $0xFFFFD800  }
0xe3: {  	[tilespmem:s14], [sflag:$0x2] =	stream.indirect.gather [hbm4b:s1+s12], $0x80, s23, s12, $0xb8;
	[tilespmem:$0x1FC00] =	vst v63  }
0xe4: {  	_ =	swait.ge [sflag:s19], $0x2800  }
0xe5: {  	[sflag:s19] =	ssyncset.done $0x0  }
0xe6: {  	[sflag:s19] =	ssyncadd.s32 $0xFFFFD800  }
0xe7: {  	[spmem:s3] =	stream.indirect.scatter.add.f32 [tilespmem:s15], [sflag:$0x5], $0x80, s24, s12, $0xb8;
	[tilespmem:$0x1FC00] =	vst v63  }
0xe8: {  	_ =	swait.ge [sflag:s10], $0x2800  }
0xe9: {  	[sflag:s10] =	ssyncset.done $0x0  }
0xea: {  	[sflag:s10] =	ssyncadd.s32 $0xFFFFD800  }
0xeb: {  	[tilespmem:s15], [sflag:$0x3] =	stream.indirect.gather [hbm4b:s1+s12], $0x80, s25, s12, $0xb8;
	[tilespmem:$0x1FC00] =	vst v63  }
0xec: {  	_ =	swait.ge [sflag:s20], $0x2800  }
0xed: {  	[sflag:s20] =	ssyncset.done $0x0  }
0xee: {  	[sflag:s20] =	ssyncadd.s32 $0xFFFFD800  }
0xef: {  	[spmem:s3] =	stream.indirect.scatter.add.f32 [tilespmem:s16], [sflag:$0x5], $0x80, s26, s12, $0xb8;
	[tilespmem:$0x1FC00] =	vst v63  }
0xf0: {  	_ =	swait.ge [sflag:s10], $0x2800  }
0xf1: {  	[sflag:s10] =	ssyncset.done $0x0  }
0xf2: {  	[sflag:s10] =	ssyncadd.s32 $0xFFFFD800  }
0xf3: {  	[tilespmem:s16], [sflag:$0x4] =	stream.indirect.gather [hbm4b:s1+s12], $0x80, s28, s12, $0xb8;
	[tilespmem:$0x1FC00] =	vst v63  }
0xf4: {  	_ =	swait.ge [sflag:s17], $0x2800  }
0xf5: {  	[sflag:s17] =	ssyncset.done $0x0  }
0xf6: {  	[sflag:s17] =	ssyncadd.s32 $0xFFFFD800  }
0xf7: {  	[spmem:s3] =	stream.indirect.scatter.add.f32 [tilespmem:s13], [sflag:$0x5], $0x80, s29, s12, $0xb8;
	[tilespmem:$0x1FC00] =	vst v63  }
0xf8: {  	_ =	swait.ge [sflag:s10], $0x2800  }
0xf9: {  	[sflag:s10] =	ssyncset.done $0x0  }
0xfa: {  	[sflag:s10] =	ssyncadd.s32 $0xFFFFD800  }
0xfb: {  	[tilespmem:s13], [sflag:$0x1] =	stream.indirect.gather [hbm4b:s1+s12], $0x80, s30, s12, $0xb8;
	[tilespmem:$0x1FC00] =	vst v63  }
0xfc: {  	_ =	swait.ge [sflag:s18], $0x2800  }
0xfd: {  	[sflag:s18] =	ssyncset.done $0x0  }
0xfe: {  	[sflag:s18] =	ssyncadd.s32 $0xFFFFD800  }
0xff: {  	[spmem:s3] =	stream.indirect.scatter.add.f32 [tilespmem:s14], [sflag:$0x5], $0x80, s31, s12, $0xb8;
	[tilespmem:$0x1FC00] =	vst v63  }
0x100: {  	_ =	swait.ge [sflag:s10], $0x2800  }
0x101: {  	[sflag:s10] =	ssyncset.done $0x0  }
0x102: {  	[sflag:s10] =	ssyncadd.s32 $0xFFFFD800  }
0x103: {  	_ =	swait.ge [sflag:s19], $0x2800  }
0x104: {  	[sflag:s19] =	ssyncset.done $0x0  }
0x105: {  	[sflag:s19] =	ssyncadd.s32 $0xFFFFD800  }
0x106: {  	[spmem:s3] =	stream.indirect.scatter.add.f32 [tilespmem:s15], [sflag:$0x5], $0x80, s2, s12, $0xb8;
	[tilespmem:$0x1FC00] =	vst v63  }
0x107: {  	_ =	swait.ge [sflag:s10], $0x2800  }
0x108: {  	[sflag:s10] =	ssyncset.done $0x0  }
0x109: {  	[sflag:s10] =	ssyncadd.s32 $0xFFFFD800  }
0x10a: {  	_ =	swait.ge [sflag:s20], $0x2800  }
0x10b: {  	[sflag:s20] =	ssyncset.done $0x0  }
0x10c: {  	[sflag:s20] =	ssyncadd.s32 $0xFFFFD800  }
0x10d: {  	[spmem:s3] =	stream.indirect.scatter.add.f32 [tilespmem:s16], [sflag:$0x5], $0x80, s0, s12, $0xb8;
	[tilespmem:$0x1FC00] =	vst v63  }
0x10e: {  	_ =	swait.ge [sflag:s10], $0x2800  }
0x10f: {  	[sflag:s10] =	ssyncset.done $0x0  }
0x110: {  	[sflag:s10] =	ssyncadd.s32 $0xFFFFD800  }
0x111: {  	_ =	swait.ge [sflag:s17], $0x2800  }
0x112: {  	[sflag:s17] =	ssyncset.done $0x0  }
0x113: {  	[sflag:s17] =	ssyncadd.s32 $0xFFFFD800  }
0x114: {  	[spmem:s3] =	stream.indirect.scatter.add.f32 [tilespmem:s13], [sflag:$0x5], $0x80, s5, s12, $0xb8;
	[tilespmem:$0x1FC00] =	vst v63  }
0x115: {  	s6 =	simm.s32 $0x400;
	_ =	swait.ge [sflag:s10], $0x2800  }
0x116: {  	s8 =	simm.s32 $0x200;
	s9 =	rddreg [dreg:$0x5];
	[sflag:s10] =	ssyncset.done $0x0  }
.LBB2_2:
0x117: {  	[sflag:s10] =	ssyncadd.s32 $0xFFFFD800;
	s9 =	sadd.s32 s8, s9  }
0x118: {  	[tilespmem:s4], [sflag:$0x5] =	stream.linear.gather [hbm4b:s9+s4], $0xC80, $0x38;
	[tilespmem:$0x1FC00] =	vst v63  }
0x119: {  	_ =	swait.ge [sflag:s10], $0xC80  }
0x11a: {  	s9 =	rddreg [dreg:$0x4];
	[sflag:s10] =	ssyncset.done $0x0  }
0x11b: {  	[sflag:s10] =	ssyncadd.s32 $0xFFFFF380;
	s9 =	sadd.s32 s8, s9  }
0x11c: {  	[tilespmem:s11], [sflag:$0x5] =	stream.linear.gather [hbm4b:s9+s4], $0xC80, $0x38;
	[tilespmem:$0x1FC00] =	vst v63  }
0x11d: {  	_ =	swait.ge [sflag:s10], $0xC80  }
0x11e: {  	[sflag:s10] =	ssyncset.done $0x0  }
0x11f: {  	s7 =	smov.u32 s6;
	[sflag:s10] =	ssyncadd.s32 $0xFFFFF380  }
0x120: {  	[tilespmem:s13], [sflag:$0x1] =	stream.indirect.gather [hbm4b:s1+s12], $0x80, s4, s12, $0xb8;
	[tilespmem:$0x1FC00] =	vst v63  }
0x121: {  	s8 =	smov.u32 s7;
	s7 =	rddreg [dreg:$0x6]  }
0x122: {  	[tilespmem:s14], [sflag:$0x2] =	stream.indirect.gather [hbm4b:s1+s12], $0x80, s7, s12, $0xb8;
	[tilespmem:$0x1FC00] =	vst v63  }
0x123: {  	s9 =	rddreg [dreg:$0x7]  }
0x124: {  	[tilespmem:s15], [sflag:$0x3] =	stream.indirect.gather [hbm4b:s1+s12], $0x80, s9, s12, $0xb8;
	[tilespmem:$0x1FC00] =	vst v63  }
0x125: {  	s7 =	rddreg [dreg:$0x8]  }
0x126: {  	[tilespmem:s16], [sflag:$0x4] =	stream.indirect.gather [hbm4b:s1+s12], $0x80, s7, s12, $0xb8;
	[tilespmem:$0x1FC00] =	vst v63  }
0x127: {  	_ =	swait.ge [sflag:s17], $0x2800  }
0x128: {  	[sflag:s17] =	ssyncset.done $0x0  }
0x129: {  	[sflag:s17] =	ssyncadd.s32 $0xFFFFD800  }
0x12a: {  	[spmem:s3] =	stream.indirect.scatter.add.f32 [tilespmem:s13], [sflag:$0x5], $0x80, s11, s12, $0xb8;
	[tilespmem:$0x1FC00] =	vst v63  }
0x12b: {  	_ =	swait.ge [sflag:s10], $0x2800  }
0x12c: {  	[sflag:s10] =	ssyncset.done $0x0  }
0x12d: {  	s9 =	rddreg [dreg:$0x9];
	[sflag:s10] =	ssyncadd.s32 $0xFFFFD800  }
0x12e: {  	[tilespmem:s13], [sflag:$0x1] =	stream.indirect.gather [hbm4b:s1+s12], $0x80, s9, s12, $0xb8;
	[tilespmem:$0x1FC00] =	vst v63  }
0x12f: {  	_ =	swait.ge [sflag:s18], $0x2800  }
0x130: {  	[sflag:s18] =	ssyncset.done $0x0  }
0x131: {  	s9 =	rddreg [dreg:$0xa];
	[sflag:s18] =	ssyncadd.s32 $0xFFFFD800  }
0x132: {  	[spmem:s3] =	stream.indirect.scatter.add.f32 [tilespmem:s14], [sflag:$0x5], $0x80, s9, s12, $0xb8;
	[tilespmem:$0x1FC00] =	vst v63  }
0x133: {  	_ =	swait.ge [sflag:s10], $0x2800  }
0x134: {  	[sflag:s10] =	ssyncset.done $0x0  }
0x135: {  	s9 =	rddreg [dreg:$0xb];
	[sflag:s10] =	ssyncadd.s32 $0xFFFFD800  }
0x136: {  	[tilespmem:s14], [sflag:$0x2] =	stream.indirect.gather [hbm4b:s1+s12], $0x80, s9, s12, $0xb8;
	[tilespmem:$0x1FC00] =	vst v63  }
0x137: {  	_ =	swait.ge [sflag:s19], $0x2800  }
0x138: {  	[sflag:s19] =	ssyncset.done $0x0  }
0x139: {  	s9 =	rddreg [dreg:$0xc];
	[sflag:s19] =	ssyncadd.s32 $0xFFFFD800  }
0x13a: {  	[spmem:s3] =	stream.indirect.scatter.add.f32 [tilespmem:s15], [sflag:$0x5], $0x80, s9, s12, $0xb8;
	[tilespmem:$0x1FC00] =	vst v63  }
0x13b: {  	_ =	swait.ge [sflag:s10], $0x2800  }
0x13c: {  	[sflag:s10] =	ssyncset.done $0x0  }
0x13d: {  	s9 =	rddreg [dreg:$0xd];
	[sflag:s10] =	ssyncadd.s32 $0xFFFFD800  }
0x13e: {  	[tilespmem:s15], [sflag:$0x3] =	stream.indirect.gather [hbm4b:s1+s12], $0x80, s9, s12, $0xb8;
	[tilespmem:$0x1FC00] =	vst v63  }
0x13f: {  	_ =	swait.ge [sflag:s20], $0x2800  }
0x140: {  	[sflag:s20] =	ssyncset.done $0x0  }
0x141: {  	s9 =	rddreg [dreg:$0xe];
	[sflag:s20] =	ssyncadd.s32 $0xFFFFD800  }
0x142: {  	[spmem:s3] =	stream.indirect.scatter.add.f32 [tilespmem:s16], [sflag:$0x5], $0x80, s9, s12, $0xb8;
	[tilespmem:$0x1FC00] =	vst v63  }
0x143: {  	_ =	swait.ge [sflag:s10], $0x2800  }
0x144: {  	[sflag:s10] =	ssyncset.done $0x0  }
0x145: {  	s9 =	rddreg [dreg:$0xf];
	[sflag:s10] =	ssyncadd.s32 $0xFFFFD800  }
0x146: {  	[tilespmem:s16], [sflag:$0x4] =	stream.indirect.gather [hbm4b:s1+s12], $0x80, s9, s12, $0xb8;
	[tilespmem:$0x1FC00] =	vst v63  }
0x147: {  	_ =	swait.ge [sflag:s17], $0x2800  }
0x148: {  	[sflag:s17] =	ssyncset.done $0x0  }
0x149: {  	s9 =	rddreg [dreg:$0x10];
	[sflag:s17] =	ssyncadd.s32 $0xFFFFD800  }
0x14a: {  	[spmem:s3] =	stream.indirect.scatter.add.f32 [tilespmem:s13], [sflag:$0x5], $0x80, s9, s12, $0xb8;
	[tilespmem:$0x1FC00] =	vst v63  }
0x14b: {  	_ =	swait.ge [sflag:s10], $0x2800  }
0x14c: {  	[sflag:s10] =	ssyncset.done $0x0  }
0x14d: {  	s9 =	rddreg [dreg:$0x11];
	[sflag:s10] =	ssyncadd.s32 $0xFFFFD800  }
0x14e: {  	[tilespmem:s13], [sflag:$0x1] =	stream.indirect.gather [hbm4b:s1+s12], $0x80, s9, s12, $0xb8;
	[tilespmem:$0x1FC00] =	vst v63  }
0x14f: {  	_ =	swait.ge [sflag:s18], $0x2800  }
0x150: {  	[sflag:s18] =	ssyncset.done $0x0  }
0x151: {  	s9 =	rddreg [dreg:$0x12];
	[sflag:s18] =	ssyncadd.s32 $0xFFFFD800  }
0x152: {  	[spmem:s3] =	stream.indirect.scatter.add.f32 [tilespmem:s14], [sflag:$0x5], $0x80, s9, s12, $0xb8;
	[tilespmem:$0x1FC00] =	vst v63  }
0x153: {  	_ =	swait.ge [sflag:s10], $0x2800  }
0x154: {  	[sflag:s10] =	ssyncset.done $0x0  }
0x155: {  	s9 =	rddreg [dreg:$0x13];
	[sflag:s10] =	ssyncadd.s32 $0xFFFFD800  }
0x156: {  	[tilespmem:s14], [sflag:$0x2] =	stream.indirect.gather [hbm4b:s1+s12], $0x80, s9, s12, $0xb8;
	[tilespmem:$0x1FC00] =	vst v63  }
0x157: {  	_ =	swait.ge [sflag:s19], $0x2800  }
0x158: {  	[sflag:s19] =	ssyncset.done $0x0  }
0x159: {  	s9 =	rddreg [dreg:$0x14];
	[sflag:s19] =	ssyncadd.s32 $0xFFFFD800  }
0x15a: {  	[spmem:s3] =	stream.indirect.scatter.add.f32 [tilespmem:s15], [sflag:$0x5], $0x80, s9, s12, $0xb8;
	[tilespmem:$0x1FC00] =	vst v63  }
0x15b: {  	_ =	swait.ge [sflag:s10], $0x2800  }
0x15c: {  	[sflag:s10] =	ssyncset.done $0x0  }
0x15d: {  	s9 =	rddreg [dreg:$0x15];
	[sflag:s10] =	ssyncadd.s32 $0xFFFFD800  }
0x15e: {  	[tilespmem:s15], [sflag:$0x3] =	stream.indirect.gather [hbm4b:s1+s12], $0x80, s9, s12, $0xb8;
	[tilespmem:$0x1FC00] =	vst v63  }
0x15f: {  	_ =	swait.ge [sflag:s20], $0x2800  }
0x160: {  	[sflag:s20] =	ssyncset.done $0x0  }
0x161: {  	s9 =	rddreg [dreg:$0x16];
	[sflag:s20] =	ssyncadd.s32 $0xFFFFD800  }
0x162: {  	[spmem:s3] =	stream.indirect.scatter.add.f32 [tilespmem:s16], [sflag:$0x5], $0x80, s9, s12, $0xb8;
	[tilespmem:$0x1FC00] =	vst v63  }
0x163: {  	_ =	swait.ge [sflag:s10], $0x2800  }
0x164: {  	[sflag:s10] =	ssyncset.done $0x0  }
0x165: {  	s9 =	rddreg [dreg:$0x17];
	[sflag:s10] =	ssyncadd.s32 $0xFFFFD800  }
0x166: {  	[tilespmem:s16], [sflag:$0x4] =	stream.indirect.gather [hbm4b:s1+s12], $0x80, s9, s12, $0xb8;
	[tilespmem:$0x1FC00] =	vst v63  }
0x167: {  	_ =	swait.ge [sflag:s17], $0x2800  }
0x168: {  	[sflag:s17] =	ssyncset.done $0x0  }
0x169: {  	s9 =	rddreg [dreg:$0x18];
	[sflag:s17] =	ssyncadd.s32 $0xFFFFD800  }
0x16a: {  	[spmem:s3] =	stream.indirect.scatter.add.f32 [tilespmem:s13], [sflag:$0x5], $0x80, s9, s12, $0xb8;
	[tilespmem:$0x1FC00] =	vst v63  }
0x16b: {  	_ =	swait.ge [sflag:s10], $0x2800  }
0x16c: {  	[sflag:s10] =	ssyncset.done $0x0  }
0x16d: {  	s9 =	rddreg [dreg:$0x19];
	[sflag:s10] =	ssyncadd.s32 $0xFFFFD800  }
0x16e: {  	[tilespmem:s13], [sflag:$0x1] =	stream.indirect.gather [hbm4b:s1+s12], $0x80, s9, s12, $0xb8;
	[tilespmem:$0x1FC00] =	vst v63  }
0x16f: {  	_ =	swait.ge [sflag:s18], $0x2800  }
0x170: {  	[sflag:s18] =	ssyncset.done $0x0  }
0x171: {  	s9 =	rddreg [dreg:$0x1a];
	[sflag:s18] =	ssyncadd.s32 $0xFFFFD800  }
0x172: {  	[spmem:s3] =	stream.indirect.scatter.add.f32 [tilespmem:s14], [sflag:$0x5], $0x80, s9, s12, $0xb8;
	[tilespmem:$0x1FC00] =	vst v63  }
0x173: {  	_ =	swait.ge [sflag:s10], $0x2800  }
0x174: {  	[sflag:s10] =	ssyncset.done $0x0  }
0x175: {  	s9 =	rddreg [dreg:$0x1b];
	[sflag:s10] =	ssyncadd.s32 $0xFFFFD800  }
0x176: {  	[tilespmem:s14], [sflag:$0x2] =	stream.indirect.gather [hbm4b:s1+s12], $0x80, s9, s12, $0xb8;
	[tilespmem:$0x1FC00] =	vst v63  }
0x177: {  	_ =	swait.ge [sflag:s19], $0x2800  }
0x178: {  	[sflag:s19] =	ssyncset.done $0x0  }
0x179: {  	s9 =	rddreg [dreg:$0x1c];
	[sflag:s19] =	ssyncadd.s32 $0xFFFFD800  }
0x17a: {  	[spmem:s3] =	stream.indirect.scatter.add.f32 [tilespmem:s15], [sflag:$0x5], $0x80, s9, s12, $0xb8;
	[tilespmem:$0x1FC00] =	vst v63  }
0x17b: {  	_ =	swait.ge [sflag:s10], $0x2800  }
0x17c: {  	[sflag:s10] =	ssyncset.done $0x0  }
0x17d: {  	s9 =	rddreg [dreg:$0x1d];
	[sflag:s10] =	ssyncadd.s32 $0xFFFFD800  }
0x17e: {  	[tilespmem:s15], [sflag:$0x3] =	stream.indirect.gather [hbm4b:s1+s12], $0x80, s9, s12, $0xb8;
	[tilespmem:$0x1FC00] =	vst v63  }
0x17f: {  	_ =	swait.ge [sflag:s20], $0x2800  }
0x180: {  	[sflag:s20] =	ssyncset.done $0x0  }
0x181: {  	s9 =	rddreg [dreg:$0x1e];
	[sflag:s20] =	ssyncadd.s32 $0xFFFFD800  }
0x182: {  	[spmem:s3] =	stream.indirect.scatter.add.f32 [tilespmem:s16], [sflag:$0x5], $0x80, s9, s12, $0xb8;
	[tilespmem:$0x1FC00] =	vst v63  }
0x183: {  	_ =	swait.ge [sflag:s10], $0x2800  }
0x184: {  	[sflag:s10] =	ssyncset.done $0x0  }
0x185: {  	s9 =	rddreg [dreg:$0x1f];
	[sflag:s10] =	ssyncadd.s32 $0xFFFFD800  }
0x186: {  	[tilespmem:s16], [sflag:$0x4] =	stream.indirect.gather [hbm4b:s1+s12], $0x80, s9, s12, $0xb8;
	[tilespmem:$0x1FC00] =	vst v63  }
0x187: {  	_ =	swait.ge [sflag:s17], $0x2800  }
0x188: {  	s9 =	sld [smem:$0x7F3]  }
0x189: {  	[sflag:s17] =	ssyncset.done $0x0  }
0x18a: {  	[sflag:s17] =	ssyncadd.s32 $0xFFFFD800  }
0x18b: {  	[spmem:s3] =	stream.indirect.scatter.add.f32 [tilespmem:s13], [sflag:$0x5], $0x80, s9, s12, $0xb8;
	[tilespmem:$0x1FC00] =	vst v63  }
0x18c: {  	_ =	swait.ge [sflag:s10], $0x2800  }
0x18d: {  	s9 =	sld [smem:$0x7F4]  }
0x18e: {  	[sflag:s10] =	ssyncset.done $0x0  }
0x18f: {  	[sflag:s10] =	ssyncadd.s32 $0xFFFFD800  }
0x190: {  	[tilespmem:s13], [sflag:$0x1] =	stream.indirect.gather [hbm4b:s1+s12], $0x80, s9, s12, $0xb8;
	[tilespmem:$0x1FC00] =	vst v63  }
0x191: {  	_ =	swait.ge [sflag:s18], $0x2800  }
0x192: {  	s9 =	sld [smem:$0x7F5]  }
0x193: {  	[sflag:s18] =	ssyncset.done $0x0  }
0x194: {  	[sflag:s18] =	ssyncadd.s32 $0xFFFFD800  }
0x195: {  	[spmem:s3] =	stream.indirect.scatter.add.f32 [tilespmem:s14], [sflag:$0x5], $0x80, s9, s12, $0xb8;
	[tilespmem:$0x1FC00] =	vst v63  }
0x196: {  	_ =	swait.ge [sflag:s10], $0x2800  }
0x197: {  	s9 =	sld [smem:$0x7F6]  }
0x198: {  	[sflag:s10] =	ssyncset.done $0x0  }
0x199: {  	[sflag:s10] =	ssyncadd.s32 $0xFFFFD800  }
0x19a: {  	[tilespmem:s14], [sflag:$0x2] =	stream.indirect.gather [hbm4b:s1+s12], $0x80, s9, s12, $0xb8;
	[tilespmem:$0x1FC00] =	vst v63  }
0x19b: {  	_ =	swait.ge [sflag:s19], $0x2800  }
0x19c: {  	s9 =	sld [smem:$0x7F7]  }
0x19d: {  	[sflag:s19] =	ssyncset.done $0x0  }
0x19e: {  	[sflag:s19] =	ssyncadd.s32 $0xFFFFD800  }
0x19f: {  	[spmem:s3] =	stream.indirect.scatter.add.f32 [tilespmem:s15], [sflag:$0x5], $0x80, s9, s12, $0xb8;
	[tilespmem:$0x1FC00] =	vst v63  }
0x1a0: {  	_ =	swait.ge [sflag:s10], $0x2800  }
0x1a1: {  	s9 =	sld [smem:$0x7F8]  }
0x1a2: {  	[sflag:s10] =	ssyncset.done $0x0  }
0x1a3: {  	[sflag:s10] =	ssyncadd.s32 $0xFFFFD800  }
0x1a4: {  	[tilespmem:s15], [sflag:$0x3] =	stream.indirect.gather [hbm4b:s1+s12], $0x80, s9, s12, $0xb8;
	[tilespmem:$0x1FC00] =	vst v63  }
0x1a5: {  	_ =	swait.ge [sflag:s20], $0x2800  }
0x1a6: {  	s9 =	sld [smem:$0x7F9]  }
0x1a7: {  	[sflag:s20] =	ssyncset.done $0x0  }
0x1a8: {  	[sflag:s20] =	ssyncadd.s32 $0xFFFFD800  }
0x1a9: {  	[spmem:s3] =	stream.indirect.scatter.add.f32 [tilespmem:s16], [sflag:$0x5], $0x80, s9, s12, $0xb8;
	[tilespmem:$0x1FC00] =	vst v63  }
0x1aa: {  	_ =	swait.ge [sflag:s10], $0x2800  }
0x1ab: {  	s9 =	sld [smem:$0x7FA]  }
0x1ac: {  	[sflag:s10] =	ssyncset.done $0x0  }
0x1ad: {  	[sflag:s10] =	ssyncadd.s32 $0xFFFFD800  }
0x1ae: {  	[tilespmem:s16], [sflag:$0x4] =	stream.indirect.gather [hbm4b:s1+s12], $0x80, s9, s12, $0xb8;
	[tilespmem:$0x1FC00] =	vst v63  }
0x1af: {  	_ =	swait.ge [sflag:s17], $0x2800  }
0x1b0: {  	s9 =	sld [smem:$0x7FB]  }
0x1b1: {  	[sflag:s17] =	ssyncset.done $0x0  }
0x1b2: {  	[sflag:s17] =	ssyncadd.s32 $0xFFFFD800  }
0x1b3: {  	[spmem:s3] =	stream.indirect.scatter.add.f32 [tilespmem:s13], [sflag:$0x5], $0x80, s9, s12, $0xb8;
	[tilespmem:$0x1FC00] =	vst v63  }
0x1b4: {  	_ =	swait.ge [sflag:s10], $0x2800  }
0x1b5: {  	[sflag:s10] =	ssyncset.done $0x0  }
0x1b6: {  	[sflag:s10] =	ssyncadd.s32 $0xFFFFD800  }
0x1b7: {  	[tilespmem:s13], [sflag:$0x1] =	stream.indirect.gather [hbm4b:s1+s12], $0x80, s21, s12, $0xb8;
	[tilespmem:$0x1FC00] =	vst v63  }
0x1b8: {  	_ =	swait.ge [sflag:s18], $0x2800  }
0x1b9: {  	[sflag:s18] =	ssyncset.done $0x0  }
0x1ba: {  	[sflag:s18] =	ssyncadd.s32 $0xFFFFD800  }
0x1bb: {  	[spmem:s3] =	stream.indirect.scatter.add.f32 [tilespmem:s14], [sflag:$0x5], $0x80, s22, s12, $0xb8;
	[tilespmem:$0x1FC00] =	vst v63  }
0x1bc: {  	_ =	swait.ge [sflag:s10], $0x2800  }
0x1bd: {  	[sflag:s10] =	ssyncset.done $0x0  }
0x1be: {  	[sflag:s10] =	ssyncadd.s32 $0xFFFFD800  }
0x1bf: {  	[tilespmem:s14], [sflag:$0x2] =	stream.indirect.gather [hbm4b:s1+s12], $0x80, s23, s12, $0xb8;
	[tilespmem:$0x1FC00] =	vst v63  }
0x1c0: {  	_ =	swait.ge [sflag:s19], $0x2800  }
0x1c1: {  	[sflag:s19] =	ssyncset.done $0x0  }
0x1c2: {  	[sflag:s19] =	ssyncadd.s32 $0xFFFFD800  }
0x1c3: {  	[spmem:s3] =	stream.indirect.scatter.add.f32 [tilespmem:s15], [sflag:$0x5], $0x80, s24, s12, $0xb8;
	[tilespmem:$0x1FC00] =	vst v63  }
0x1c4: {  	_ =	swait.ge [sflag:s10], $0x2800  }
0x1c5: {  	[sflag:s10] =	ssyncset.done $0x0  }
0x1c6: {  	[sflag:s10] =	ssyncadd.s32 $0xFFFFD800  }
0x1c7: {  	[tilespmem:s15], [sflag:$0x3] =	stream.indirect.gather [hbm4b:s1+s12], $0x80, s25, s12, $0xb8;
	[tilespmem:$0x1FC00] =	vst v63  }
0x1c8: {  	_ =	swait.ge [sflag:s20], $0x2800  }
0x1c9: {  	[sflag:s20] =	ssyncset.done $0x0  }
0x1ca: {  	[sflag:s20] =	ssyncadd.s32 $0xFFFFD800  }
0x1cb: {  	[spmem:s3] =	stream.indirect.scatter.add.f32 [tilespmem:s16], [sflag:$0x5], $0x80, s26, s12, $0xb8;
	[tilespmem:$0x1FC00] =	vst v63  }
0x1cc: {  	_ =	swait.ge [sflag:s10], $0x2800  }
0x1cd: {  	[sflag:s10] =	ssyncset.done $0x0  }
0x1ce: {  	[sflag:s10] =	ssyncadd.s32 $0xFFFFD800  }
0x1cf: {  	[tilespmem:s16], [sflag:$0x4] =	stream.indirect.gather [hbm4b:s1+s12], $0x80, s28, s12, $0xb8;
	[tilespmem:$0x1FC00] =	vst v63  }
0x1d0: {  	_ =	swait.ge [sflag:s17], $0x2800  }
0x1d1: {  	[sflag:s17] =	ssyncset.done $0x0  }
0x1d2: {  	[sflag:s17] =	ssyncadd.s32 $0xFFFFD800  }
0x1d3: {  	[spmem:s3] =	stream.indirect.scatter.add.f32 [tilespmem:s13], [sflag:$0x5], $0x80, s29, s12, $0xb8;
	[tilespmem:$0x1FC00] =	vst v63  }
0x1d4: {  	_ =	swait.ge [sflag:s10], $0x2800  }
0x1d5: {  	[sflag:s10] =	ssyncset.done $0x0  }
0x1d6: {  	[sflag:s10] =	ssyncadd.s32 $0xFFFFD800  }
0x1d7: {  	[tilespmem:s13], [sflag:$0x1] =	stream.indirect.gather [hbm4b:s1+s12], $0x80, s30, s12, $0xb8;
	[tilespmem:$0x1FC00] =	vst v63  }
0x1d8: {  	_ =	swait.ge [sflag:s18], $0x2800  }
0x1d9: {  	[sflag:s18] =	ssyncset.done $0x0  }
0x1da: {  	[sflag:s18] =	ssyncadd.s32 $0xFFFFD800  }
0x1db: {  	[spmem:s3] =	stream.indirect.scatter.add.f32 [tilespmem:s14], [sflag:$0x5], $0x80, s31, s12, $0xb8;
	[tilespmem:$0x1FC00] =	vst v63  }
0x1dc: {  	_ =	swait.ge [sflag:s10], $0x2800  }
0x1dd: {  	[sflag:s10] =	ssyncset.done $0x0  }
0x1de: {  	[sflag:s10] =	ssyncadd.s32 $0xFFFFD800  }
0x1df: {  	_ =	swait.ge [sflag:s19], $0x2800  }
0x1e0: {  	[sflag:s19] =	ssyncset.done $0x0  }
0x1e1: {  	[sflag:s19] =	ssyncadd.s32 $0xFFFFD800  }
0x1e2: {  	[spmem:s3] =	stream.indirect.scatter.add.f32 [tilespmem:s15], [sflag:$0x5], $0x80, s2, s12, $0xb8;
	[tilespmem:$0x1FC00] =	vst v63  }
0x1e3: {  	_ =	swait.ge [sflag:s10], $0x2800  }
0x1e4: {  	[sflag:s10] =	ssyncset.done $0x0  }
0x1e5: {  	[sflag:s10] =	ssyncadd.s32 $0xFFFFD800  }
0x1e6: {  	_ =	swait.ge [sflag:s20], $0x2800  }
0x1e7: {  	[sflag:s20] =	ssyncset.done $0x0  }
0x1e8: {  	[sflag:s20] =	ssyncadd.s32 $0xFFFFD800  }
0x1e9: {  	[spmem:s3] =	stream.indirect.scatter.add.f32 [tilespmem:s16], [sflag:$0x5], $0x80, s0, s12, $0xb8;
	[tilespmem:$0x1FC00] =	vst v63  }
0x1ea: {  	_ =	swait.ge [sflag:s10], $0x2800  }
0x1eb: {  	[sflag:s10] =	ssyncset.done $0x0  }
0x1ec: {  	[sflag:s10] =	ssyncadd.s32 $0xFFFFD800  }
0x1ed: {  	p0 =	sne.s32 s6, $0x800;
	_ =	swait.ge [sflag:s17], $0x2800  }
.Ltmp0:
0x1ee: {  	[sflag:s17] =	ssyncset.done $0x0;
	(pc) =	sbr.rel @p0 .LBB2_2-.Ltmp0, $4  }
0x1ef: {  	[sflag:s17] =	ssyncadd.s32 $0xFFFFD800  }
0x1f0: {  	[spmem:s3] =	stream.indirect.scatter.add.f32 [tilespmem:s13], [sflag:$0x5], $0x80, s5, s12, $0xb8;
	[tilespmem:$0x1FC00] =	vst v63  }
0x1f1: {  	_ =	swait.ge [sflag:s10], $0x2800  }
0x1f2: {  	s6 =	sadd.s32 $0x200, s6;
	s9 =	rddreg [dreg:$0x5];
	[sflag:s10] =	ssyncset.done $0x0  }
0x1f3: {  	[sflag:s10] =	ssyncadd.s32 $0xFFFFD800;
	s6 =	sadd.s32 s8, s9  }
0x1f4: {  	[tilespmem:s4], [sflag:$0x5] =	stream.linear.gather [hbm4b:s6+s4], $0xC80, $0x38;
	[tilespmem:$0x1FC00] =	vst v63  }
0x1f5: {  	_ =	swait.ge [sflag:s10], $0xC80  }
0x1f6: {  	s7 =	rddreg [dreg:$0x4];
	[sflag:s10] =	ssyncset.done $0x0  }
0x1f7: {  	[sflag:s10] =	ssyncadd.s32 $0xFFFFF380;
	s6 =	sadd.s32 s8, s7  }
0x1f8: {  	[tilespmem:s11], [sflag:$0x5] =	stream.linear.gather [hbm4b:s6+s4], $0xC80, $0x38;
	[tilespmem:$0x1FC00] =	vst v63  }
0x1f9: {  	_ =	swait.ge [sflag:s10], $0xC80  }
0x1fa: {  	[sflag:s10] =	ssyncset.done $0x0  }
0x1fb: {  	[sflag:s10] =	ssyncadd.s32 $0xFFFFF380  }
0x1fc: {  	[tilespmem:s13], [sflag:$0x1] =	stream.indirect.gather [hbm4b:s1+s12], $0x80, s4, s12, $0xb8;
	[tilespmem:$0x1FC00] =	vst v63  }
0x1fd: {  	s8 =	rddreg [dreg:$0x6]  }
0x1fe: {  	[tilespmem:s14], [sflag:$0x2] =	stream.indirect.gather [hbm4b:s1+s12], $0x80, s8, s12, $0xb8;
	[tilespmem:$0x1FC00] =	vst v63  }
0x1ff: {  	s7 =	rddreg [dreg:$0x7]  }
0x200: {  	[tilespmem:s15], [sflag:$0x3] =	stream.indirect.gather [hbm4b:s1+s12], $0x80, s7, s12, $0xb8;
	[tilespmem:$0x1FC00] =	vst v63  }
0x201: {  	s9 =	rddreg [dreg:$0x8]  }
0x202: {  	[tilespmem:s16], [sflag:$0x4] =	stream.indirect.gather [hbm4b:s1+s12], $0x80, s9, s12, $0xb8;
	[tilespmem:$0x1FC00] =	vst v63  }
0x203: {  	_ =	swait.ge [sflag:s17], $0x2800  }
0x204: {  	[sflag:s17] =	ssyncset.done $0x0  }
0x205: {  	[sflag:s17] =	ssyncadd.s32 $0xFFFFD800  }
0x206: {  	[spmem:s3] =	stream.indirect.scatter.add.f32 [tilespmem:s13], [sflag:$0x5], $0x80, s11, s12, $0xb8;
	[tilespmem:$0x1FC00] =	vst v63  }
0x207: {  	_ =	swait.ge [sflag:s10], $0x2800  }
0x208: {  	[sflag:s10] =	ssyncset.done $0x0  }
0x209: {  	s7 =	rddreg [dreg:$0x9];
	[sflag:s10] =	ssyncadd.s32 $0xFFFFD800  }
0x20a: {  	[tilespmem:s13], [sflag:$0x1] =	stream.indirect.gather [hbm4b:s1+s12], $0x80, s7, s12, $0xb8;
	[tilespmem:$0x1FC00] =	vst v63  }
0x20b: {  	_ =	swait.ge [sflag:s18], $0x2800  }
0x20c: {  	[sflag:s18] =	ssyncset.done $0x0  }
0x20d: {  	s8 =	rddreg [dreg:$0xa];
	[sflag:s18] =	ssyncadd.s32 $0xFFFFD800  }
0x20e: {  	[spmem:s3] =	stream.indirect.scatter.add.f32 [tilespmem:s14], [sflag:$0x5], $0x80, s8, s12, $0xb8;
	[tilespmem:$0x1FC00] =	vst v63  }
0x20f: {  	_ =	swait.ge [sflag:s10], $0x2800  }
0x210: {  	[sflag:s10] =	ssyncset.done $0x0  }
0x211: {  	s9 =	rddreg [dreg:$0xb];
	[sflag:s10] =	ssyncadd.s32 $0xFFFFD800  }
0x212: {  	[tilespmem:s14], [sflag:$0x2] =	stream.indirect.gather [hbm4b:s1+s12], $0x80, s9, s12, $0xb8;
	[tilespmem:$0x1FC00] =	vst v63  }
0x213: {  	_ =	swait.ge [sflag:s19], $0x2800  }
0x214: {  	[sflag:s19] =	ssyncset.done $0x0  }
0x215: {  	s7 =	rddreg [dreg:$0xc];
	[sflag:s19] =	ssyncadd.s32 $0xFFFFD800  }
0x216: {  	[spmem:s3] =	stream.indirect.scatter.add.f32 [tilespmem:s15], [sflag:$0x5], $0x80, s7, s12, $0xb8;
	[tilespmem:$0x1FC00] =	vst v63  }
0x217: {  	_ =	swait.ge [sflag:s10], $0x2800  }
0x218: {  	[sflag:s10] =	ssyncset.done $0x0  }
0x219: {  	s8 =	rddreg [dreg:$0xd];
	[sflag:s10] =	ssyncadd.s32 $0xFFFFD800  }
0x21a: {  	[tilespmem:s15], [sflag:$0x3] =	stream.indirect.gather [hbm4b:s1+s12], $0x80, s8, s12, $0xb8;
	[tilespmem:$0x1FC00] =	vst v63  }
0x21b: {  	_ =	swait.ge [sflag:s20], $0x2800  }
0x21c: {  	[sflag:s20] =	ssyncset.done $0x0  }
0x21d: {  	s9 =	rddreg [dreg:$0xe];
	[sflag:s20] =	ssyncadd.s32 $0xFFFFD800  }
0x21e: {  	[spmem:s3] =	stream.indirect.scatter.add.f32 [tilespmem:s16], [sflag:$0x5], $0x80, s9, s12, $0xb8;
	[tilespmem:$0x1FC00] =	vst v63  }
0x21f: {  	_ =	swait.ge [sflag:s10], $0x2800  }
0x220: {  	[sflag:s10] =	ssyncset.done $0x0  }
0x221: {  	s7 =	rddreg [dreg:$0xf];
	[sflag:s10] =	ssyncadd.s32 $0xFFFFD800  }
0x222: {  	[tilespmem:s16], [sflag:$0x4] =	stream.indirect.gather [hbm4b:s1+s12], $0x80, s7, s12, $0xb8;
	[tilespmem:$0x1FC00] =	vst v63  }
0x223: {  	_ =	swait.ge [sflag:s17], $0x2800  }
0x224: {  	[sflag:s17] =	ssyncset.done $0x0  }
0x225: {  	s8 =	rddreg [dreg:$0x10];
	[sflag:s17] =	ssyncadd.s32 $0xFFFFD800  }
0x226: {  	[spmem:s3] =	stream.indirect.scatter.add.f32 [tilespmem:s13], [sflag:$0x5], $0x80, s8, s12, $0xb8;
	[tilespmem:$0x1FC00] =	vst v63  }
0x227: {  	_ =	swait.ge [sflag:s10], $0x2800  }
0x228: {  	[sflag:s10] =	ssyncset.done $0x0  }
0x229: {  	s9 =	rddreg [dreg:$0x11];
	[sflag:s10] =	ssyncadd.s32 $0xFFFFD800  }
0x22a: {  	[tilespmem:s13], [sflag:$0x1] =	stream.indirect.gather [hbm4b:s1+s12], $0x80, s9, s12, $0xb8;
	[tilespmem:$0x1FC00] =	vst v63  }
0x22b: {  	_ =	swait.ge [sflag:s18], $0x2800  }
0x22c: {  	[sflag:s18] =	ssyncset.done $0x0  }
0x22d: {  	s7 =	rddreg [dreg:$0x12];
	[sflag:s18] =	ssyncadd.s32 $0xFFFFD800  }
0x22e: {  	[spmem:s3] =	stream.indirect.scatter.add.f32 [tilespmem:s14], [sflag:$0x5], $0x80, s7, s12, $0xb8;
	[tilespmem:$0x1FC00] =	vst v63  }
0x22f: {  	_ =	swait.ge [sflag:s10], $0x2800  }
0x230: {  	[sflag:s10] =	ssyncset.done $0x0  }
0x231: {  	s8 =	rddreg [dreg:$0x13];
	[sflag:s10] =	ssyncadd.s32 $0xFFFFD800  }
0x232: {  	[tilespmem:s14], [sflag:$0x2] =	stream.indirect.gather [hbm4b:s1+s12], $0x80, s8, s12, $0xb8;
	[tilespmem:$0x1FC00] =	vst v63  }
0x233: {  	_ =	swait.ge [sflag:s19], $0x2800  }
0x234: {  	[sflag:s19] =	ssyncset.done $0x0  }
0x235: {  	s9 =	rddreg [dreg:$0x14];
	[sflag:s19] =	ssyncadd.s32 $0xFFFFD800  }
0x236: {  	[spmem:s3] =	stream.indirect.scatter.add.f32 [tilespmem:s15], [sflag:$0x5], $0x80, s9, s12, $0xb8;
	[tilespmem:$0x1FC00] =	vst v63  }
0x237: {  	_ =	swait.ge [sflag:s10], $0x2800  }
0x238: {  	[sflag:s10] =	ssyncset.done $0x0  }
0x239: {  	s7 =	rddreg [dreg:$0x15];
	[sflag:s10] =	ssyncadd.s32 $0xFFFFD800  }
0x23a: {  	[tilespmem:s15], [sflag:$0x3] =	stream.indirect.gather [hbm4b:s1+s12], $0x80, s7, s12, $0xb8;
	[tilespmem:$0x1FC00] =	vst v63  }
0x23b: {  	_ =	swait.ge [sflag:s20], $0x2800  }
0x23c: {  	[sflag:s20] =	ssyncset.done $0x0  }
0x23d: {  	s8 =	rddreg [dreg:$0x16];
	[sflag:s20] =	ssyncadd.s32 $0xFFFFD800  }
0x23e: {  	[spmem:s3] =	stream.indirect.scatter.add.f32 [tilespmem:s16], [sflag:$0x5], $0x80, s8, s12, $0xb8;
	[tilespmem:$0x1FC00] =	vst v63  }
0x23f: {  	_ =	swait.ge [sflag:s10], $0x2800  }
0x240: {  	[sflag:s10] =	ssyncset.done $0x0  }
0x241: {  	s9 =	rddreg [dreg:$0x17];
	[sflag:s10] =	ssyncadd.s32 $0xFFFFD800  }
0x242: {  	[tilespmem:s16], [sflag:$0x4] =	stream.indirect.gather [hbm4b:s1+s12], $0x80, s9, s12, $0xb8;
	[tilespmem:$0x1FC00] =	vst v63  }
0x243: {  	_ =	swait.ge [sflag:s17], $0x2800  }
0x244: {  	[sflag:s17] =	ssyncset.done $0x0  }
0x245: {  	s7 =	rddreg [dreg:$0x18];
	[sflag:s17] =	ssyncadd.s32 $0xFFFFD800  }
0x246: {  	[spmem:s3] =	stream.indirect.scatter.add.f32 [tilespmem:s13], [sflag:$0x5], $0x80, s7, s12, $0xb8;
	[tilespmem:$0x1FC00] =	vst v63  }
0x247: {  	_ =	swait.ge [sflag:s10], $0x2800  }
0x248: {  	[sflag:s10] =	ssyncset.done $0x0  }
0x249: {  	s8 =	rddreg [dreg:$0x19];
	[sflag:s10] =	ssyncadd.s32 $0xFFFFD800  }
0x24a: {  	[tilespmem:s13], [sflag:$0x1] =	stream.indirect.gather [hbm4b:s1+s12], $0x80, s8, s12, $0xb8;
	[tilespmem:$0x1FC00] =	vst v63  }
0x24b: {  	_ =	swait.ge [sflag:s18], $0x2800  }
0x24c: {  	[sflag:s18] =	ssyncset.done $0x0  }
0x24d: {  	s9 =	rddreg [dreg:$0x1a];
	[sflag:s18] =	ssyncadd.s32 $0xFFFFD800  }
0x24e: {  	[spmem:s3] =	stream.indirect.scatter.add.f32 [tilespmem:s14], [sflag:$0x5], $0x80, s9, s12, $0xb8;
	[tilespmem:$0x1FC00] =	vst v63  }
0x24f: {  	_ =	swait.ge [sflag:s10], $0x2800  }
0x250: {  	[sflag:s10] =	ssyncset.done $0x0  }
0x251: {  	s7 =	rddreg [dreg:$0x1b];
	[sflag:s10] =	ssyncadd.s32 $0xFFFFD800  }
0x252: {  	[tilespmem:s14], [sflag:$0x2] =	stream.indirect.gather [hbm4b:s1+s12], $0x80, s7, s12, $0xb8;
	[tilespmem:$0x1FC00] =	vst v63  }
0x253: {  	_ =	swait.ge [sflag:s19], $0x2800  }
0x254: {  	[sflag:s19] =	ssyncset.done $0x0  }
0x255: {  	s8 =	rddreg [dreg:$0x1c];
	[sflag:s19] =	ssyncadd.s32 $0xFFFFD800  }
0x256: {  	[spmem:s3] =	stream.indirect.scatter.add.f32 [tilespmem:s15], [sflag:$0x5], $0x80, s8, s12, $0xb8;
	[tilespmem:$0x1FC00] =	vst v63  }
0x257: {  	_ =	swait.ge [sflag:s10], $0x2800  }
0x258: {  	[sflag:s10] =	ssyncset.done $0x0  }
0x259: {  	s9 =	rddreg [dreg:$0x1d];
	[sflag:s10] =	ssyncadd.s32 $0xFFFFD800  }
0x25a: {  	[tilespmem:s15], [sflag:$0x3] =	stream.indirect.gather [hbm4b:s1+s12], $0x80, s9, s12, $0xb8;
	[tilespmem:$0x1FC00] =	vst v63  }
0x25b: {  	_ =	swait.ge [sflag:s20], $0x2800  }
0x25c: {  	[sflag:s20] =	ssyncset.done $0x0  }
0x25d: {  	s7 =	rddreg [dreg:$0x1e];
	[sflag:s20] =	ssyncadd.s32 $0xFFFFD800  }
0x25e: {  	[spmem:s3] =	stream.indirect.scatter.add.f32 [tilespmem:s16], [sflag:$0x5], $0x80, s7, s12, $0xb8;
	[tilespmem:$0x1FC00] =	vst v63  }
0x25f: {  	_ =	swait.ge [sflag:s10], $0x2800  }
0x260: {  	[sflag:s10] =	ssyncset.done $0x0  }
0x261: {  	s8 =	rddreg [dreg:$0x1f];
	[sflag:s10] =	ssyncadd.s32 $0xFFFFD800  }
0x262: {  	[tilespmem:s16], [sflag:$0x4] =	stream.indirect.gather [hbm4b:s1+s12], $0x80, s8, s12, $0xb8;
	[tilespmem:$0x1FC00] =	vst v63  }
0x263: {  	_ =	swait.ge [sflag:s17], $0x2800  }
0x264: {  	s9 =	sld [smem:$0x7F3]  }
0x265: {  	[sflag:s17] =	ssyncset.done $0x0  }
0x266: {  	[sflag:s17] =	ssyncadd.s32 $0xFFFFD800  }
0x267: {  	[spmem:s3] =	stream.indirect.scatter.add.f32 [tilespmem:s13], [sflag:$0x5], $0x80, s9, s12, $0xb8;
	[tilespmem:$0x1FC00] =	vst v63  }
0x268: {  	_ =	swait.ge [sflag:s10], $0x2800  }
0x269: {  	s7 =	sld [smem:$0x7F4]  }
0x26a: {  	[sflag:s10] =	ssyncset.done $0x0  }
0x26b: {  	[sflag:s10] =	ssyncadd.s32 $0xFFFFD800  }
0x26c: {  	[tilespmem:s13], [sflag:$0x1] =	stream.indirect.gather [hbm4b:s1+s12], $0x80, s7, s12, $0xb8;
	[tilespmem:$0x1FC00] =	vst v63  }
0x26d: {  	_ =	swait.ge [sflag:s18], $0x2800  }
0x26e: {  	s8 =	sld [smem:$0x7F5]  }
0x26f: {  	[sflag:s18] =	ssyncset.done $0x0  }
0x270: {  	[sflag:s18] =	ssyncadd.s32 $0xFFFFD800  }
0x271: {  	[spmem:s3] =	stream.indirect.scatter.add.f32 [tilespmem:s14], [sflag:$0x5], $0x80, s8, s12, $0xb8;
	[tilespmem:$0x1FC00] =	vst v63  }
0x272: {  	_ =	swait.ge [sflag:s10], $0x2800  }
0x273: {  	s9 =	sld [smem:$0x7F6]  }
0x274: {  	[sflag:s10] =	ssyncset.done $0x0  }
0x275: {  	[sflag:s10] =	ssyncadd.s32 $0xFFFFD800  }
0x276: {  	[tilespmem:s14], [sflag:$0x2] =	stream.indirect.gather [hbm4b:s1+s12], $0x80, s9, s12, $0xb8;
	[tilespmem:$0x1FC00] =	vst v63  }
0x277: {  	_ =	swait.ge [sflag:s19], $0x2800  }
0x278: {  	s7 =	sld [smem:$0x7F7]  }
0x279: {  	[sflag:s19] =	ssyncset.done $0x0  }
0x27a: {  	[sflag:s19] =	ssyncadd.s32 $0xFFFFD800  }
0x27b: {  	[spmem:s3] =	stream.indirect.scatter.add.f32 [tilespmem:s15], [sflag:$0x5], $0x80, s7, s12, $0xb8;
	[tilespmem:$0x1FC00] =	vst v63  }
0x27c: {  	_ =	swait.ge [sflag:s10], $0x2800  }
0x27d: {  	s8 =	sld [smem:$0x7F8]  }
0x27e: {  	[sflag:s10] =	ssyncset.done $0x0  }
0x27f: {  	[sflag:s10] =	ssyncadd.s32 $0xFFFFD800  }
0x280: {  	[tilespmem:s15], [sflag:$0x3] =	stream.indirect.gather [hbm4b:s1+s12], $0x80, s8, s12, $0xb8;
	[tilespmem:$0x1FC00] =	vst v63  }
0x281: {  	_ =	swait.ge [sflag:s20], $0x2800  }
0x282: {  	s9 =	sld [smem:$0x7F9]  }
0x283: {  	[sflag:s20] =	ssyncset.done $0x0  }
0x284: {  	[sflag:s20] =	ssyncadd.s32 $0xFFFFD800  }
0x285: {  	[spmem:s3] =	stream.indirect.scatter.add.f32 [tilespmem:s16], [sflag:$0x5], $0x80, s9, s12, $0xb8;
	[tilespmem:$0x1FC00] =	vst v63  }
0x286: {  	_ =	swait.ge [sflag:s10], $0x2800  }
0x287: {  	s7 =	sld [smem:$0x7FA]  }
0x288: {  	[sflag:s10] =	ssyncset.done $0x0  }
0x289: {  	[sflag:s10] =	ssyncadd.s32 $0xFFFFD800  }
0x28a: {  	[tilespmem:s16], [sflag:$0x4] =	stream.indirect.gather [hbm4b:s1+s12], $0x80, s7, s12, $0xb8;
	[tilespmem:$0x1FC00] =	vst v63  }
0x28b: {  	_ =	swait.ge [sflag:s17], $0x2800  }
0x28c: {  	s8 =	sld [smem:$0x7FB]  }
0x28d: {  	[sflag:s17] =	ssyncset.done $0x0  }
0x28e: {  	[sflag:s17] =	ssyncadd.s32 $0xFFFFD800  }
0x28f: {  	[spmem:s3] =	stream.indirect.scatter.add.f32 [tilespmem:s13], [sflag:$0x5], $0x80, s8, s12, $0xb8;
	[tilespmem:$0x1FC00] =	vst v63  }
0x290: {  	_ =	swait.ge [sflag:s10], $0x2800  }
0x291: {  	[sflag:s10] =	ssyncset.done $0x0  }
0x292: {  	[sflag:s10] =	ssyncadd.s32 $0xFFFFD800  }
0x293: {  	[tilespmem:s13], [sflag:$0x1] =	stream.indirect.gather [hbm4b:s1+s12], $0x80, s21, s12, $0xb8;
	[tilespmem:$0x1FC00] =	vst v63  }
0x294: {  	_ =	swait.ge [sflag:s18], $0x2800  }
0x295: {  	[sflag:s18] =	ssyncset.done $0x0  }
0x296: {  	[sflag:s18] =	ssyncadd.s32 $0xFFFFD800  }
0x297: {  	[spmem:s3] =	stream.indirect.scatter.add.f32 [tilespmem:s14], [sflag:$0x5], $0x80, s22, s12, $0xb8;
	[tilespmem:$0x1FC00] =	vst v63  }
0x298: {  	_ =	swait.ge [sflag:s10], $0x2800  }
0x299: {  	[sflag:s10] =	ssyncset.done $0x0  }
0x29a: {  	[sflag:s10] =	ssyncadd.s32 $0xFFFFD800  }
0x29b: {  	[tilespmem:s14], [sflag:$0x2] =	stream.indirect.gather [hbm4b:s1+s12], $0x80, s23, s12, $0xb8;
	[tilespmem:$0x1FC00] =	vst v63  }
0x29c: {  	_ =	swait.ge [sflag:s19], $0x2800  }
0x29d: {  	[sflag:s19] =	ssyncset.done $0x0  }
0x29e: {  	[sflag:s19] =	ssyncadd.s32 $0xFFFFD800  }
0x29f: {  	[spmem:s3] =	stream.indirect.scatter.add.f32 [tilespmem:s15], [sflag:$0x5], $0x80, s24, s12, $0xb8;
	[tilespmem:$0x1FC00] =	vst v63  }
0x2a0: {  	_ =	swait.ge [sflag:s10], $0x2800  }
0x2a1: {  	[sflag:s10] =	ssyncset.done $0x0  }
0x2a2: {  	[sflag:s10] =	ssyncadd.s32 $0xFFFFD800  }
0x2a3: {  	[tilespmem:s15], [sflag:$0x3] =	stream.indirect.gather [hbm4b:s1+s12], $0x80, s25, s12, $0xb8;
	[tilespmem:$0x1FC00] =	vst v63  }
0x2a4: {  	_ =	swait.ge [sflag:s20], $0x2800  }
0x2a5: {  	[sflag:s20] =	ssyncset.done $0x0  }
0x2a6: {  	[sflag:s20] =	ssyncadd.s32 $0xFFFFD800  }
0x2a7: {  	[spmem:s3] =	stream.indirect.scatter.add.f32 [tilespmem:s16], [sflag:$0x5], $0x80, s26, s12, $0xb8;
	[tilespmem:$0x1FC00] =	vst v63  }
0x2a8: {  	_ =	swait.ge [sflag:s10], $0x2800  }
0x2a9: {  	[sflag:s10] =	ssyncset.done $0x0  }
0x2aa: {  	[sflag:s10] =	ssyncadd.s32 $0xFFFFD800  }
0x2ab: {  	[tilespmem:s16], [sflag:$0x4] =	stream.indirect.gather [hbm4b:s1+s12], $0x80, s28, s12, $0xb8;
	[tilespmem:$0x1FC00] =	vst v63  }
0x2ac: {  	_ =	swait.ge [sflag:s17], $0x2800  }
0x2ad: {  	[sflag:s17] =	ssyncset.done $0x0  }
0x2ae: {  	[sflag:s17] =	ssyncadd.s32 $0xFFFFD800  }
0x2af: {  	[spmem:s3] =	stream.indirect.scatter.add.f32 [tilespmem:s13], [sflag:$0x5], $0x80, s29, s12, $0xb8;
	[tilespmem:$0x1FC00] =	vst v63  }
0x2b0: {  	_ =	swait.ge [sflag:s10], $0x2800  }
0x2b1: {  	[sflag:s10] =	ssyncset.done $0x0  }
0x2b2: {  	[sflag:s10] =	ssyncadd.s32 $0xFFFFD800  }
0x2b3: {  	[tilespmem:s13], [sflag:$0x1] =	stream.indirect.gather [hbm4b:s1+s12], $0x80, s30, s12, $0xb8;
	[tilespmem:$0x1FC00] =	vst v63  }
0x2b4: {  	_ =	swait.ge [sflag:s18], $0x2800  }
0x2b5: {  	[sflag:s18] =	ssyncset.done $0x0  }
0x2b6: {  	[sflag:s18] =	ssyncadd.s32 $0xFFFFD800  }
0x2b7: {  	[spmem:s3] =	stream.indirect.scatter.add.f32 [tilespmem:s14], [sflag:$0x5], $0x80, s31, s12, $0xb8;
	[tilespmem:$0x1FC00] =	vst v63  }
0x2b8: {  	_ =	swait.ge [sflag:s10], $0x2800  }
0x2b9: {  	[sflag:s10] =	ssyncset.done $0x0  }
0x2ba: {  	[sflag:s10] =	ssyncadd.s32 $0xFFFFD800  }
0x2bb: {  	_ =	swait.ge [sflag:s19], $0x2800  }
0x2bc: {  	[sflag:s19] =	ssyncset.done $0x0  }
0x2bd: {  	[sflag:s19] =	ssyncadd.s32 $0xFFFFD800  }
0x2be: {  	[spmem:s3] =	stream.indirect.scatter.add.f32 [tilespmem:s15], [sflag:$0x5], $0x80, s2, s12, $0xb8;
	[tilespmem:$0x1FC00] =	vst v63  }
0x2bf: {  	_ =	swait.ge [sflag:s10], $0x2800  }
0x2c0: {  	[sflag:s10] =	ssyncset.done $0x0  }
0x2c1: {  	[sflag:s10] =	ssyncadd.s32 $0xFFFFD800  }
0x2c2: {  	_ =	swait.ge [sflag:s20], $0x2800  }
0x2c3: {  	[sflag:s20] =	ssyncset.done $0x0  }
0x2c4: {  	[sflag:s20] =	ssyncadd.s32 $0xFFFFD800  }
0x2c5: {  	[spmem:s3] =	stream.indirect.scatter.add.f32 [tilespmem:s16], [sflag:$0x5], $0x80, s0, s12, $0xb8;
	[tilespmem:$0x1FC00] =	vst v63  }
0x2c6: {  	_ =	swait.ge [sflag:s10], $0x2800  }
0x2c7: {  	[sflag:s10] =	ssyncset.done $0x0  }
0x2c8: {  	[sflag:s10] =	ssyncadd.s32 $0xFFFFD800  }
0x2c9: {  	_ =	swait.ge [sflag:s17], $0x2800  }
0x2ca: {  	[sflag:s17] =	ssyncset.done $0x0  }
0x2cb: {  	[sflag:s17] =	ssyncadd.s32 $0xFFFFD800  }
0x2cc: {  	[spmem:s3] =	stream.indirect.scatter.add.f32 [tilespmem:s13], [sflag:$0x5], $0x80, s5, s12, $0xb8;
	[tilespmem:$0x1FC00] =	vst v63  }
0x2cd: {  	_ =	swait.ge [sflag:s10], $0x2800  }
0x2ce: {  	[sflag:s10] =	ssyncset.done $0x0  }
0x2cf: {  	[sflag:s10] =	ssyncadd.s32 $0xFFFFD800  }
0x2d0: {  	[bflag:$0x0] =	sbarrier.arrive $0xFFFF  }
0x2d1: {  	s7 =	sld [smem:$0x7FC]  }
0x2d2: {  	s9 =	sld [smem:$0x7F1]  }
0x2d3: {  	s8 =	sld [smem:$0x7FD];
	_ =	sdelay $0x2  }
0x2d4: {  	[hbm:s9], [sflag:s7] =	dma.local [spmem:s8], $0x2780  }
0x2d5: {  	_ =	swait.ge [sflag:s10], $0x2780  }
0x2d6: {  	s6 =	sld [smem:$0x7EF];
	_ =	sdelay $0x2  }
0x2d7: {  	s9 =	sadd.s32 $0x1, s6;
	s6 =	sld [smem:$0x7F2];
	_ =	sdelay $0x2  }
0x2d8: {  	p0 =	sne.s32 s9, s6  }
.Ltmp1:
0x2d9: {  	_ = 	snop;
	(pc) =	sbr.rel @p0 .LBB2_1-.Ltmp1, $3  }
0x2da: {  	_ =	sdelay $0x1  }
0x2db: {  	[sflag:s10] =	ssyncset.done $0x0  }
0x2dc: {  	[sflag:s10] =	ssyncadd.s32 $0xFFFFD880  }
0x2dd: {  	_ =	sfence.sel $0x180000  }
0x2de: {  	[bflag:$0x0] =	sbarrier.arrive $0xFFFF  }
0x2df: {  	_ =	strace $0x9000004A  }
0x2e0: {  	s0 =	stileid.u32;
	[bflag:$0x2] =	sbarrier.arrive $0xFFFF  }
0x2e1: {  	p0 =	sne.s32 s0, $0x0;
	s0 =	rddreg [dreg:$0x3]  }
0x2e2: {  	s0 =	sadd.s32 @!p0 $0x100000, s0  }
0x2e3: {  	[sflag:s0] =	ssyncadd.tile.s32 @!p0 $0x1;
	_ =	shalt  }
.Lfunc_end2:
_tile_overlayer_lowered:
.L_overlay_start_2:
0x2e4: {  	(tag) =	ssettag $0x2  }
0x2e5: {  	s0 =	rddreg [dreg:$0x0];
	s2 =	stileid.u32  }
0x2e6: {  	s1 =	rddreg [dreg:$0x1];
	p0 =	sne.s32 s2, $0x0  }
0x2e7: {  	s3 =	rddreg [dreg:$0x2];
	[bflag:$0x3] =	sbarrier.arrive $0xFFFF;
	s2 =	simm.s32 @!p0 $0x1C05  }
0x2e8: {  	[timem:s3], [sflag:s2] =	dma.local @!p0 [hbm:s0], s1  }
0x2e9: {  	s0 =	simm.s32 @!p0 $0x5  }
0x2ea: {  	_ =	swait.ge @!p0 [sflag:s0], s1  }
0x2eb: {  	s1 =	ssub.s32 @!p0 $0x0, s1;
	[sflag:s0] =	ssyncset.done @!p0 $0x0  }
0x2ec: {  	[sflag:s0] =	ssyncadd.s32 @!p0 s1  }
0x2ed: {  	[bflag:$0x3] =	sbarrier.arrive $0xFFFF  }
0x2ee: {  	_ =	shalt  }

// kernel: kernel.7.cloned.1.call-start
scs
__scs_entry_jumppad:
0x0: {  	(pc) =	sbr.rel $0x88, $3  }
0x1: {  	(tag) =	ssettag $0x0;
	lr =	simm.s32 $0x1  }
0x2: {  	[smem:$0x3F95] =	sst lr;
	_ =	strace $0xD0000000  }
0x3: {  	_ = 	snop  }
0x4: {  	_ = 	snop  }
0x5: {  	_ = 	snop  }
0x6: {  	_ = 	snop  }
0x7: {  	_ = 	snop  }
__scs_overlays_trampoline_lowered:
0x8: {  	[smem:$0x3FA4] =	sst s0  }
0x9: {  	[smem:$0x3FA5] =	sst s1  }
0xa: {  	[smem:$0x3FA6] =	sst s2  }
0xb: {  	[smem:$0x3FA7] =	sst s3  }
0xc: {  	[smem:$0x3FA8] =	sst s4  }
0xd: {  	[smem:$0x3FA9] =	sst s5  }
0xe: {  	[smem:$0x3FAA] =	sst s6  }
0xf: {  	[smem:$0x3FAB] =	sst s7  }
0x10: {  	[smem:$0x3FAC] =	sst s8  }
0x11: {  	[smem:$0x3FAD] =	sst s9;
	s0 =	simm.s32 @!p0 $0x0  }
0x12: {  	s1 =	sld [smem:$0x3F93];
	s0 =	simm.s32 @p0 $0x1  }
0x13: {  	[smem:$0x3FAE] =	sst s0;
	s0 =	simm.s32 @!p1 $0x0  }
0x14: {  	s2 =	sld [smem:$0x3F92];
	s0 =	simm.s32 @p1 $0x1  }
0x15: {  	[smem:$0x3FAF] =	sst s0;
	s0 =	simm.s32 @!p2 $0x0  }
0x16: {  	s3 =	sld [smem:$0x3FDB];
	s0 =	simm.s32 @p2 $0x1  }
0x17: {  	s4 =	simm.s32 $0x1BF5;
	[smem:$0x3FB1] =	sst s0  }
0x18: {  	s0 =	sld [smem:$0x3F94];
	_ =	swait.ge [sflag:s4], $0x0  }
0x19: {  	s7 =	sld [smem:$0x3F95]  }
0x1a: {  	s8 =	sadd.s32 $0xFFFFE003, lr  }
0x1b: {  	s9 =	sadd.s32 $0xFFFFFEF7, lr;
	s5 =	simm.s32 $0xFFFFFFFF;
	p2 =	slt.u32 s8, $0xFFFFF086  }
0x1c: {  	p1 =	slt.u32 s9, $0xF7A;
	s5 =	simm.s32 @!p2 $0x0  }
0x1d: {  	s5 =	simm.s32 @p1 $0x1;
	p0 =	seq.s32 s7, s2  }
0x1e: {  	s7 =	smul.u32 @!p0 $0xF7A, s2;
	p2 =	seq.s32 @!p0 s5, $0x0  }
0x1f: {  	s9 =	smul.u32 $0xF7A, s1;
	s8 =	simm.s32 @!p0 $0x1BF5;
	p2 =	por !p2, p0  }
0x20: {  	[sflag:s8] =	ssyncset.s32 @!p0 $0xFFFFF086;
	s6 =	sadd.s32 @!p0 s3, s7;
	s7 =	simm.s32 @!p0 $0x108  }
0x21: {  	s3 =	sadd.s32 s3, s9;
	s6 =	sadd.s32 @!p0 $0x88, s6;
	s7 =	simm.s32 @p2 $0x1082  }
0x22: {  	[simem:s7], [sflag:s8] =	dma.local @!p0 [hbm:s6], $0xF7A  }
0x23: {  	s9 =	sor.u32 $0xD0000000, s2;
	s6 =	simm.s32 $0x108;
	_ =	swait.ge @!p0 [sflag:s8], $0x0  }
0x24: {  	s3 =	sadd.s32 $0x88, s3;
	s6 =	simm.s32 @!p1 $0x1082;
	[sflag:s4] =	ssyncset.s32 $0xFFFFF086  }
0x25: {  	[simem:s6], [sflag:s4] =	dma.local [hbm:s3], $0xF7A  }
0x26: {  	[smem:$0x3F95] =	sst s1;
	(tag) =	ssettag s2;
	_ =	strace s9  }
0x27: {  	s1 =	sld [smem:$0x3FA5]  }
0x28: {  	s2 =	sld [smem:$0x3FA6]  }
0x29: {  	s4 =	sld [smem:$0x3FA8]  }
0x2a: {  	p0 =	seq.s32 s5, $0x0;
	s5 =	sld [smem:$0x3FA9]  }
0x2b: {  	s6 =	sld [smem:$0x3FAA]  }
0x2c: {  	s7 =	sld [smem:$0x3FAB]  }
0x2d: {  	s3 =	simm.s32 $0x108;
	s8 =	sld [smem:$0x3FAC]  }
0x2e: {  	s3 =	simm.s32 @!p0 $0x1082;
	s9 =	sld [smem:$0x3FAD]  }
0x2f: {  	lr =	sadd.s32 s0, s3;
	s0 =	sld [smem:$0x3FA4]  }
0x30: {  	s3 =	sld [smem:$0x3FA7]  }
0x31: {  	[smem:$0x3FB0] =	sst s10  }
0x32: {  	s10 =	sld [smem:$0x3FAE];
	_ =	sdelay $0x3  }
0x33: {  	p0 =	seq.s32 s10, $0x1;
	s10 =	sld [smem:$0x3FB0];
	_ =	sdelay $0x3  }
0x34: {  	[smem:$0x3FB0] =	sst s10  }
0x35: {  	s10 =	sld [smem:$0x3FAF];
	_ =	sdelay $0x3  }
0x36: {  	p1 =	seq.s32 s10, $0x1;
	s10 =	sld [smem:$0x3FB0];
	_ =	sdelay $0x3  }
0x37: {  	[smem:$0x3FB0] =	sst s10  }
0x38: {  	s10 =	sld [smem:$0x3FB1]  }
0x39: {  	_ = 	snop;
	(pc) =	sbr.ind lr, $3  }
0x3a: {  	_ = 	snop  }
0x3b: {  	_ = 	snop  }
0x3c: {  	p2 =	seq.s32 s10, $0x1;
	s10 =	sld [smem:$0x3FB0]  }
0x3d: {  	_ =	shalt  }
0x3e: {  	_ =	shalt  }
0x3f: {  	_ =	shalt  }
0x40: {  	_ =	shalt  }
0x41: {  	_ =	shalt  }
0x42: {  	_ =	shalt  }
0x43: {  	_ =	shalt  }
0x44: {  	_ =	shalt  }
0x45: {  	_ =	shalt  }
0x46: {  	_ =	shalt  }
0x47: {  	_ =	shalt  }
0x48: {  	_ =	shalt  }
0x49: {  	_ =	shalt  }
0x4a: {  	_ =	shalt  }
0x4b: {  	_ =	shalt  }
0x4c: {  	_ =	shalt  }
0x4d: {  	_ =	shalt  }
0x4e: {  	_ =	shalt  }
0x4f: {  	_ =	shalt  }
0x50: {  	_ =	shalt  }
0x51: {  	_ =	shalt  }
0x52: {  	_ =	shalt  }
0x53: {  	_ =	shalt  }
0x54: {  	_ =	shalt  }
0x55: {  	_ =	shalt  }
0x56: {  	_ =	shalt  }
0x57: {  	_ =	shalt  }
0x58: {  	_ =	shalt  }
0x59: {  	_ =	shalt  }
0x5a: {  	_ =	shalt  }
0x5b: {  	_ =	shalt  }
0x5c: {  	_ =	shalt  }
0x5d: {  	_ =	shalt  }
0x5e: {  	_ =	shalt  }
0x5f: {  	_ =	shalt  }
0x60: {  	_ =	shalt  }
0x61: {  	_ =	shalt  }
0x62: {  	_ =	shalt  }
0x63: {  	_ =	shalt  }
0x64: {  	_ =	shalt  }
0x65: {  	_ =	shalt  }
0x66: {  	_ =	shalt  }
0x67: {  	_ =	shalt  }
0x68: {  	_ =	shalt  }
0x69: {  	_ =	shalt  }
0x6a: {  	_ =	shalt  }
0x6b: {  	_ =	shalt  }
0x6c: {  	_ =	shalt  }
0x6d: {  	_ =	shalt  }
0x6e: {  	_ =	shalt  }
0x6f: {  	_ =	shalt  }
0x70: {  	_ =	shalt  }
0x71: {  	_ =	shalt  }
0x72: {  	_ =	shalt  }
0x73: {  	_ =	shalt  }
0x74: {  	_ =	shalt  }
0x75: {  	_ =	shalt  }
0x76: {  	_ =	shalt  }
0x77: {  	_ =	shalt  }
0x78: {  	_ =	shalt  }
0x79: {  	_ =	shalt  }
0x7a: {  	_ =	shalt  }
0x7b: {  	_ =	shalt  }
0x7c: {  	_ =	shalt  }
0x7d: {  	_ =	shalt  }
0x7e: {  	_ =	shalt  }
0x7f: {  	_ =	shalt  }
0x80: {  	_ =	shalt  }
0x81: {  	_ =	shalt  }
0x82: {  	_ =	shalt  }
0x83: {  	_ =	shalt  }
0x84: {  	_ =	shalt  }
0x85: {  	_ =	shalt  }
0x86: {  	_ =	shalt  }
0x87: {  	_ =	shalt  }
.Lfunc_end0:
.L_simem_size_0:
called_computation_lowered:
.L_overlay_start_0:
0x88: {  	s2 =	sld [smem:$0x3FD9]  }
0x89: {  	s3 =	sld [smem:$0x3FFE];
	_ =	sdelay $0x1  }
0x8a: {  	s1 =	srdreg.scid  }
0x8b: {  	s0 =	sand.u32 $0x1, s1  }
0x8c: {  	s17 =	sshll.u32 s0, $0xA;
	s2 =	sadd.s32 s3, s2  }
0x8d: {  	s2 =	sadd.s32 s2, s17  }
0x8e: {  	[smem:$0x3FBC] =	sst s2  }
0x8f: {  	_ = 	snop  }
0x90: {  	s2 =	sld [smem:$0x3FD0];
	(tm) =	ssettm $0x1  }
0x91: {  	s18 =	sld [smem:$0x3FFB];
	_ =	sdelay $0x3  }
0x92: {  	_ =	strace s18  }
0x93: {  	s3 =	sld [smem:$0x3FFC];
	_ =	sdelay $0x3  }
0x94: {  	_ =	strace s3  }
0x95: {  	s3 =	sld [smem:$0x3FFD];
	_ =	sdelay $0x3  }
0x96: {  	_ =	strace s3  }
0x97: {  	_ =	strace $0x8FFFFFFF  }
0x98: {  	s19 =	sld [smem:$0x3FDB];
	_ =	sdelay $0x1  }
0x99: {  	s4 =	simm.s32 $_scs_section_size  }
0x9a: {  	s5 =	simm.s32 $_size__tile_overlayer_lowered;
	s6 =	simm.s32 $_tile_overlayer_lowered  }
0x9b: {  	s22 =	simm.s32 $0x1BFF;
	s21 =	sshll.u32 s6, $0x1;
	s3 =	sadd.s32 s4, s19  }
0x9c: {  	s7 =	simm.s32 $0x0;
	s20 =	sshll.u32 s5, $0x1;
	s5 =	sadd.s32 s21, s3  }
0x9d: {  	[timem:s7], [sflag:s22] =	dma.local [hbm:s5], s20  }
0x9e: {  	_ =	swait.ge [sflag:s22], s20  }
0x9f: {  	s4 =	ssub.s32 $0x0, s20;
	[sflag:s22] =	ssyncset.done $0x0  }
0xa0: {  	[sflag:s22] =	ssyncadd.s32 s4;
	_ =	sdelay $0x1  }
0xa1: {  	s23 =	simm.s32 $0x1B8B  }
0xa2: {  	_ =	swait.ge [sflag:s23], $0x1  }
0xa3: {  	[sflag:s23] =	ssyncset.done $0x0  }
0xa4: {  	s25 =	simm.s32 $0x1B8E;
	s24 =	sld [smem:$0x3FFE];
	[sflag:s23] =	ssyncadd.s32 $0xFFFFFFFF  }
0xa5: {  	s26 =	simm.s32 $execute0_lowered;
	[smem:$0x3FD2] =	sst s25  }
0xa6: {  	s5 =	sshll.u32 s26, $0x1;
	_ =	strace $0x80000046;
	[dreg:$0x1] =	wrdreg $0xFFFFFFFF  }
0xa7: {  	s28 =	simm.s32 $_size_execute0_lowered;
	s3 =	sadd.s32 s3, s5;
	[dreg:$0x0] =	wrdreg $0x0  }
0xa8: {  	s5 =	sshll.u32 s28, $0x1;
	[dreg:$0x2] =	wrdreg s3  }
0xa9: {  	[dreg:$0x3] =	wrdreg s5  }
0xaa: {  	[dreg:$0x4] =	wrdreg $0xC0  }
0xab: {  	_ =	task [dreg:s7], $0x5FFFF  }
0xac: {  	[dreg:$0x1] =	wrdreg $0xFFFFFFFF  }
0xad: {  	[dreg:$0x0] =	wrdreg $0x60  }
0xae: {  	[dreg:$0x2] =	wrdreg s2  }
0xaf: {  	[dreg:$0x3] =	wrdreg s24  }
0xb0: {  	[dreg:$0x4] =	wrdreg $0xC0000  }
0xb1: {  	[dreg:$0x5] =	wrdreg $0x9  }
0xb2: {  	_ =	task.clear_ibuf [dreg:s7], $0x6FFFF;
	_ =	strace $0x90000046  }
0xb3: {  	s29 =	simm.s32 $0x9;
	_ =	strace $0x80000048  }
0xb4: {  	_ =	swait.ge [sflag:s29], $0x1  }
0xb5: {  	[sflag:s29] =	ssyncadd.s32 $0xFFFFFFFF  }
0xb6: {  	_ =	strace $0x90000048  }
0xb7: {  	_ =	sfence  }
0xb8: {  	s30 =	sld [smem:$0x0];
	_ =	sdelay $0x2  }
0xb9: {  	s31 =	sshll.u32 s1, $0xD;
	s1 =	sshrl.u32 s1, $0x2  }
0xba: {  	s3 =	sand.u32 $0x4000, s31;
	s1 =	sadd.s32 s1, s30  }
0xbb: {  	s0 =	sor.u32 s3, s0;
	s1 =	sshll.u32 s1, $0x11  }
0xbc: {  	s0 =	sor.u32 s1, s0  }
0xbd: {  	s0 =	sadd.s32 $0x8F2B, s0  }
0xbe: {  	[sflag:s0] =	ssyncadd.remote.s32 $0x1  }
0xbf: {  	_ =	sfence.sel $0xFFFF  }
0xc0: {  	[dreg:$0x0] =	wrdreg $0xFFFFFFFF;
	(pc) =	sbr.abs _section_cstart, $3  }
0xc1: {  	[dreg:$0x1] =	wrdreg $0xFFFFFFFF  }
0xc2: {  	_ =	task.clear_ibuf [dreg:s7], $0x2FFFF;
	_ =	strace $0x9FFFFFFF  }
0xc3: {  	(tm) =	ssettm $0x7FFFFFFF  }
tec
execute0_lowered:
.L_overlay_start_1:
0x0: {  	(tag) =	ssettag $0x1  }
0x1: {  	s9 =	stileid.u32;
	s0 =	srdreg.scid  }
0x2: {  	s0 =	sand.u32 $0x1, s0;
	s1 =	smul.u32 $0xA000, s9  }
0x3: {  	s2 =	rddreg [dreg:$0x0];
	s4 =	smul.u32 $0x5000, s0  }
0x4: {  	s5 =	rddreg [dreg:$0x1]  }
0x5: {  	s3 =	rddreg [dreg:$0x2];
	s1 =	sadd.s32 s4, s1;
	s4 =	simm.s32 $0x0  }
0x6: {  	s22 =	simm.s32 $0x80;
	[smem:$0x7FF] =	sst s4  }
0x7: {  	s23 =	simm.s32 $0x100;
	_ =	strace $0x80000047;
	[dreg:$0x6] =	wrdreg s22  }
0x8: {  	s24 =	simm.s32 $0x180;
	[dreg:$0x7] =	wrdreg s23  }
0x9: {  	s25 =	simm.s32 $0x200;
	[dreg:$0x8] =	wrdreg s24  }
0xa: {  	s8 =	simm.s32 $0x1080;
	s10 =	simm.s32 $0x280;
	[dreg:$0x9] =	wrdreg s25  }
0xb: {  	s12 =	simm.s32 $0x1100;
	s13 =	simm.s32 $0x300;
	[dreg:$0xa] =	wrdreg s8  }
0xc: {  	s14 =	simm.s32 $0x1180;
	s15 =	simm.s32 $0x380;
	[dreg:$0xb] =	wrdreg s10  }
0xd: {  	s16 =	simm.s32 $0x1200;
	s17 =	simm.s32 $0x400;
	[dreg:$0xc] =	wrdreg s12  }
0xe: {  	s18 =	simm.s32 $0x1280;
	s20 =	simm.s32 $0x480;
	[dreg:$0xd] =	wrdreg s13  }
0xf: {  	s28 =	simm.s32 $0xB80;
	s29 =	simm.s32 $0x1A00;
	[dreg:$0xe] =	wrdreg s14  }
0x10: {  	s30 =	simm.s32 $0xC00;
	s26 =	smul.u32 $0x13C00, s9;
	[dreg:$0xf] =	wrdreg s15  }
0x11: {  	s31 =	simm.s32 $0x1A80;
	s7 =	sadd.s32 $0x2E00, s5;
	[dreg:$0x10] =	wrdreg s16  }
0x12: {  	s21 =	smul.u32 $0x4F000, s9;
	s11 =	sshrl.u32 s26, $0x3;
	[dreg:$0x11] =	wrdreg s17  }
0x13: {  	s6 =	sadd.s32 $0xA0000, s1;
	s1 =	sshrl.u32 s1, $0x3;
	[dreg:$0x12] =	wrdreg s18  }
0x14: {  	s6 =	sshrl.u32 s6, $0x3;
	s1 =	sadd.s32 s1, s7;
	[dreg:$0x13] =	wrdreg s20  }
0x15: {  	s8 =	smul.u32 $0x13C000, s0;
	s22 =	simm.s32 $0x1300;
	[dreg:$0x5] =	wrdreg s1  }
0x16: {  	s0 =	ssub.s32 $0x2, s0;
	s23 =	simm.s32 $0x500;
	[dreg:$0x14] =	wrdreg s22  }
0x17: {  	s24 =	sshrl.u32 s21, $0x2;
	s25 =	simm.s32 $0x1380;
	[dreg:$0x15] =	wrdreg s23  }
0x18: {  	s10 =	sshll.u32 s9, $0x6;
	s12 =	simm.s32 $0x1480;
	[dreg:$0x16] =	wrdreg s25  }
0x19: {  	s13 =	simm.s32 $0x680;
	s14 =	simm.s32 $0x1500;
	[dreg:$0x1a] =	wrdreg s12  }
0x1a: {  	s15 =	simm.s32 $0x700;
	s16 =	simm.s32 $0x1580;
	[dreg:$0x1b] =	wrdreg s13  }
0x1b: {  	s17 =	simm.s32 $0x780;
	s18 =	simm.s32 $0x1600;
	[dreg:$0x1c] =	wrdreg s14  }
0x1c: {  	s20 =	simm.s32 $0x1680;
	s21 =	simm.s32 $0x880;
	[dreg:$0x1d] =	wrdreg s15  }
0x1d: {  	s9 =	simm.s32 $0x0;
	s6 =	sadd.s32 s6, s7;
	[dreg:$0x1e] =	wrdreg s16  }
0x1e: {  	s7 =	sadd.s32 s11, s5;
	s19 =	sshrl.u32 s0, $0x1;
	[dreg:$0x1f] =	wrdreg s17  }
0x1f: {  	s11 =	simm.s32 $0x600;
	s12 =	simm.s32 $0x50;
	[smem:$0x7F3] =	sst s18  }
0x20: {  	s13 =	simm.s32 $0x2000;
	s14 =	simm.s32 $0x4800;
	[smem:$0x7F5] =	sst s20  }
0x21: {  	s15 =	simm.s32 $0x7000;
	s16 =	simm.s32 $0x9800;
	[smem:$0x7F6] =	sst s21  }
0x22: {  	s22 =	simm.s32 $0x1700;
	s17 =	simm.s32 $0x1;
	s23 =	simm.s32 $0x900  }
0x23: {  	s18 =	simm.s32 $0x2;
	s25 =	simm.s32 $0x980;
	[dreg:$0x4] =	wrdreg s6  }
0x24: {  	s20 =	simm.s32 $0x4;
	s21 =	simm.s32 $0xA00;
	[dreg:$0x19] =	wrdreg s11  }
0x25: {  	s1 =	simm.s32 $0x1B00;
	s6 =	sadd.s32 s26, s8;
	[smem:$0x7F7] =	sst s22  }
0x26: {  	s0 =	ssub.s32 s0, s19;
	s26 =	simm.s32 $0x580;
	[smem:$0x7F8] =	sst s23  }
0x27: {  	s7 =	sadd.s32 $0x2AE00, s7;
	s8 =	simm.s32 $0x1400;
	[smem:$0x7FA] =	sst s25  }
0x28: {  	s11 =	simm.s32 $0x1000;
	s19 =	simm.s32 $0x800;
	[smem:$0x7F0] =	sst s7  }
0x29: {  	s22 =	simm.s32 $0x1880;
	s23 =	simm.s32 $0xA80;
	[dreg:$0x17] =	wrdreg s26  }
0x2a: {  	s25 =	simm.s32 $0xB00;
	s6 =	sshrl.u32 s6, $0x3;
	[dreg:$0x18] =	wrdreg s8  }
0x2b: {  	s7 =	sor.u32 $0x1C05, s10;
	s0 =	smax.u32 s0, $0x1;
	[smem:$0x7F4] =	sst s19  }
0x2c: {  	s10 =	simm.s32 $0x5;
	s26 =	simm.s32 $0x1800;
	[smem:$0x7F2] =	sst s0  }
0x2d: {  	s19 =	simm.s32 $0x3;
	s5 =	sadd.s32 s6, s5;
	[smem:$0x7FB] =	sst s26  }
0x2e: {  	s6 =	sadd.s32 s24, s3;
	s24 =	simm.s32 $0x1780;
	[smem:$0x7FC] =	sst s7  }
0x2f: {  	s26 =	simm.s32 $0x1980;
	s5 =	sadd.s32 $0x52600, s5;
	[smem:$0x7F9] =	sst s24  }
0x30: {  	s0 =	simm.s32 $0x1B80;
	s8 =	sshrl.u32 s6, $0x3;
	[smem:$0x7F1] =	sst s5  }
0x31: {  	s24 =	simm.s32 $0x1900;
	s5 =	simm.s32 $0x1C00;
	[smem:$0x7FD] =	sst s8  }
.LBB2_1:
0x32: {  	s6 =	sld [smem:$0x7F0];
	_ =	sdelay $0x1  }
0x33: {  	[smem:$0x7EF] =	sst s9  }
0x34: {  	[spmem:s8], [sflag:s7] =	dma.local [hbm:s6], $0x2780  }
0x35: {  	_ =	swait.ge [sflag:s10], $0x2780  }
0x36: {  	[sflag:s10] =	ssyncset.done $0x0  }
0x37: {  	[sflag:s10] =	ssyncadd.s32 $0xFFFFD880  }
0x38: {  	[bflag:$0x0] =	sbarrier.arrive $0xFFFF  }
0x39: {  	s9 =	rddreg [dreg:$0x5]  }
0x3a: {  	s6 =	sadd.s32 $0x0, s9  }
0x3b: {  	[tilespmem:s4], [sflag:$0x5] =	stream.linear.gather [hbm4b:s6+s4], $0xC80, $0x38;
	[tilespmem:$0x1FC00] =	vst v63  }
0x3c: {  	_ =	swait.ge [sflag:s10], $0xC80  }
0x3d: {  	s7 =	rddreg [dreg:$0x4];
	[sflag:s10] =	ssyncset.done $0x0  }
0x3e: {  	[sflag:s10] =	ssyncadd.s32 $0xFFFFF380;
	s6 =	sadd.s32 $0x0, s7  }
0x3f: {  	[tilespmem:s11], [sflag:$0x5] =	stream.linear.gather [hbm4b:s6+s4], $0xC80, $0x38;
	[tilespmem:$0x1FC00] =	vst v63  }
0x40: {  	_ =	swait.ge [sflag:s10], $0xC80  }
0x41: {  	[sflag:s10] =	ssyncset.done $0x0  }
0x42: {  	[sflag:s10] =	ssyncadd.s32 $0xFFFFF380  }
0x43: {  	[tilespmem:s13], [sflag:$0x1] =	stream.indirect.gather [hbm4b:s2+s12], $0x80, s4, s12, $0xb8;
	[tilespmem:$0x1FC00] =	vst v63  }
0x44: {  	s8 =	rddreg [dreg:$0x6]  }
0x45: {  	[tilespmem:s14], [sflag:$0x2] =	stream.indirect.gather [hbm4b:s2+s12], $0x80, s8, s12, $0xb8;
	[tilespmem:$0x1FC00] =	vst v63  }
0x46: {  	s9 =	rddreg [dreg:$0x7]  }
0x47: {  	[tilespmem:s15], [sflag:$0x3] =	stream.indirect.gather [hbm4b:s2+s12], $0x80, s9, s12, $0xb8;
	[tilespmem:$0x1FC00] =	vst v63  }
0x48: {  	s7 =	rddreg [dreg:$0x8]  }
0x49: {  	[tilespmem:s16], [sflag:$0x4] =	stream.indirect.gather [hbm4b:s2+s12], $0x80, s7, s12, $0xb8;
	[tilespmem:$0x1FC00] =	vst v63  }
0x4a: {  	_ =	swait.ge [sflag:s17], $0x2800  }
0x4b: {  	[sflag:s17] =	ssyncset.done $0x0  }
0x4c: {  	[sflag:s17] =	ssyncadd.s32 $0xFFFFD800  }
0x4d: {  	[spmem:s3] =	stream.indirect.scatter.add.f32 [tilespmem:s13], [sflag:$0x5], $0x80, s11, s12, $0xb8;
	[tilespmem:$0x1FC00] =	vst v63  }
0x4e: {  	_ =	swait.ge [sflag:s10], $0x2800  }
0x4f: {  	[sflag:s10] =	ssyncset.done $0x0  }
0x50: {  	s8 =	rddreg [dreg:$0x9];
	[sflag:s10] =	ssyncadd.s32 $0xFFFFD800  }
0x51: {  	[tilespmem:s13], [sflag:$0x1] =	stream.indirect.gather [hbm4b:s2+s12], $0x80, s8, s12, $0xb8;
	[tilespmem:$0x1FC00] =	vst v63  }
0x52: {  	_ =	swait.ge [sflag:s18], $0x2800  }
0x53: {  	[sflag:s18] =	ssyncset.done $0x0  }
0x54: {  	s9 =	rddreg [dreg:$0xa];
	[sflag:s18] =	ssyncadd.s32 $0xFFFFD800  }
0x55: {  	[spmem:s3] =	stream.indirect.scatter.add.f32 [tilespmem:s14], [sflag:$0x5], $0x80, s9, s12, $0xb8;
	[tilespmem:$0x1FC00] =	vst v63  }
0x56: {  	_ =	swait.ge [sflag:s10], $0x2800  }
0x57: {  	[sflag:s10] =	ssyncset.done $0x0  }
0x58: {  	s7 =	rddreg [dreg:$0xb];
	[sflag:s10] =	ssyncadd.s32 $0xFFFFD800  }
0x59: {  	[tilespmem:s14], [sflag:$0x2] =	stream.indirect.gather [hbm4b:s2+s12], $0x80, s7, s12, $0xb8;
	[tilespmem:$0x1FC00] =	vst v63  }
0x5a: {  	_ =	swait.ge [sflag:s19], $0x2800  }
0x5b: {  	[sflag:s19] =	ssyncset.done $0x0  }
0x5c: {  	s8 =	rddreg [dreg:$0xc];
	[sflag:s19] =	ssyncadd.s32 $0xFFFFD800  }
0x5d: {  	[spmem:s3] =	stream.indirect.scatter.add.f32 [tilespmem:s15], [sflag:$0x5], $0x80, s8, s12, $0xb8;
	[tilespmem:$0x1FC00] =	vst v63  }
0x5e: {  	_ =	swait.ge [sflag:s10], $0x2800  }
0x5f: {  	[sflag:s10] =	ssyncset.done $0x0  }
0x60: {  	s9 =	rddreg [dreg:$0xd];
	[sflag:s10] =	ssyncadd.s32 $0xFFFFD800  }
0x61: {  	[tilespmem:s15], [sflag:$0x3] =	stream.indirect.gather [hbm4b:s2+s12], $0x80, s9, s12, $0xb8;
	[tilespmem:$0x1FC00] =	vst v63  }
0x62: {  	_ =	swait.ge [sflag:s20], $0x2800  }
0x63: {  	[sflag:s20] =	ssyncset.done $0x0  }
0x64: {  	s7 =	rddreg [dreg:$0xe];
	[sflag:s20] =	ssyncadd.s32 $0xFFFFD800  }
0x65: {  	[spmem:s3] =	stream.indirect.scatter.add.f32 [tilespmem:s16], [sflag:$0x5], $0x80, s7, s12, $0xb8;
	[tilespmem:$0x1FC00] =	vst v63  }
0x66: {  	_ =	swait.ge [sflag:s10], $0x2800  }
0x67: {  	[sflag:s10] =	ssyncset.done $0x0  }
0x68: {  	s8 =	rddreg [dreg:$0xf];
	[sflag:s10] =	ssyncadd.s32 $0xFFFFD800  }
0x69: {  	[tilespmem:s16], [sflag:$0x4] =	stream.indirect.gather [hbm4b:s2+s12], $0x80, s8, s12, $0xb8;
	[tilespmem:$0x1FC00] =	vst v63  }
0x6a: {  	_ =	swait.ge [sflag:s17], $0x2800  }
0x6b: {  	[sflag:s17] =	ssyncset.done $0x0  }
0x6c: {  	s9 =	rddreg [dreg:$0x10];
	[sflag:s17] =	ssyncadd.s32 $0xFFFFD800  }
0x6d: {  	[spmem:s3] =	stream.indirect.scatter.add.f32 [tilespmem:s13], [sflag:$0x5], $0x80, s9, s12, $0xb8;
	[tilespmem:$0x1FC00] =	vst v63  }
0x6e: {  	_ =	swait.ge [sflag:s10], $0x2800  }
0x6f: {  	[sflag:s10] =	ssyncset.done $0x0  }
0x70: {  	s7 =	rddreg [dreg:$0x11];
	[sflag:s10] =	ssyncadd.s32 $0xFFFFD800  }
0x71: {  	[tilespmem:s13], [sflag:$0x1] =	stream.indirect.gather [hbm4b:s2+s12], $0x80, s7, s12, $0xb8;
	[tilespmem:$0x1FC00] =	vst v63  }
0x72: {  	_ =	swait.ge [sflag:s18], $0x2800  }
0x73: {  	[sflag:s18] =	ssyncset.done $0x0  }
0x74: {  	s8 =	rddreg [dreg:$0x12];
	[sflag:s18] =	ssyncadd.s32 $0xFFFFD800  }
0x75: {  	[spmem:s3] =	stream.indirect.scatter.add.f32 [tilespmem:s14], [sflag:$0x5], $0x80, s8, s12, $0xb8;
	[tilespmem:$0x1FC00] =	vst v63  }
0x76: {  	_ =	swait.ge [sflag:s10], $0x2800  }
0x77: {  	[sflag:s10] =	ssyncset.done $0x0  }
0x78: {  	s9 =	rddreg [dreg:$0x13];
	[sflag:s10] =	ssyncadd.s32 $0xFFFFD800  }
0x79: {  	[tilespmem:s14], [sflag:$0x2] =	stream.indirect.gather [hbm4b:s2+s12], $0x80, s9, s12, $0xb8;
	[tilespmem:$0x1FC00] =	vst v63  }
0x7a: {  	_ =	swait.ge [sflag:s19], $0x2800  }
0x7b: {  	[sflag:s19] =	ssyncset.done $0x0  }
0x7c: {  	s7 =	rddreg [dreg:$0x14];
	[sflag:s19] =	ssyncadd.s32 $0xFFFFD800  }
0x7d: {  	[spmem:s3] =	stream.indirect.scatter.add.f32 [tilespmem:s15], [sflag:$0x5], $0x80, s7, s12, $0xb8;
	[tilespmem:$0x1FC00] =	vst v63  }
0x7e: {  	_ =	swait.ge [sflag:s10], $0x2800  }
0x7f: {  	[sflag:s10] =	ssyncset.done $0x0  }
0x80: {  	s8 =	rddreg [dreg:$0x15];
	[sflag:s10] =	ssyncadd.s32 $0xFFFFD800  }
0x81: {  	[tilespmem:s15], [sflag:$0x3] =	stream.indirect.gather [hbm4b:s2+s12], $0x80, s8, s12, $0xb8;
	[tilespmem:$0x1FC00] =	vst v63  }
0x82: {  	_ =	swait.ge [sflag:s20], $0x2800  }
0x83: {  	[sflag:s20] =	ssyncset.done $0x0  }
0x84: {  	s9 =	rddreg [dreg:$0x16];
	[sflag:s20] =	ssyncadd.s32 $0xFFFFD800  }
0x85: {  	[spmem:s3] =	stream.indirect.scatter.add.f32 [tilespmem:s16], [sflag:$0x5], $0x80, s9, s12, $0xb8;
	[tilespmem:$0x1FC00] =	vst v63  }
0x86: {  	_ =	swait.ge [sflag:s10], $0x2800  }
0x87: {  	[sflag:s10] =	ssyncset.done $0x0  }
0x88: {  	s7 =	rddreg [dreg:$0x17];
	[sflag:s10] =	ssyncadd.s32 $0xFFFFD800  }
0x89: {  	[tilespmem:s16], [sflag:$0x4] =	stream.indirect.gather [hbm4b:s2+s12], $0x80, s7, s12, $0xb8;
	[tilespmem:$0x1FC00] =	vst v63  }
0x8a: {  	_ =	swait.ge [sflag:s17], $0x2800  }
0x8b: {  	[sflag:s17] =	ssyncset.done $0x0  }
0x8c: {  	s8 =	rddreg [dreg:$0x18];
	[sflag:s17] =	ssyncadd.s32 $0xFFFFD800  }
0x8d: {  	[spmem:s3] =	stream.indirect.scatter.add.f32 [tilespmem:s13], [sflag:$0x5], $0x80, s8, s12, $0xb8;
	[tilespmem:$0x1FC00] =	vst v63  }
0x8e: {  	_ =	swait.ge [sflag:s10], $0x2800  }
0x8f: {  	[sflag:s10] =	ssyncset.done $0x0  }
0x90: {  	s9 =	rddreg [dreg:$0x19];
	[sflag:s10] =	ssyncadd.s32 $0xFFFFD800  }
0x91: {  	[tilespmem:s13], [sflag:$0x1] =	stream.indirect.gather [hbm4b:s2+s12], $0x80, s9, s12, $0xb8;
	[tilespmem:$0x1FC00] =	vst v63  }
0x92: {  	_ =	swait.ge [sflag:s18], $0x2800  }
0x93: {  	[sflag:s18] =	ssyncset.done $0x0  }
0x94: {  	s7 =	rddreg [dreg:$0x1a];
	[sflag:s18] =	ssyncadd.s32 $0xFFFFD800  }
0x95: {  	[spmem:s3] =	stream.indirect.scatter.add.f32 [tilespmem:s14], [sflag:$0x5], $0x80, s7, s12, $0xb8;
	[tilespmem:$0x1FC00] =	vst v63  }
0x96: {  	_ =	swait.ge [sflag:s10], $0x2800  }
0x97: {  	[sflag:s10] =	ssyncset.done $0x0  }
0x98: {  	s8 =	rddreg [dreg:$0x1b];
	[sflag:s10] =	ssyncadd.s32 $0xFFFFD800  }
0x99: {  	[tilespmem:s14], [sflag:$0x2] =	stream.indirect.gather [hbm4b:s2+s12], $0x80, s8, s12, $0xb8;
	[tilespmem:$0x1FC00] =	vst v63  }
0x9a: {  	_ =	swait.ge [sflag:s19], $0x2800  }
0x9b: {  	[sflag:s19] =	ssyncset.done $0x0  }
0x9c: {  	s9 =	rddreg [dreg:$0x1c];
	[sflag:s19] =	ssyncadd.s32 $0xFFFFD800  }
0x9d: {  	[spmem:s3] =	stream.indirect.scatter.add.f32 [tilespmem:s15], [sflag:$0x5], $0x80, s9, s12, $0xb8;
	[tilespmem:$0x1FC00] =	vst v63  }
0x9e: {  	_ =	swait.ge [sflag:s10], $0x2800  }
0x9f: {  	[sflag:s10] =	ssyncset.done $0x0  }
0xa0: {  	s7 =	rddreg [dreg:$0x1d];
	[sflag:s10] =	ssyncadd.s32 $0xFFFFD800  }
0xa1: {  	[tilespmem:s15], [sflag:$0x3] =	stream.indirect.gather [hbm4b:s2+s12], $0x80, s7, s12, $0xb8;
	[tilespmem:$0x1FC00] =	vst v63  }
0xa2: {  	_ =	swait.ge [sflag:s20], $0x2800  }
0xa3: {  	[sflag:s20] =	ssyncset.done $0x0  }
0xa4: {  	s8 =	rddreg [dreg:$0x1e];
	[sflag:s20] =	ssyncadd.s32 $0xFFFFD800  }
0xa5: {  	[spmem:s3] =	stream.indirect.scatter.add.f32 [tilespmem:s16], [sflag:$0x5], $0x80, s8, s12, $0xb8;
	[tilespmem:$0x1FC00] =	vst v63  }
0xa6: {  	_ =	swait.ge [sflag:s10], $0x2800  }
0xa7: {  	[sflag:s10] =	ssyncset.done $0x0  }
0xa8: {  	s9 =	rddreg [dreg:$0x1f];
	[sflag:s10] =	ssyncadd.s32 $0xFFFFD800  }
0xa9: {  	[tilespmem:s16], [sflag:$0x4] =	stream.indirect.gather [hbm4b:s2+s12], $0x80, s9, s12, $0xb8;
	[tilespmem:$0x1FC00] =	vst v63  }
0xaa: {  	_ =	swait.ge [sflag:s17], $0x2800  }
0xab: {  	s7 =	sld [smem:$0x7F3]  }
0xac: {  	[sflag:s17] =	ssyncset.done $0x0  }
0xad: {  	[sflag:s17] =	ssyncadd.s32 $0xFFFFD800  }
0xae: {  	[spmem:s3] =	stream.indirect.scatter.add.f32 [tilespmem:s13], [sflag:$0x5], $0x80, s7, s12, $0xb8;
	[tilespmem:$0x1FC00] =	vst v63  }
0xaf: {  	_ =	swait.ge [sflag:s10], $0x2800  }
0xb0: {  	s8 =	sld [smem:$0x7F4]  }
0xb1: {  	[sflag:s10] =	ssyncset.done $0x0  }
0xb2: {  	[sflag:s10] =	ssyncadd.s32 $0xFFFFD800  }
0xb3: {  	[tilespmem:s13], [sflag:$0x1] =	stream.indirect.gather [hbm4b:s2+s12], $0x80, s8, s12, $0xb8;
	[tilespmem:$0x1FC00] =	vst v63  }
0xb4: {  	_ =	swait.ge [sflag:s18], $0x2800  }
0xb5: {  	s9 =	sld [smem:$0x7F5]  }
0xb6: {  	[sflag:s18] =	ssyncset.done $0x0  }
0xb7: {  	[sflag:s18] =	ssyncadd.s32 $0xFFFFD800  }
0xb8: {  	[spmem:s3] =	stream.indirect.scatter.add.f32 [tilespmem:s14], [sflag:$0x5], $0x80, s9, s12, $0xb8;
	[tilespmem:$0x1FC00] =	vst v63  }
0xb9: {  	_ =	swait.ge [sflag:s10], $0x2800  }
0xba: {  	s7 =	sld [smem:$0x7F6]  }
0xbb: {  	[sflag:s10] =	ssyncset.done $0x0  }
0xbc: {  	[sflag:s10] =	ssyncadd.s32 $0xFFFFD800  }
0xbd: {  	[tilespmem:s14], [sflag:$0x2] =	stream.indirect.gather [hbm4b:s2+s12], $0x80, s7, s12, $0xb8;
	[tilespmem:$0x1FC00] =	vst v63  }
0xbe: {  	_ =	swait.ge [sflag:s19], $0x2800  }
0xbf: {  	s8 =	sld [smem:$0x7F7]  }
0xc0: {  	[sflag:s19] =	ssyncset.done $0x0  }
0xc1: {  	[sflag:s19] =	ssyncadd.s32 $0xFFFFD800  }
0xc2: {  	[spmem:s3] =	stream.indirect.scatter.add.f32 [tilespmem:s15], [sflag:$0x5], $0x80, s8, s12, $0xb8;
	[tilespmem:$0x1FC00] =	vst v63  }
0xc3: {  	_ =	swait.ge [sflag:s10], $0x2800  }
0xc4: {  	s9 =	sld [smem:$0x7F8]  }
0xc5: {  	[sflag:s10] =	ssyncset.done $0x0  }
0xc6: {  	[sflag:s10] =	ssyncadd.s32 $0xFFFFD800  }
0xc7: {  	[tilespmem:s15], [sflag:$0x3] =	stream.indirect.gather [hbm4b:s2+s12], $0x80, s9, s12, $0xb8;
	[tilespmem:$0x1FC00] =	vst v63  }
0xc8: {  	_ =	swait.ge [sflag:s20], $0x2800  }
0xc9: {  	s7 =	sld [smem:$0x7F9]  }
0xca: {  	[sflag:s20] =	ssyncset.done $0x0  }
0xcb: {  	[sflag:s20] =	ssyncadd.s32 $0xFFFFD800  }
0xcc: {  	[spmem:s3] =	stream.indirect.scatter.add.f32 [tilespmem:s16], [sflag:$0x5], $0x80, s7, s12, $0xb8;
	[tilespmem:$0x1FC00] =	vst v63  }
0xcd: {  	_ =	swait.ge [sflag:s10], $0x2800  }
0xce: {  	s8 =	sld [smem:$0x7FA]  }
0xcf: {  	[sflag:s10] =	ssyncset.done $0x0  }
0xd0: {  	[sflag:s10] =	ssyncadd.s32 $0xFFFFD800  }
0xd1: {  	[tilespmem:s16], [sflag:$0x4] =	stream.indirect.gather [hbm4b:s2+s12], $0x80, s8, s12, $0xb8;
	[tilespmem:$0x1FC00] =	vst v63  }
0xd2: {  	_ =	swait.ge [sflag:s17], $0x2800  }
0xd3: {  	s9 =	sld [smem:$0x7FB]  }
0xd4: {  	[sflag:s17] =	ssyncset.done $0x0  }
0xd5: {  	[sflag:s17] =	ssyncadd.s32 $0xFFFFD800  }
0xd6: {  	[spmem:s3] =	stream.indirect.scatter.add.f32 [tilespmem:s13], [sflag:$0x5], $0x80, s9, s12, $0xb8;
	[tilespmem:$0x1FC00] =	vst v63  }
0xd7: {  	_ =	swait.ge [sflag:s10], $0x2800  }
0xd8: {  	[sflag:s10] =	ssyncset.done $0x0  }
0xd9: {  	[sflag:s10] =	ssyncadd.s32 $0xFFFFD800  }
0xda: {  	[tilespmem:s13], [sflag:$0x1] =	stream.indirect.gather [hbm4b:s2+s12], $0x80, s21, s12, $0xb8;
	[tilespmem:$0x1FC00] =	vst v63  }
0xdb: {  	_ =	swait.ge [sflag:s18], $0x2800  }
0xdc: {  	[sflag:s18] =	ssyncset.done $0x0  }
0xdd: {  	[sflag:s18] =	ssyncadd.s32 $0xFFFFD800  }
0xde: {  	[spmem:s3] =	stream.indirect.scatter.add.f32 [tilespmem:s14], [sflag:$0x5], $0x80, s22, s12, $0xb8;
	[tilespmem:$0x1FC00] =	vst v63  }
0xdf: {  	_ =	swait.ge [sflag:s10], $0x2800  }
0xe0: {  	[sflag:s10] =	ssyncset.done $0x0  }
0xe1: {  	[sflag:s10] =	ssyncadd.s32 $0xFFFFD800  }
0xe2: {  	[tilespmem:s14], [sflag:$0x2] =	stream.indirect.gather [hbm4b:s2+s12], $0x80, s23, s12, $0xb8;
	[tilespmem:$0x1FC00] =	vst v63  }
0xe3: {  	_ =	swait.ge [sflag:s19], $0x2800  }
0xe4: {  	[sflag:s19] =	ssyncset.done $0x0  }
0xe5: {  	[sflag:s19] =	ssyncadd.s32 $0xFFFFD800  }
0xe6: {  	[spmem:s3] =	stream.indirect.scatter.add.f32 [tilespmem:s15], [sflag:$0x5], $0x80, s24, s12, $0xb8;
	[tilespmem:$0x1FC00] =	vst v63  }
0xe7: {  	_ =	swait.ge [sflag:s10], $0x2800  }
0xe8: {  	[sflag:s10] =	ssyncset.done $0x0  }
0xe9: {  	[sflag:s10] =	ssyncadd.s32 $0xFFFFD800  }
0xea: {  	[tilespmem:s15], [sflag:$0x3] =	stream.indirect.gather [hbm4b:s2+s12], $0x80, s25, s12, $0xb8;
	[tilespmem:$0x1FC00] =	vst v63  }
0xeb: {  	_ =	swait.ge [sflag:s20], $0x2800  }
0xec: {  	[sflag:s20] =	ssyncset.done $0x0  }
0xed: {  	[sflag:s20] =	ssyncadd.s32 $0xFFFFD800  }
0xee: {  	[spmem:s3] =	stream.indirect.scatter.add.f32 [tilespmem:s16], [sflag:$0x5], $0x80, s26, s12, $0xb8;
	[tilespmem:$0x1FC00] =	vst v63  }
0xef: {  	_ =	swait.ge [sflag:s10], $0x2800  }
0xf0: {  	[sflag:s10] =	ssyncset.done $0x0  }
0xf1: {  	[sflag:s10] =	ssyncadd.s32 $0xFFFFD800  }
0xf2: {  	[tilespmem:s16], [sflag:$0x4] =	stream.indirect.gather [hbm4b:s2+s12], $0x80, s28, s12, $0xb8;
	[tilespmem:$0x1FC00] =	vst v63  }
0xf3: {  	_ =	swait.ge [sflag:s17], $0x2800  }
0xf4: {  	[sflag:s17] =	ssyncset.done $0x0  }
0xf5: {  	[sflag:s17] =	ssyncadd.s32 $0xFFFFD800  }
0xf6: {  	[spmem:s3] =	stream.indirect.scatter.add.f32 [tilespmem:s13], [sflag:$0x5], $0x80, s29, s12, $0xb8;
	[tilespmem:$0x1FC00] =	vst v63  }
0xf7: {  	_ =	swait.ge [sflag:s10], $0x2800  }
0xf8: {  	[sflag:s10] =	ssyncset.done $0x0  }
0xf9: {  	[sflag:s10] =	ssyncadd.s32 $0xFFFFD800  }
0xfa: {  	[tilespmem:s13], [sflag:$0x1] =	stream.indirect.gather [hbm4b:s2+s12], $0x80, s30, s12, $0xb8;
	[tilespmem:$0x1FC00] =	vst v63  }
0xfb: {  	_ =	swait.ge [sflag:s18], $0x2800  }
0xfc: {  	[sflag:s18] =	ssyncset.done $0x0  }
0xfd: {  	[sflag:s18] =	ssyncadd.s32 $0xFFFFD800  }
0xfe: {  	[spmem:s3] =	stream.indirect.scatter.add.f32 [tilespmem:s14], [sflag:$0x5], $0x80, s31, s12, $0xb8;
	[tilespmem:$0x1FC00] =	vst v63  }
0xff: {  	_ =	swait.ge [sflag:s10], $0x2800  }
0x100: {  	[sflag:s10] =	ssyncset.done $0x0  }
0x101: {  	[sflag:s10] =	ssyncadd.s32 $0xFFFFD800  }
0x102: {  	_ =	swait.ge [sflag:s19], $0x2800  }
0x103: {  	[sflag:s19] =	ssyncset.done $0x0  }
0x104: {  	[sflag:s19] =	ssyncadd.s32 $0xFFFFD800  }
0x105: {  	[spmem:s3] =	stream.indirect.scatter.add.f32 [tilespmem:s15], [sflag:$0x5], $0x80, s1, s12, $0xb8;
	[tilespmem:$0x1FC00] =	vst v63  }
0x106: {  	_ =	swait.ge [sflag:s10], $0x2800  }
0x107: {  	[sflag:s10] =	ssyncset.done $0x0  }
0x108: {  	[sflag:s10] =	ssyncadd.s32 $0xFFFFD800  }
0x109: {  	_ =	swait.ge [sflag:s20], $0x2800  }
0x10a: {  	[sflag:s20] =	ssyncset.done $0x0  }
0x10b: {  	[sflag:s20] =	ssyncadd.s32 $0xFFFFD800  }
0x10c: {  	[spmem:s3] =	stream.indirect.scatter.add.f32 [tilespmem:s16], [sflag:$0x5], $0x80, s0, s12, $0xb8;
	[tilespmem:$0x1FC00] =	vst v63  }
0x10d: {  	_ =	swait.ge [sflag:s10], $0x2800  }
0x10e: {  	[sflag:s10] =	ssyncset.done $0x0  }
0x10f: {  	[sflag:s10] =	ssyncadd.s32 $0xFFFFD800  }
0x110: {  	_ =	swait.ge [sflag:s17], $0x2800  }
0x111: {  	[sflag:s17] =	ssyncset.done $0x0  }
0x112: {  	[sflag:s17] =	ssyncadd.s32 $0xFFFFD800  }
0x113: {  	[spmem:s3] =	stream.indirect.scatter.add.f32 [tilespmem:s13], [sflag:$0x5], $0x80, s5, s12, $0xb8;
	[tilespmem:$0x1FC00] =	vst v63  }
0x114: {  	s6 =	simm.s32 $0x400;
	_ =	swait.ge [sflag:s10], $0x2800  }
0x115: {  	s8 =	simm.s32 $0x200;
	s9 =	rddreg [dreg:$0x5];
	[sflag:s10] =	ssyncset.done $0x0  }
.LBB2_2:
0x116: {  	[sflag:s10] =	ssyncadd.s32 $0xFFFFD800;
	s9 =	sadd.s32 s8, s9  }
0x117: {  	[tilespmem:s4], [sflag:$0x5] =	stream.linear.gather [hbm4b:s9+s4], $0xC80, $0x38;
	[tilespmem:$0x1FC00] =	vst v63  }
0x118: {  	_ =	swait.ge [sflag:s10], $0xC80  }
0x119: {  	s9 =	rddreg [dreg:$0x4];
	[sflag:s10] =	ssyncset.done $0x0  }
0x11a: {  	[sflag:s10] =	ssyncadd.s32 $0xFFFFF380;
	s9 =	sadd.s32 s8, s9  }
0x11b: {  	[tilespmem:s11], [sflag:$0x5] =	stream.linear.gather [hbm4b:s9+s4], $0xC80, $0x38;
	[tilespmem:$0x1FC00] =	vst v63  }
0x11c: {  	_ =	swait.ge [sflag:s10], $0xC80  }
0x11d: {  	[sflag:s10] =	ssyncset.done $0x0  }
0x11e: {  	s7 =	smov.u32 s6;
	[sflag:s10] =	ssyncadd.s32 $0xFFFFF380  }
0x11f: {  	[tilespmem:s13], [sflag:$0x1] =	stream.indirect.gather [hbm4b:s2+s12], $0x80, s4, s12, $0xb8;
	[tilespmem:$0x1FC00] =	vst v63  }
0x120: {  	s8 =	smov.u32 s7;
	s7 =	rddreg [dreg:$0x6]  }
0x121: {  	[tilespmem:s14], [sflag:$0x2] =	stream.indirect.gather [hbm4b:s2+s12], $0x80, s7, s12, $0xb8;
	[tilespmem:$0x1FC00] =	vst v63  }
0x122: {  	s9 =	rddreg [dreg:$0x7]  }
0x123: {  	[tilespmem:s15], [sflag:$0x3] =	stream.indirect.gather [hbm4b:s2+s12], $0x80, s9, s12, $0xb8;
	[tilespmem:$0x1FC00] =	vst v63  }
0x124: {  	s7 =	rddreg [dreg:$0x8]  }
0x125: {  	[tilespmem:s16], [sflag:$0x4] =	stream.indirect.gather [hbm4b:s2+s12], $0x80, s7, s12, $0xb8;
	[tilespmem:$0x1FC00] =	vst v63  }
0x126: {  	_ =	swait.ge [sflag:s17], $0x2800  }
0x127: {  	[sflag:s17] =	ssyncset.done $0x0  }
0x128: {  	[sflag:s17] =	ssyncadd.s32 $0xFFFFD800  }
0x129: {  	[spmem:s3] =	stream.indirect.scatter.add.f32 [tilespmem:s13], [sflag:$0x5], $0x80, s11, s12, $0xb8;
	[tilespmem:$0x1FC00] =	vst v63  }
0x12a: {  	_ =	swait.ge [sflag:s10], $0x2800  }
0x12b: {  	[sflag:s10] =	ssyncset.done $0x0  }
0x12c: {  	s9 =	rddreg [dreg:$0x9];
	[sflag:s10] =	ssyncadd.s32 $0xFFFFD800  }
0x12d: {  	[tilespmem:s13], [sflag:$0x1] =	stream.indirect.gather [hbm4b:s2+s12], $0x80, s9, s12, $0xb8;
	[tilespmem:$0x1FC00] =	vst v63  }
0x12e: {  	_ =	swait.ge [sflag:s18], $0x2800  }
0x12f: {  	[sflag:s18] =	ssyncset.done $0x0  }
0x130: {  	s9 =	rddreg [dreg:$0xa];
	[sflag:s18] =	ssyncadd.s32 $0xFFFFD800  }
0x131: {  	[spmem:s3] =	stream.indirect.scatter.add.f32 [tilespmem:s14], [sflag:$0x5], $0x80, s9, s12, $0xb8;
	[tilespmem:$0x1FC00] =	vst v63  }
0x132: {  	_ =	swait.ge [sflag:s10], $0x2800  }
0x133: {  	[sflag:s10] =	ssyncset.done $0x0  }
0x134: {  	s9 =	rddreg [dreg:$0xb];
	[sflag:s10] =	ssyncadd.s32 $0xFFFFD800  }
0x135: {  	[tilespmem:s14], [sflag:$0x2] =	stream.indirect.gather [hbm4b:s2+s12], $0x80, s9, s12, $0xb8;
	[tilespmem:$0x1FC00] =	vst v63  }
0x136: {  	_ =	swait.ge [sflag:s19], $0x2800  }
0x137: {  	[sflag:s19] =	ssyncset.done $0x0  }
0x138: {  	s9 =	rddreg [dreg:$0xc];
	[sflag:s19] =	ssyncadd.s32 $0xFFFFD800  }
0x139: {  	[spmem:s3] =	stream.indirect.scatter.add.f32 [tilespmem:s15], [sflag:$0x5], $0x80, s9, s12, $0xb8;
	[tilespmem:$0x1FC00] =	vst v63  }
0x13a: {  	_ =	swait.ge [sflag:s10], $0x2800  }
0x13b: {  	[sflag:s10] =	ssyncset.done $0x0  }
0x13c: {  	s9 =	rddreg [dreg:$0xd];
	[sflag:s10] =	ssyncadd.s32 $0xFFFFD800  }
0x13d: {  	[tilespmem:s15], [sflag:$0x3] =	stream.indirect.gather [hbm4b:s2+s12], $0x80, s9, s12, $0xb8;
	[tilespmem:$0x1FC00] =	vst v63  }
0x13e: {  	_ =	swait.ge [sflag:s20], $0x2800  }
0x13f: {  	[sflag:s20] =	ssyncset.done $0x0  }
0x140: {  	s9 =	rddreg [dreg:$0xe];
	[sflag:s20] =	ssyncadd.s32 $0xFFFFD800  }
0x141: {  	[spmem:s3] =	stream.indirect.scatter.add.f32 [tilespmem:s16], [sflag:$0x5], $0x80, s9, s12, $0xb8;
	[tilespmem:$0x1FC00] =	vst v63  }
0x142: {  	_ =	swait.ge [sflag:s10], $0x2800  }
0x143: {  	[sflag:s10] =	ssyncset.done $0x0  }
0x144: {  	s9 =	rddreg [dreg:$0xf];
	[sflag:s10] =	ssyncadd.s32 $0xFFFFD800  }
0x145: {  	[tilespmem:s16], [sflag:$0x4] =	stream.indirect.gather [hbm4b:s2+s12], $0x80, s9, s12, $0xb8;
	[tilespmem:$0x1FC00] =	vst v63  }
0x146: {  	_ =	swait.ge [sflag:s17], $0x2800  }
0x147: {  	[sflag:s17] =	ssyncset.done $0x0  }
0x148: {  	s9 =	rddreg [dreg:$0x10];
	[sflag:s17] =	ssyncadd.s32 $0xFFFFD800  }
0x149: {  	[spmem:s3] =	stream.indirect.scatter.add.f32 [tilespmem:s13], [sflag:$0x5], $0x80, s9, s12, $0xb8;
	[tilespmem:$0x1FC00] =	vst v63  }
0x14a: {  	_ =	swait.ge [sflag:s10], $0x2800  }
0x14b: {  	[sflag:s10] =	ssyncset.done $0x0  }
0x14c: {  	s9 =	rddreg [dreg:$0x11];
	[sflag:s10] =	ssyncadd.s32 $0xFFFFD800  }
0x14d: {  	[tilespmem:s13], [sflag:$0x1] =	stream.indirect.gather [hbm4b:s2+s12], $0x80, s9, s12, $0xb8;
	[tilespmem:$0x1FC00] =	vst v63  }
0x14e: {  	_ =	swait.ge [sflag:s18], $0x2800  }
0x14f: {  	[sflag:s18] =	ssyncset.done $0x0  }
0x150: {  	s9 =	rddreg [dreg:$0x12];
	[sflag:s18] =	ssyncadd.s32 $0xFFFFD800  }
0x151: {  	[spmem:s3] =	stream.indirect.scatter.add.f32 [tilespmem:s14], [sflag:$0x5], $0x80, s9, s12, $0xb8;
	[tilespmem:$0x1FC00] =	vst v63  }
0x152: {  	_ =	swait.ge [sflag:s10], $0x2800  }
0x153: {  	[sflag:s10] =	ssyncset.done $0x0  }
0x154: {  	s9 =	rddreg [dreg:$0x13];
	[sflag:s10] =	ssyncadd.s32 $0xFFFFD800  }
0x155: {  	[tilespmem:s14], [sflag:$0x2] =	stream.indirect.gather [hbm4b:s2+s12], $0x80, s9, s12, $0xb8;
	[tilespmem:$0x1FC00] =	vst v63  }
0x156: {  	_ =	swait.ge [sflag:s19], $0x2800  }
0x157: {  	[sflag:s19] =	ssyncset.done $0x0  }
0x158: {  	s9 =	rddreg [dreg:$0x14];
	[sflag:s19] =	ssyncadd.s32 $0xFFFFD800  }
0x159: {  	[spmem:s3] =	stream.indirect.scatter.add.f32 [tilespmem:s15], [sflag:$0x5], $0x80, s9, s12, $0xb8;
	[tilespmem:$0x1FC00] =	vst v63  }
0x15a: {  	_ =	swait.ge [sflag:s10], $0x2800  }
0x15b: {  	[sflag:s10] =	ssyncset.done $0x0  }
0x15c: {  	s9 =	rddreg [dreg:$0x15];
	[sflag:s10] =	ssyncadd.s32 $0xFFFFD800  }
0x15d: {  	[tilespmem:s15], [sflag:$0x3] =	stream.indirect.gather [hbm4b:s2+s12], $0x80, s9, s12, $0xb8;
	[tilespmem:$0x1FC00] =	vst v63  }
0x15e: {  	_ =	swait.ge [sflag:s20], $0x2800  }
0x15f: {  	[sflag:s20] =	ssyncset.done $0x0  }
0x160: {  	s9 =	rddreg [dreg:$0x16];
	[sflag:s20] =	ssyncadd.s32 $0xFFFFD800  }
0x161: {  	[spmem:s3] =	stream.indirect.scatter.add.f32 [tilespmem:s16], [sflag:$0x5], $0x80, s9, s12, $0xb8;
	[tilespmem:$0x1FC00] =	vst v63  }
0x162: {  	_ =	swait.ge [sflag:s10], $0x2800  }
0x163: {  	[sflag:s10] =	ssyncset.done $0x0  }
0x164: {  	s9 =	rddreg [dreg:$0x17];
	[sflag:s10] =	ssyncadd.s32 $0xFFFFD800  }
0x165: {  	[tilespmem:s16], [sflag:$0x4] =	stream.indirect.gather [hbm4b:s2+s12], $0x80, s9, s12, $0xb8;
	[tilespmem:$0x1FC00] =	vst v63  }
0x166: {  	_ =	swait.ge [sflag:s17], $0x2800  }
0x167: {  	[sflag:s17] =	ssyncset.done $0x0  }
0x168: {  	s9 =	rddreg [dreg:$0x18];
	[sflag:s17] =	ssyncadd.s32 $0xFFFFD800  }
0x169: {  	[spmem:s3] =	stream.indirect.scatter.add.f32 [tilespmem:s13], [sflag:$0x5], $0x80, s9, s12, $0xb8;
	[tilespmem:$0x1FC00] =	vst v63  }
0x16a: {  	_ =	swait.ge [sflag:s10], $0x2800  }
0x16b: {  	[sflag:s10] =	ssyncset.done $0x0  }
0x16c: {  	s9 =	rddreg [dreg:$0x19];
	[sflag:s10] =	ssyncadd.s32 $0xFFFFD800  }
0x16d: {  	[tilespmem:s13], [sflag:$0x1] =	stream.indirect.gather [hbm4b:s2+s12], $0x80, s9, s12, $0xb8;
	[tilespmem:$0x1FC00] =	vst v63  }
0x16e: {  	_ =	swait.ge [sflag:s18], $0x2800  }
0x16f: {  	[sflag:s18] =	ssyncset.done $0x0  }
0x170: {  	s9 =	rddreg [dreg:$0x1a];
	[sflag:s18] =	ssyncadd.s32 $0xFFFFD800  }
0x171: {  	[spmem:s3] =	stream.indirect.scatter.add.f32 [tilespmem:s14], [sflag:$0x5], $0x80, s9, s12, $0xb8;
	[tilespmem:$0x1FC00] =	vst v63  }
0x172: {  	_ =	swait.ge [sflag:s10], $0x2800  }
0x173: {  	[sflag:s10] =	ssyncset.done $0x0  }
0x174: {  	s9 =	rddreg [dreg:$0x1b];
	[sflag:s10] =	ssyncadd.s32 $0xFFFFD800  }
0x175: {  	[tilespmem:s14], [sflag:$0x2] =	stream.indirect.gather [hbm4b:s2+s12], $0x80, s9, s12, $0xb8;
	[tilespmem:$0x1FC00] =	vst v63  }
0x176: {  	_ =	swait.ge [sflag:s19], $0x2800  }
0x177: {  	[sflag:s19] =	ssyncset.done $0x0  }
0x178: {  	s9 =	rddreg [dreg:$0x1c];
	[sflag:s19] =	ssyncadd.s32 $0xFFFFD800  }
0x179: {  	[spmem:s3] =	stream.indirect.scatter.add.f32 [tilespmem:s15], [sflag:$0x5], $0x80, s9, s12, $0xb8;
	[tilespmem:$0x1FC00] =	vst v63  }
0x17a: {  	_ =	swait.ge [sflag:s10], $0x2800  }
0x17b: {  	[sflag:s10] =	ssyncset.done $0x0  }
0x17c: {  	s9 =	rddreg [dreg:$0x1d];
	[sflag:s10] =	ssyncadd.s32 $0xFFFFD800  }
0x17d: {  	[tilespmem:s15], [sflag:$0x3] =	stream.indirect.gather [hbm4b:s2+s12], $0x80, s9, s12, $0xb8;
	[tilespmem:$0x1FC00] =	vst v63  }
0x17e: {  	_ =	swait.ge [sflag:s20], $0x2800  }
0x17f: {  	[sflag:s20] =	ssyncset.done $0x0  }
0x180: {  	s9 =	rddreg [dreg:$0x1e];
	[sflag:s20] =	ssyncadd.s32 $0xFFFFD800  }
0x181: {  	[spmem:s3] =	stream.indirect.scatter.add.f32 [tilespmem:s16], [sflag:$0x5], $0x80, s9, s12, $0xb8;
	[tilespmem:$0x1FC00] =	vst v63  }
0x182: {  	_ =	swait.ge [sflag:s10], $0x2800  }
0x183: {  	[sflag:s10] =	ssyncset.done $0x0  }
0x184: {  	s9 =	rddreg [dreg:$0x1f];
	[sflag:s10] =	ssyncadd.s32 $0xFFFFD800  }
0x185: {  	[tilespmem:s16], [sflag:$0x4] =	stream.indirect.gather [hbm4b:s2+s12], $0x80, s9, s12, $0xb8;
	[tilespmem:$0x1FC00] =	vst v63  }
0x186: {  	_ =	swait.ge [sflag:s17], $0x2800  }
0x187: {  	s9 =	sld [smem:$0x7F3]  }
0x188: {  	[sflag:s17] =	ssyncset.done $0x0  }
0x189: {  	[sflag:s17] =	ssyncadd.s32 $0xFFFFD800  }
0x18a: {  	[spmem:s3] =	stream.indirect.scatter.add.f32 [tilespmem:s13], [sflag:$0x5], $0x80, s9, s12, $0xb8;
	[tilespmem:$0x1FC00] =	vst v63  }
0x18b: {  	_ =	swait.ge [sflag:s10], $0x2800  }
0x18c: {  	s9 =	sld [smem:$0x7F4]  }
0x18d: {  	[sflag:s10] =	ssyncset.done $0x0  }
0x18e: {  	[sflag:s10] =	ssyncadd.s32 $0xFFFFD800  }
0x18f: {  	[tilespmem:s13], [sflag:$0x1] =	stream.indirect.gather [hbm4b:s2+s12], $0x80, s9, s12, $0xb8;
	[tilespmem:$0x1FC00] =	vst v63  }
0x190: {  	_ =	swait.ge [sflag:s18], $0x2800  }
0x191: {  	s9 =	sld [smem:$0x7F5]  }
0x192: {  	[sflag:s18] =	ssyncset.done $0x0  }
0x193: {  	[sflag:s18] =	ssyncadd.s32 $0xFFFFD800  }
0x194: {  	[spmem:s3] =	stream.indirect.scatter.add.f32 [tilespmem:s14], [sflag:$0x5], $0x80, s9, s12, $0xb8;
	[tilespmem:$0x1FC00] =	vst v63  }
0x195: {  	_ =	swait.ge [sflag:s10], $0x2800  }
0x196: {  	s9 =	sld [smem:$0x7F6]  }
0x197: {  	[sflag:s10] =	ssyncset.done $0x0  }
0x198: {  	[sflag:s10] =	ssyncadd.s32 $0xFFFFD800  }
0x199: {  	[tilespmem:s14], [sflag:$0x2] =	stream.indirect.gather [hbm4b:s2+s12], $0x80, s9, s12, $0xb8;
	[tilespmem:$0x1FC00] =	vst v63  }
0x19a: {  	_ =	swait.ge [sflag:s19], $0x2800  }
0x19b: {  	s9 =	sld [smem:$0x7F7]  }
0x19c: {  	[sflag:s19] =	ssyncset.done $0x0  }
0x19d: {  	[sflag:s19] =	ssyncadd.s32 $0xFFFFD800  }
0x19e: {  	[spmem:s3] =	stream.indirect.scatter.add.f32 [tilespmem:s15], [sflag:$0x5], $0x80, s9, s12, $0xb8;
	[tilespmem:$0x1FC00] =	vst v63  }
0x19f: {  	_ =	swait.ge [sflag:s10], $0x2800  }
0x1a0: {  	s9 =	sld [smem:$0x7F8]  }
0x1a1: {  	[sflag:s10] =	ssyncset.done $0x0  }
0x1a2: {  	[sflag:s10] =	ssyncadd.s32 $0xFFFFD800  }
0x1a3: {  	[tilespmem:s15], [sflag:$0x3] =	stream.indirect.gather [hbm4b:s2+s12], $0x80, s9, s12, $0xb8;
	[tilespmem:$0x1FC00] =	vst v63  }
0x1a4: {  	_ =	swait.ge [sflag:s20], $0x2800  }
0x1a5: {  	s9 =	sld [smem:$0x7F9]  }
0x1a6: {  	[sflag:s20] =	ssyncset.done $0x0  }
0x1a7: {  	[sflag:s20] =	ssyncadd.s32 $0xFFFFD800  }
0x1a8: {  	[spmem:s3] =	stream.indirect.scatter.add.f32 [tilespmem:s16], [sflag:$0x5], $0x80, s9, s12, $0xb8;
	[tilespmem:$0x1FC00] =	vst v63  }
0x1a9: {  	_ =	swait.ge [sflag:s10], $0x2800  }
0x1aa: {  	s9 =	sld [smem:$0x7FA]  }
0x1ab: {  	[sflag:s10] =	ssyncset.done $0x0  }
0x1ac: {  	[sflag:s10] =	ssyncadd.s32 $0xFFFFD800  }
0x1ad: {  	[tilespmem:s16], [sflag:$0x4] =	stream.indirect.gather [hbm4b:s2+s12], $0x80, s9, s12, $0xb8;
	[tilespmem:$0x1FC00] =	vst v63  }
0x1ae: {  	_ =	swait.ge [sflag:s17], $0x2800  }
0x1af: {  	s9 =	sld [smem:$0x7FB]  }
0x1b0: {  	[sflag:s17] =	ssyncset.done $0x0  }
0x1b1: {  	[sflag:s17] =	ssyncadd.s32 $0xFFFFD800  }
0x1b2: {  	[spmem:s3] =	stream.indirect.scatter.add.f32 [tilespmem:s13], [sflag:$0x5], $0x80, s9, s12, $0xb8;
	[tilespmem:$0x1FC00] =	vst v63  }
0x1b3: {  	_ =	swait.ge [sflag:s10], $0x2800  }
0x1b4: {  	[sflag:s10] =	ssyncset.done $0x0  }
0x1b5: {  	[sflag:s10] =	ssyncadd.s32 $0xFFFFD800  }
0x1b6: {  	[tilespmem:s13], [sflag:$0x1] =	stream.indirect.gather [hbm4b:s2+s12], $0x80, s21, s12, $0xb8;
	[tilespmem:$0x1FC00] =	vst v63  }
0x1b7: {  	_ =	swait.ge [sflag:s18], $0x2800  }
0x1b8: {  	[sflag:s18] =	ssyncset.done $0x0  }
0x1b9: {  	[sflag:s18] =	ssyncadd.s32 $0xFFFFD800  }
0x1ba: {  	[spmem:s3] =	stream.indirect.scatter.add.f32 [tilespmem:s14], [sflag:$0x5], $0x80, s22, s12, $0xb8;
	[tilespmem:$0x1FC00] =	vst v63  }
0x1bb: {  	_ =	swait.ge [sflag:s10], $0x2800  }
0x1bc: {  	[sflag:s10] =	ssyncset.done $0x0  }
0x1bd: {  	[sflag:s10] =	ssyncadd.s32 $0xFFFFD800  }
0x1be: {  	[tilespmem:s14], [sflag:$0x2] =	stream.indirect.gather [hbm4b:s2+s12], $0x80, s23, s12, $0xb8;
	[tilespmem:$0x1FC00] =	vst v63  }
0x1bf: {  	_ =	swait.ge [sflag:s19], $0x2800  }
0x1c0: {  	[sflag:s19] =	ssyncset.done $0x0  }
0x1c1: {  	[sflag:s19] =	ssyncadd.s32 $0xFFFFD800  }
0x1c2: {  	[spmem:s3] =	stream.indirect.scatter.add.f32 [tilespmem:s15], [sflag:$0x5], $0x80, s24, s12, $0xb8;
	[tilespmem:$0x1FC00] =	vst v63  }
0x1c3: {  	_ =	swait.ge [sflag:s10], $0x2800  }
0x1c4: {  	[sflag:s10] =	ssyncset.done $0x0  }
0x1c5: {  	[sflag:s10] =	ssyncadd.s32 $0xFFFFD800  }
0x1c6: {  	[tilespmem:s15], [sflag:$0x3] =	stream.indirect.gather [hbm4b:s2+s12], $0x80, s25, s12, $0xb8;
	[tilespmem:$0x1FC00] =	vst v63  }
0x1c7: {  	_ =	swait.ge [sflag:s20], $0x2800  }
0x1c8: {  	[sflag:s20] =	ssyncset.done $0x0  }
0x1c9: {  	[sflag:s20] =	ssyncadd.s32 $0xFFFFD800  }
0x1ca: {  	[spmem:s3] =	stream.indirect.scatter.add.f32 [tilespmem:s16], [sflag:$0x5], $0x80, s26, s12, $0xb8;
	[tilespmem:$0x1FC00] =	vst v63  }
0x1cb: {  	_ =	swait.ge [sflag:s10], $0x2800  }
0x1cc: {  	[sflag:s10] =	ssyncset.done $0x0  }
0x1cd: {  	[sflag:s10] =	ssyncadd.s32 $0xFFFFD800  }
0x1ce: {  	[tilespmem:s16], [sflag:$0x4] =	stream.indirect.gather [hbm4b:s2+s12], $0x80, s28, s12, $0xb8;
	[tilespmem:$0x1FC00] =	vst v63  }
0x1cf: {  	_ =	swait.ge [sflag:s17], $0x2800  }
0x1d0: {  	[sflag:s17] =	ssyncset.done $0x0  }
0x1d1: {  	[sflag:s17] =	ssyncadd.s32 $0xFFFFD800  }
0x1d2: {  	[spmem:s3] =	stream.indirect.scatter.add.f32 [tilespmem:s13], [sflag:$0x5], $0x80, s29, s12, $0xb8;
	[tilespmem:$0x1FC00] =	vst v63  }
0x1d3: {  	_ =	swait.ge [sflag:s10], $0x2800  }
0x1d4: {  	[sflag:s10] =	ssyncset.done $0x0  }
0x1d5: {  	[sflag:s10] =	ssyncadd.s32 $0xFFFFD800  }
0x1d6: {  	[tilespmem:s13], [sflag:$0x1] =	stream.indirect.gather [hbm4b:s2+s12], $0x80, s30, s12, $0xb8;
	[tilespmem:$0x1FC00] =	vst v63  }
0x1d7: {  	_ =	swait.ge [sflag:s18], $0x2800  }
0x1d8: {  	[sflag:s18] =	ssyncset.done $0x0  }
0x1d9: {  	[sflag:s18] =	ssyncadd.s32 $0xFFFFD800  }
0x1da: {  	[spmem:s3] =	stream.indirect.scatter.add.f32 [tilespmem:s14], [sflag:$0x5], $0x80, s31, s12, $0xb8;
	[tilespmem:$0x1FC00] =	vst v63  }
0x1db: {  	_ =	swait.ge [sflag:s10], $0x2800  }
0x1dc: {  	[sflag:s10] =	ssyncset.done $0x0  }
0x1dd: {  	[sflag:s10] =	ssyncadd.s32 $0xFFFFD800  }
0x1de: {  	_ =	swait.ge [sflag:s19], $0x2800  }
0x1df: {  	[sflag:s19] =	ssyncset.done $0x0  }
0x1e0: {  	[sflag:s19] =	ssyncadd.s32 $0xFFFFD800  }
0x1e1: {  	[spmem:s3] =	stream.indirect.scatter.add.f32 [tilespmem:s15], [sflag:$0x5], $0x80, s1, s12, $0xb8;
	[tilespmem:$0x1FC00] =	vst v63  }
0x1e2: {  	_ =	swait.ge [sflag:s10], $0x2800  }
0x1e3: {  	[sflag:s10] =	ssyncset.done $0x0  }
0x1e4: {  	[sflag:s10] =	ssyncadd.s32 $0xFFFFD800  }
0x1e5: {  	_ =	swait.ge [sflag:s20], $0x2800  }
0x1e6: {  	[sflag:s20] =	ssyncset.done $0x0  }
0x1e7: {  	[sflag:s20] =	ssyncadd.s32 $0xFFFFD800  }
0x1e8: {  	[spmem:s3] =	stream.indirect.scatter.add.f32 [tilespmem:s16], [sflag:$0x5], $0x80, s0, s12, $0xb8;
	[tilespmem:$0x1FC00] =	vst v63  }
0x1e9: {  	_ =	swait.ge [sflag:s10], $0x2800  }
0x1ea: {  	[sflag:s10] =	ssyncset.done $0x0  }
0x1eb: {  	[sflag:s10] =	ssyncadd.s32 $0xFFFFD800  }
0x1ec: {  	p0 =	sne.s32 s6, $0x800;
	_ =	swait.ge [sflag:s17], $0x2800  }
.Ltmp0:
0x1ed: {  	[sflag:s17] =	ssyncset.done $0x0;
	(pc) =	sbr.rel @p0 .LBB2_2-.Ltmp0, $4  }
0x1ee: {  	[sflag:s17] =	ssyncadd.s32 $0xFFFFD800  }
0x1ef: {  	[spmem:s3] =	stream.indirect.scatter.add.f32 [tilespmem:s13], [sflag:$0x5], $0x80, s5, s12, $0xb8;
	[tilespmem:$0x1FC00] =	vst v63  }
0x1f0: {  	_ =	swait.ge [sflag:s10], $0x2800  }
0x1f1: {  	s6 =	sadd.s32 $0x200, s6;
	s9 =	rddreg [dreg:$0x5];
	[sflag:s10] =	ssyncset.done $0x0  }
0x1f2: {  	[sflag:s10] =	ssyncadd.s32 $0xFFFFD800;
	s6 =	sadd.s32 s8, s9  }
0x1f3: {  	[tilespmem:s4], [sflag:$0x5] =	stream.linear.gather [hbm4b:s6+s4], $0xC80, $0x38;
	[tilespmem:$0x1FC00] =	vst v63  }
0x1f4: {  	_ =	swait.ge [sflag:s10], $0xC80  }
0x1f5: {  	s7 =	rddreg [dreg:$0x4];
	[sflag:s10] =	ssyncset.done $0x0  }
0x1f6: {  	[sflag:s10] =	ssyncadd.s32 $0xFFFFF380;
	s6 =	sadd.s32 s8, s7  }
0x1f7: {  	[tilespmem:s11], [sflag:$0x5] =	stream.linear.gather [hbm4b:s6+s4], $0xC80, $0x38;
	[tilespmem:$0x1FC00] =	vst v63  }
0x1f8: {  	_ =	swait.ge [sflag:s10], $0xC80  }
0x1f9: {  	[sflag:s10] =	ssyncset.done $0x0  }
0x1fa: {  	[sflag:s10] =	ssyncadd.s32 $0xFFFFF380  }
0x1fb: {  	[tilespmem:s13], [sflag:$0x1] =	stream.indirect.gather [hbm4b:s2+s12], $0x80, s4, s12, $0xb8;
	[tilespmem:$0x1FC00] =	vst v63  }
0x1fc: {  	s8 =	rddreg [dreg:$0x6]  }
0x1fd: {  	[tilespmem:s14], [sflag:$0x2] =	stream.indirect.gather [hbm4b:s2+s12], $0x80, s8, s12, $0xb8;
	[tilespmem:$0x1FC00] =	vst v63  }
0x1fe: {  	s7 =	rddreg [dreg:$0x7]  }
0x1ff: {  	[tilespmem:s15], [sflag:$0x3] =	stream.indirect.gather [hbm4b:s2+s12], $0x80, s7, s12, $0xb8;
	[tilespmem:$0x1FC00] =	vst v63  }
0x200: {  	s9 =	rddreg [dreg:$0x8]  }
0x201: {  	[tilespmem:s16], [sflag:$0x4] =	stream.indirect.gather [hbm4b:s2+s12], $0x80, s9, s12, $0xb8;
	[tilespmem:$0x1FC00] =	vst v63  }
0x202: {  	_ =	swait.ge [sflag:s17], $0x2800  }
0x203: {  	[sflag:s17] =	ssyncset.done $0x0  }
0x204: {  	[sflag:s17] =	ssyncadd.s32 $0xFFFFD800  }
0x205: {  	[spmem:s3] =	stream.indirect.scatter.add.f32 [tilespmem:s13], [sflag:$0x5], $0x80, s11, s12, $0xb8;
	[tilespmem:$0x1FC00] =	vst v63  }
0x206: {  	_ =	swait.ge [sflag:s10], $0x2800  }
0x207: {  	[sflag:s10] =	ssyncset.done $0x0  }
0x208: {  	s7 =	rddreg [dreg:$0x9];
	[sflag:s10] =	ssyncadd.s32 $0xFFFFD800  }
0x209: {  	[tilespmem:s13], [sflag:$0x1] =	stream.indirect.gather [hbm4b:s2+s12], $0x80, s7, s12, $0xb8;
	[tilespmem:$0x1FC00] =	vst v63  }
0x20a: {  	_ =	swait.ge [sflag:s18], $0x2800  }
0x20b: {  	[sflag:s18] =	ssyncset.done $0x0  }
0x20c: {  	s8 =	rddreg [dreg:$0xa];
	[sflag:s18] =	ssyncadd.s32 $0xFFFFD800  }
0x20d: {  	[spmem:s3] =	stream.indirect.scatter.add.f32 [tilespmem:s14], [sflag:$0x5], $0x80, s8, s12, $0xb8;
	[tilespmem:$0x1FC00] =	vst v63  }
0x20e: {  	_ =	swait.ge [sflag:s10], $0x2800  }
0x20f: {  	[sflag:s10] =	ssyncset.done $0x0  }
0x210: {  	s9 =	rddreg [dreg:$0xb];
	[sflag:s10] =	ssyncadd.s32 $0xFFFFD800  }
0x211: {  	[tilespmem:s14], [sflag:$0x2] =	stream.indirect.gather [hbm4b:s2+s12], $0x80, s9, s12, $0xb8;
	[tilespmem:$0x1FC00] =	vst v63  }
0x212: {  	_ =	swait.ge [sflag:s19], $0x2800  }
0x213: {  	[sflag:s19] =	ssyncset.done $0x0  }
0x214: {  	s7 =	rddreg [dreg:$0xc];
	[sflag:s19] =	ssyncadd.s32 $0xFFFFD800  }
0x215: {  	[spmem:s3] =	stream.indirect.scatter.add.f32 [tilespmem:s15], [sflag:$0x5], $0x80, s7, s12, $0xb8;
	[tilespmem:$0x1FC00] =	vst v63  }
0x216: {  	_ =	swait.ge [sflag:s10], $0x2800  }
0x217: {  	[sflag:s10] =	ssyncset.done $0x0  }
0x218: {  	s8 =	rddreg [dreg:$0xd];
	[sflag:s10] =	ssyncadd.s32 $0xFFFFD800  }
0x219: {  	[tilespmem:s15], [sflag:$0x3] =	stream.indirect.gather [hbm4b:s2+s12], $0x80, s8, s12, $0xb8;
	[tilespmem:$0x1FC00] =	vst v63  }
0x21a: {  	_ =	swait.ge [sflag:s20], $0x2800  }
0x21b: {  	[sflag:s20] =	ssyncset.done $0x0  }
0x21c: {  	s9 =	rddreg [dreg:$0xe];
	[sflag:s20] =	ssyncadd.s32 $0xFFFFD800  }
0x21d: {  	[spmem:s3] =	stream.indirect.scatter.add.f32 [tilespmem:s16], [sflag:$0x5], $0x80, s9, s12, $0xb8;
	[tilespmem:$0x1FC00] =	vst v63  }
0x21e: {  	_ =	swait.ge [sflag:s10], $0x2800  }
0x21f: {  	[sflag:s10] =	ssyncset.done $0x0  }
0x220: {  	s7 =	rddreg [dreg:$0xf];
	[sflag:s10] =	ssyncadd.s32 $0xFFFFD800  }
0x221: {  	[tilespmem:s16], [sflag:$0x4] =	stream.indirect.gather [hbm4b:s2+s12], $0x80, s7, s12, $0xb8;
	[tilespmem:$0x1FC00] =	vst v63  }
0x222: {  	_ =	swait.ge [sflag:s17], $0x2800  }
0x223: {  	[sflag:s17] =	ssyncset.done $0x0  }
0x224: {  	s8 =	rddreg [dreg:$0x10];
	[sflag:s17] =	ssyncadd.s32 $0xFFFFD800  }
0x225: {  	[spmem:s3] =	stream.indirect.scatter.add.f32 [tilespmem:s13], [sflag:$0x5], $0x80, s8, s12, $0xb8;
	[tilespmem:$0x1FC00] =	vst v63  }
0x226: {  	_ =	swait.ge [sflag:s10], $0x2800  }
0x227: {  	[sflag:s10] =	ssyncset.done $0x0  }
0x228: {  	s9 =	rddreg [dreg:$0x11];
	[sflag:s10] =	ssyncadd.s32 $0xFFFFD800  }
0x229: {  	[tilespmem:s13], [sflag:$0x1] =	stream.indirect.gather [hbm4b:s2+s12], $0x80, s9, s12, $0xb8;
	[tilespmem:$0x1FC00] =	vst v63  }
0x22a: {  	_ =	swait.ge [sflag:s18], $0x2800  }
0x22b: {  	[sflag:s18] =	ssyncset.done $0x0  }
0x22c: {  	s7 =	rddreg [dreg:$0x12];
	[sflag:s18] =	ssyncadd.s32 $0xFFFFD800  }
0x22d: {  	[spmem:s3] =	stream.indirect.scatter.add.f32 [tilespmem:s14], [sflag:$0x5], $0x80, s7, s12, $0xb8;
	[tilespmem:$0x1FC00] =	vst v63  }
0x22e: {  	_ =	swait.ge [sflag:s10], $0x2800  }
0x22f: {  	[sflag:s10] =	ssyncset.done $0x0  }
0x230: {  	s8 =	rddreg [dreg:$0x13];
	[sflag:s10] =	ssyncadd.s32 $0xFFFFD800  }
0x231: {  	[tilespmem:s14], [sflag:$0x2] =	stream.indirect.gather [hbm4b:s2+s12], $0x80, s8, s12, $0xb8;
	[tilespmem:$0x1FC00] =	vst v63  }
0x232: {  	_ =	swait.ge [sflag:s19], $0x2800  }
0x233: {  	[sflag:s19] =	ssyncset.done $0x0  }
0x234: {  	s9 =	rddreg [dreg:$0x14];
	[sflag:s19] =	ssyncadd.s32 $0xFFFFD800  }
0x235: {  	[spmem:s3] =	stream.indirect.scatter.add.f32 [tilespmem:s15], [sflag:$0x5], $0x80, s9, s12, $0xb8;
	[tilespmem:$0x1FC00] =	vst v63  }
0x236: {  	_ =	swait.ge [sflag:s10], $0x2800  }
0x237: {  	[sflag:s10] =	ssyncset.done $0x0  }
0x238: {  	s7 =	rddreg [dreg:$0x15];
	[sflag:s10] =	ssyncadd.s32 $0xFFFFD800  }
0x239: {  	[tilespmem:s15], [sflag:$0x3] =	stream.indirect.gather [hbm4b:s2+s12], $0x80, s7, s12, $0xb8;
	[tilespmem:$0x1FC00] =	vst v63  }
0x23a: {  	_ =	swait.ge [sflag:s20], $0x2800  }
0x23b: {  	[sflag:s20] =	ssyncset.done $0x0  }
0x23c: {  	s8 =	rddreg [dreg:$0x16];
	[sflag:s20] =	ssyncadd.s32 $0xFFFFD800  }
0x23d: {  	[spmem:s3] =	stream.indirect.scatter.add.f32 [tilespmem:s16], [sflag:$0x5], $0x80, s8, s12, $0xb8;
	[tilespmem:$0x1FC00] =	vst v63  }
0x23e: {  	_ =	swait.ge [sflag:s10], $0x2800  }
0x23f: {  	[sflag:s10] =	ssyncset.done $0x0  }
0x240: {  	s9 =	rddreg [dreg:$0x17];
	[sflag:s10] =	ssyncadd.s32 $0xFFFFD800  }
0x241: {  	[tilespmem:s16], [sflag:$0x4] =	stream.indirect.gather [hbm4b:s2+s12], $0x80, s9, s12, $0xb8;
	[tilespmem:$0x1FC00] =	vst v63  }
0x242: {  	_ =	swait.ge [sflag:s17], $0x2800  }
0x243: {  	[sflag:s17] =	ssyncset.done $0x0  }
0x244: {  	s7 =	rddreg [dreg:$0x18];
	[sflag:s17] =	ssyncadd.s32 $0xFFFFD800  }
0x245: {  	[spmem:s3] =	stream.indirect.scatter.add.f32 [tilespmem:s13], [sflag:$0x5], $0x80, s7, s12, $0xb8;
	[tilespmem:$0x1FC00] =	vst v63  }
0x246: {  	_ =	swait.ge [sflag:s10], $0x2800  }
0x247: {  	[sflag:s10] =	ssyncset.done $0x0  }
0x248: {  	s8 =	rddreg [dreg:$0x19];
	[sflag:s10] =	ssyncadd.s32 $0xFFFFD800  }
0x249: {  	[tilespmem:s13], [sflag:$0x1] =	stream.indirect.gather [hbm4b:s2+s12], $0x80, s8, s12, $0xb8;
	[tilespmem:$0x1FC00] =	vst v63  }
0x24a: {  	_ =	swait.ge [sflag:s18], $0x2800  }
0x24b: {  	[sflag:s18] =	ssyncset.done $0x0  }
0x24c: {  	s9 =	rddreg [dreg:$0x1a];
	[sflag:s18] =	ssyncadd.s32 $0xFFFFD800  }
0x24d: {  	[spmem:s3] =	stream.indirect.scatter.add.f32 [tilespmem:s14], [sflag:$0x5], $0x80, s9, s12, $0xb8;
	[tilespmem:$0x1FC00] =	vst v63  }
0x24e: {  	_ =	swait.ge [sflag:s10], $0x2800  }
0x24f: {  	[sflag:s10] =	ssyncset.done $0x0  }
0x250: {  	s7 =	rddreg [dreg:$0x1b];
	[sflag:s10] =	ssyncadd.s32 $0xFFFFD800  }
0x251: {  	[tilespmem:s14], [sflag:$0x2] =	stream.indirect.gather [hbm4b:s2+s12], $0x80, s7, s12, $0xb8;
	[tilespmem:$0x1FC00] =	vst v63  }
0x252: {  	_ =	swait.ge [sflag:s19], $0x2800  }
0x253: {  	[sflag:s19] =	ssyncset.done $0x0  }
0x254: {  	s8 =	rddreg [dreg:$0x1c];
	[sflag:s19] =	ssyncadd.s32 $0xFFFFD800  }
0x255: {  	[spmem:s3] =	stream.indirect.scatter.add.f32 [tilespmem:s15], [sflag:$0x5], $0x80, s8, s12, $0xb8;
	[tilespmem:$0x1FC00] =	vst v63  }
0x256: {  	_ =	swait.ge [sflag:s10], $0x2800  }
0x257: {  	[sflag:s10] =	ssyncset.done $0x0  }
0x258: {  	s9 =	rddreg [dreg:$0x1d];
	[sflag:s10] =	ssyncadd.s32 $0xFFFFD800  }
0x259: {  	[tilespmem:s15], [sflag:$0x3] =	stream.indirect.gather [hbm4b:s2+s12], $0x80, s9, s12, $0xb8;
	[tilespmem:$0x1FC00] =	vst v63  }
0x25a: {  	_ =	swait.ge [sflag:s20], $0x2800  }
0x25b: {  	[sflag:s20] =	ssyncset.done $0x0  }
0x25c: {  	s7 =	rddreg [dreg:$0x1e];
	[sflag:s20] =	ssyncadd.s32 $0xFFFFD800  }
0x25d: {  	[spmem:s3] =	stream.indirect.scatter.add.f32 [tilespmem:s16], [sflag:$0x5], $0x80, s7, s12, $0xb8;
	[tilespmem:$0x1FC00] =	vst v63  }
0x25e: {  	_ =	swait.ge [sflag:s10], $0x2800  }
0x25f: {  	[sflag:s10] =	ssyncset.done $0x0  }
0x260: {  	s8 =	rddreg [dreg:$0x1f];
	[sflag:s10] =	ssyncadd.s32 $0xFFFFD800  }
0x261: {  	[tilespmem:s16], [sflag:$0x4] =	stream.indirect.gather [hbm4b:s2+s12], $0x80, s8, s12, $0xb8;
	[tilespmem:$0x1FC00] =	vst v63  }
0x262: {  	_ =	swait.ge [sflag:s17], $0x2800  }
0x263: {  	s9 =	sld [smem:$0x7F3]  }
0x264: {  	[sflag:s17] =	ssyncset.done $0x0  }
0x265: {  	[sflag:s17] =	ssyncadd.s32 $0xFFFFD800  }
0x266: {  	[spmem:s3] =	stream.indirect.scatter.add.f32 [tilespmem:s13], [sflag:$0x5], $0x80, s9, s12, $0xb8;
	[tilespmem:$0x1FC00] =	vst v63  }
0x267: {  	_ =	swait.ge [sflag:s10], $0x2800  }
0x268: {  	s7 =	sld [smem:$0x7F4]  }
0x269: {  	[sflag:s10] =	ssyncset.done $0x0  }
0x26a: {  	[sflag:s10] =	ssyncadd.s32 $0xFFFFD800  }
0x26b: {  	[tilespmem:s13], [sflag:$0x1] =	stream.indirect.gather [hbm4b:s2+s12], $0x80, s7, s12, $0xb8;
	[tilespmem:$0x1FC00] =	vst v63  }
0x26c: {  	_ =	swait.ge [sflag:s18], $0x2800  }
0x26d: {  	s8 =	sld [smem:$0x7F5]  }
0x26e: {  	[sflag:s18] =	ssyncset.done $0x0  }
0x26f: {  	[sflag:s18] =	ssyncadd.s32 $0xFFFFD800  }
0x270: {  	[spmem:s3] =	stream.indirect.scatter.add.f32 [tilespmem:s14], [sflag:$0x5], $0x80, s8, s12, $0xb8;
	[tilespmem:$0x1FC00] =	vst v63  }
0x271: {  	_ =	swait.ge [sflag:s10], $0x2800  }
0x272: {  	s9 =	sld [smem:$0x7F6]  }
0x273: {  	[sflag:s10] =	ssyncset.done $0x0  }
0x274: {  	[sflag:s10] =	ssyncadd.s32 $0xFFFFD800  }
0x275: {  	[tilespmem:s14], [sflag:$0x2] =	stream.indirect.gather [hbm4b:s2+s12], $0x80, s9, s12, $0xb8;
	[tilespmem:$0x1FC00] =	vst v63  }
0x276: {  	_ =	swait.ge [sflag:s19], $0x2800  }
0x277: {  	s7 =	sld [smem:$0x7F7]  }
0x278: {  	[sflag:s19] =	ssyncset.done $0x0  }
0x279: {  	[sflag:s19] =	ssyncadd.s32 $0xFFFFD800  }
0x27a: {  	[spmem:s3] =	stream.indirect.scatter.add.f32 [tilespmem:s15], [sflag:$0x5], $0x80, s7, s12, $0xb8;
	[tilespmem:$0x1FC00] =	vst v63  }
0x27b: {  	_ =	swait.ge [sflag:s10], $0x2800  }
0x27c: {  	s8 =	sld [smem:$0x7F8]  }
0x27d: {  	[sflag:s10] =	ssyncset.done $0x0  }
0x27e: {  	[sflag:s10] =	ssyncadd.s32 $0xFFFFD800  }
0x27f: {  	[tilespmem:s15], [sflag:$0x3] =	stream.indirect.gather [hbm4b:s2+s12], $0x80, s8, s12, $0xb8;
	[tilespmem:$0x1FC00] =	vst v63  }
0x280: {  	_ =	swait.ge [sflag:s20], $0x2800  }
0x281: {  	s9 =	sld [smem:$0x7F9]  }
0x282: {  	[sflag:s20] =	ssyncset.done $0x0  }
0x283: {  	[sflag:s20] =	ssyncadd.s32 $0xFFFFD800  }
0x284: {  	[spmem:s3] =	stream.indirect.scatter.add.f32 [tilespmem:s16], [sflag:$0x5], $0x80, s9, s12, $0xb8;
	[tilespmem:$0x1FC00] =	vst v63  }
0x285: {  	_ =	swait.ge [sflag:s10], $0x2800  }
0x286: {  	s7 =	sld [smem:$0x7FA]  }
0x287: {  	[sflag:s10] =	ssyncset.done $0x0  }
0x288: {  	[sflag:s10] =	ssyncadd.s32 $0xFFFFD800  }
0x289: {  	[tilespmem:s16], [sflag:$0x4] =	stream.indirect.gather [hbm4b:s2+s12], $0x80, s7, s12, $0xb8;
	[tilespmem:$0x1FC00] =	vst v63  }
0x28a: {  	_ =	swait.ge [sflag:s17], $0x2800  }
0x28b: {  	s8 =	sld [smem:$0x7FB]  }
0x28c: {  	[sflag:s17] =	ssyncset.done $0x0  }
0x28d: {  	[sflag:s17] =	ssyncadd.s32 $0xFFFFD800  }
0x28e: {  	[spmem:s3] =	stream.indirect.scatter.add.f32 [tilespmem:s13], [sflag:$0x5], $0x80, s8, s12, $0xb8;
	[tilespmem:$0x1FC00] =	vst v63  }
0x28f: {  	_ =	swait.ge [sflag:s10], $0x2800  }
0x290: {  	[sflag:s10] =	ssyncset.done $0x0  }
0x291: {  	[sflag:s10] =	ssyncadd.s32 $0xFFFFD800  }
0x292: {  	[tilespmem:s13], [sflag:$0x1] =	stream.indirect.gather [hbm4b:s2+s12], $0x80, s21, s12, $0xb8;
	[tilespmem:$0x1FC00] =	vst v63  }
0x293: {  	_ =	swait.ge [sflag:s18], $0x2800  }
0x294: {  	[sflag:s18] =	ssyncset.done $0x0  }
0x295: {  	[sflag:s18] =	ssyncadd.s32 $0xFFFFD800  }
0x296: {  	[spmem:s3] =	stream.indirect.scatter.add.f32 [tilespmem:s14], [sflag:$0x5], $0x80, s22, s12, $0xb8;
	[tilespmem:$0x1FC00] =	vst v63  }
0x297: {  	_ =	swait.ge [sflag:s10], $0x2800  }
0x298: {  	[sflag:s10] =	ssyncset.done $0x0  }
0x299: {  	[sflag:s10] =	ssyncadd.s32 $0xFFFFD800  }
0x29a: {  	[tilespmem:s14], [sflag:$0x2] =	stream.indirect.gather [hbm4b:s2+s12], $0x80, s23, s12, $0xb8;
	[tilespmem:$0x1FC00] =	vst v63  }
0x29b: {  	_ =	swait.ge [sflag:s19], $0x2800  }
0x29c: {  	[sflag:s19] =	ssyncset.done $0x0  }
0x29d: {  	[sflag:s19] =	ssyncadd.s32 $0xFFFFD800  }
0x29e: {  	[spmem:s3] =	stream.indirect.scatter.add.f32 [tilespmem:s15], [sflag:$0x5], $0x80, s24, s12, $0xb8;
	[tilespmem:$0x1FC00] =	vst v63  }
0x29f: {  	_ =	swait.ge [sflag:s10], $0x2800  }
0x2a0: {  	[sflag:s10] =	ssyncset.done $0x0  }
0x2a1: {  	[sflag:s10] =	ssyncadd.s32 $0xFFFFD800  }
0x2a2: {  	[tilespmem:s15], [sflag:$0x3] =	stream.indirect.gather [hbm4b:s2+s12], $0x80, s25, s12, $0xb8;
	[tilespmem:$0x1FC00] =	vst v63  }
0x2a3: {  	_ =	swait.ge [sflag:s20], $0x2800  }
0x2a4: {  	[sflag:s20] =	ssyncset.done $0x0  }
0x2a5: {  	[sflag:s20] =	ssyncadd.s32 $0xFFFFD800  }
0x2a6: {  	[spmem:s3] =	stream.indirect.scatter.add.f32 [tilespmem:s16], [sflag:$0x5], $0x80, s26, s12, $0xb8;
	[tilespmem:$0x1FC00] =	vst v63  }
0x2a7: {  	_ =	swait.ge [sflag:s10], $0x2800  }
0x2a8: {  	[sflag:s10] =	ssyncset.done $0x0  }
0x2a9: {  	[sflag:s10] =	ssyncadd.s32 $0xFFFFD800  }
0x2aa: {  	[tilespmem:s16], [sflag:$0x4] =	stream.indirect.gather [hbm4b:s2+s12], $0x80, s28, s12, $0xb8;
	[tilespmem:$0x1FC00] =	vst v63  }
0x2ab: {  	_ =	swait.ge [sflag:s17], $0x2800  }
0x2ac: {  	[sflag:s17] =	ssyncset.done $0x0  }
0x2ad: {  	[sflag:s17] =	ssyncadd.s32 $0xFFFFD800  }
0x2ae: {  	[spmem:s3] =	stream.indirect.scatter.add.f32 [tilespmem:s13], [sflag:$0x5], $0x80, s29, s12, $0xb8;
	[tilespmem:$0x1FC00] =	vst v63  }
0x2af: {  	_ =	swait.ge [sflag:s10], $0x2800  }
0x2b0: {  	[sflag:s10] =	ssyncset.done $0x0  }
0x2b1: {  	[sflag:s10] =	ssyncadd.s32 $0xFFFFD800  }
0x2b2: {  	[tilespmem:s13], [sflag:$0x1] =	stream.indirect.gather [hbm4b:s2+s12], $0x80, s30, s12, $0xb8;
	[tilespmem:$0x1FC00] =	vst v63  }
0x2b3: {  	_ =	swait.ge [sflag:s18], $0x2800  }
0x2b4: {  	[sflag:s18] =	ssyncset.done $0x0  }
0x2b5: {  	[sflag:s18] =	ssyncadd.s32 $0xFFFFD800  }
0x2b6: {  	[spmem:s3] =	stream.indirect.scatter.add.f32 [tilespmem:s14], [sflag:$0x5], $0x80, s31, s12, $0xb8;
	[tilespmem:$0x1FC00] =	vst v63  }
0x2b7: {  	_ =	swait.ge [sflag:s10], $0x2800  }
0x2b8: {  	[sflag:s10] =	ssyncset.done $0x0  }
0x2b9: {  	[sflag:s10] =	ssyncadd.s32 $0xFFFFD800  }
0x2ba: {  	_ =	swait.ge [sflag:s19], $0x2800  }
0x2bb: {  	[sflag:s19] =	ssyncset.done $0x0  }
0x2bc: {  	[sflag:s19] =	ssyncadd.s32 $0xFFFFD800  }
0x2bd: {  	[spmem:s3] =	stream.indirect.scatter.add.f32 [tilespmem:s15], [sflag:$0x5], $0x80, s1, s12, $0xb8;
	[tilespmem:$0x1FC00] =	vst v63  }
0x2be: {  	_ =	swait.ge [sflag:s10], $0x2800  }
0x2bf: {  	[sflag:s10] =	ssyncset.done $0x0  }
0x2c0: {  	[sflag:s10] =	ssyncadd.s32 $0xFFFFD800  }
0x2c1: {  	_ =	swait.ge [sflag:s20], $0x2800  }
0x2c2: {  	[sflag:s20] =	ssyncset.done $0x0  }
0x2c3: {  	[sflag:s20] =	ssyncadd.s32 $0xFFFFD800  }
0x2c4: {  	[spmem:s3] =	stream.indirect.scatter.add.f32 [tilespmem:s16], [sflag:$0x5], $0x80, s0, s12, $0xb8;
	[tilespmem:$0x1FC00] =	vst v63  }
0x2c5: {  	_ =	swait.ge [sflag:s10], $0x2800  }
0x2c6: {  	[sflag:s10] =	ssyncset.done $0x0  }
0x2c7: {  	[sflag:s10] =	ssyncadd.s32 $0xFFFFD800  }
0x2c8: {  	_ =	swait.ge [sflag:s17], $0x2800  }
0x2c9: {  	[sflag:s17] =	ssyncset.done $0x0  }
0x2ca: {  	[sflag:s17] =	ssyncadd.s32 $0xFFFFD800  }
0x2cb: {  	[spmem:s3] =	stream.indirect.scatter.add.f32 [tilespmem:s13], [sflag:$0x5], $0x80, s5, s12, $0xb8;
	[tilespmem:$0x1FC00] =	vst v63  }
0x2cc: {  	_ =	swait.ge [sflag:s10], $0x2800  }
0x2cd: {  	[sflag:s10] =	ssyncset.done $0x0  }
0x2ce: {  	[sflag:s10] =	ssyncadd.s32 $0xFFFFD800  }
0x2cf: {  	[bflag:$0x0] =	sbarrier.arrive $0xFFFF  }
0x2d0: {  	s7 =	sld [smem:$0x7FC]  }
0x2d1: {  	s9 =	sld [smem:$0x7F1]  }
0x2d2: {  	s8 =	sld [smem:$0x7FD];
	_ =	sdelay $0x2  }
0x2d3: {  	[hbm:s9], [sflag:s7] =	dma.local [spmem:s8], $0x2780  }
0x2d4: {  	_ =	swait.ge [sflag:s10], $0x2780  }
0x2d5: {  	s6 =	sld [smem:$0x7EF];
	_ =	sdelay $0x2  }
0x2d6: {  	s9 =	sadd.s32 $0x1, s6;
	s6 =	sld [smem:$0x7F2];
	_ =	sdelay $0x2  }
0x2d7: {  	p0 =	sne.s32 s9, s6  }
.Ltmp1:
0x2d8: {  	_ = 	snop;
	(pc) =	sbr.rel @p0 .LBB2_1-.Ltmp1, $3  }
0x2d9: {  	_ =	sdelay $0x1  }
0x2da: {  	[sflag:s10] =	ssyncset.done $0x0  }
0x2db: {  	[sflag:s10] =	ssyncadd.s32 $0xFFFFD880  }
0x2dc: {  	_ =	sfence.sel $0x180000  }
0x2dd: {  	[bflag:$0x0] =	sbarrier.arrive $0xFFFF  }
0x2de: {  	_ =	strace $0x90000047  }
0x2df: {  	s0 =	stileid.u32;
	[bflag:$0x2] =	sbarrier.arrive $0xFFFF  }
0x2e0: {  	p0 =	sne.s32 s0, $0x0;
	s0 =	rddreg [dreg:$0x3]  }
0x2e1: {  	s0 =	sadd.s32 @!p0 $0x100000, s0  }
0x2e2: {  	[sflag:s0] =	ssyncadd.tile.s32 @!p0 $0x1;
	_ =	shalt  }
.Lfunc_end2:
_tile_overlayer_lowered:
.L_overlay_start_2:
0x2e3: {  	(tag) =	ssettag $0x2  }
0x2e4: {  	s0 =	rddreg [dreg:$0x0];
	s2 =	stileid.u32  }
0x2e5: {  	s1 =	rddreg [dreg:$0x1];
	p0 =	sne.s32 s2, $0x0  }
0x2e6: {  	s3 =	rddreg [dreg:$0x2];
	[bflag:$0x3] =	sbarrier.arrive $0xFFFF;
	s2 =	simm.s32 @!p0 $0x1C05  }
0x2e7: {  	[timem:s3], [sflag:s2] =	dma.local @!p0 [hbm:s0], s1  }
0x2e8: {  	s0 =	simm.s32 @!p0 $0x5  }
0x2e9: {  	_ =	swait.ge @!p0 [sflag:s0], s1  }
0x2ea: {  	s1 =	ssub.s32 @!p0 $0x0, s1;
	[sflag:s0] =	ssyncset.done @!p0 $0x0  }
0x2eb: {  	[sflag:s0] =	ssyncadd.s32 @!p0 s1  }
0x2ec: {  	[bflag:$0x3] =	sbarrier.arrive $0xFFFF  }
0x2ed: {  	_ =	shalt  }

</sc_bundles>
